<compile_context>
chip_gen: v7x
topology: tpu7x:2x2x1
jax: 0.10.2.dev20260603
libtpu: 0.0.44.dev20260713+nightly
codegen_flags: <defaults>
</compile_context>

<pallas_src>
import functools

import jax
import jax.numpy as jnp
from jax import lax
from jax.experimental import pallas as pl
from jax.experimental.pallas import tpu as pltpu
from jax.experimental.pallas import tpu_sc as plsc

B = 64
L = 512
D = 768
NLANE = 16
NCHUNK = D // NLANE
NC = 2
NS = 16
STRIP = L // (NC * NS)
EPS = 1e-5


_PIB = lax.GatherScatterMode.PROMISE_IN_BOUNDS


_GDN = lax.GatherDimensionNumbers(
    offset_dims=(), collapsed_slice_dims=(0,), start_index_map=(0,))


def _gather16(v, idx):
    return lax.gather(v, idx[:, None], _GDN, slice_sizes=(1,), mode=_PIB)


def _lanesum(v, lane):
    for sh in (8, 4, 2, 1):
        v = v + _gather16(v, lane ^ sh)
    return v


def _rsqrt_vec(v):
    i = lax.bitcast_convert_type(v, jnp.int32)
    i = jnp.int32(0x5F3759DF) - lax.shift_right_arithmetic(i, 1)
    y = lax.bitcast_convert_type(i, jnp.float32)
    half = v * 0.5
    for _ in range(3):
        y = y * (1.5 - half * y * y)
    return y


def _bert_embed_sc(x_hbm, seg_hbm, tok_hbm, pos_hbm, segt_hbm, gamma_hbm,
                   beta_hbm, out_hbm, xb, sb, posb, segtb, gmb, btb, comb,
                   rows, gsem):
    w = lax.axis_index("s") * NC + lax.axis_index("c")
    p0 = w * STRIP

    pltpu.sync_copy(pos_hbm.at[pl.ds(p0, STRIP), :], posb)
    pltpu.sync_copy(segt_hbm, segtb)
    pltpu.sync_copy(gamma_hbm, gmb)
    pltpu.sync_copy(beta_hbm, btb)

    def build_comb(p, _):
        def build_c(c, _):
            off = c * NLANE
            pv = posb[p, pl.ds(off, NLANE)]
            for s in range(3):
                comb[s * STRIP + p, pl.ds(off, NLANE)] = (
                    pv + segtb[s, pl.ds(off, NLANE)])
            return 0
        lax.fori_loop(0, NCHUNK, build_c, 0)
        return 0
    lax.fori_loop(0, STRIP, build_comb, 0)

    lane = lax.iota(jnp.int32, NLANE)

    def seq_body(b, _):
        pltpu.sync_copy(x_hbm.at[pl.ds(b * L + p0, STRIP)], xb)
        pltpu.sync_copy(seg_hbm.at[pl.ds(b * L + p0, STRIP)], sb)
        pltpu.async_copy(tok_hbm.at[xb], rows, gsem).wait()

        sv = sb[...]

        def row_body(r, _):
            rot = _gather16(sv, (lane + r) & (NLANE - 1))
            q = rot[0] * STRIP + r
            acc = jnp.zeros((NLANE,), jnp.float32)
            acc2 = jnp.zeros((NLANE,), jnp.float32)
            for c in range(NCHUNK):
                off = c * NLANE
                t = rows[r, pl.ds(off, NLANE)] + comb[q, pl.ds(off, NLANE)]
                acc = acc + t
                acc2 = acc2 + t * t
                rows[r, pl.ds(off, NLANE)] = t
            mvec = _lanesum(acc, lane) * (1.0 / D)
            var = _lanesum(acc2, lane) * (1.0 / D) - mvec * mvec
            avec = _rsqrt_vec(var + EPS)
            for c in range(NCHUNK):
                off = c * NLANE
                t = rows[r, pl.ds(off, NLANE)]
                y = (t - mvec) * avec
                rows[r, pl.ds(off, NLANE)] = (
                    y * gmb[pl.ds(off, NLANE)] + btb[pl.ds(off, NLANE)])
            return 0
        lax.fori_loop(0, STRIP, row_body, 0)

        pltpu.sync_copy(rows, out_hbm.at[b, pl.ds(p0, STRIP), :])
        return 0
    lax.fori_loop(0, B, seq_body, 0)


@jax.jit
def _run(x, segment_label, token_table, pos_table, seg_table, gamma, beta):
    mesh = plsc.VectorSubcoreMesh(core_axis_name="c", subcore_axis_name="s")
    k = functools.partial(
        pl.kernel,
        out_type=jax.ShapeDtypeStruct((B, L, D), jnp.float32),
        mesh=mesh,
        scratch_types=[
            pltpu.VMEM((STRIP,), jnp.int32),
            pltpu.VMEM((STRIP,), jnp.int32),
            pltpu.VMEM((STRIP, D), jnp.float32),
            pltpu.VMEM((3, D), jnp.float32),
            pltpu.VMEM((D,), jnp.float32),
            pltpu.VMEM((D,), jnp.float32),
            pltpu.VMEM((3 * STRIP, D), jnp.float32),
            pltpu.VMEM((STRIP, D), jnp.float32),
            pltpu.SemaphoreType.DMA,
        ],
    )(_bert_embed_sc)
    return k(x, segment_label, token_table, pos_table, seg_table, gamma, beta)


def kernel(x, segment_label, token_table, pos_table, seg_table, gamma, beta):
    return _run(x.astype(jnp.int32).reshape(B * L),
                segment_label.astype(jnp.int32).reshape(B * L),
                token_table, pos_table, seg_table, gamma, beta)

# --- scband reference (transcript-rebuilt; emitter-appended) ---
"""Pipeline reference for scband-bertembedding-65008624992516 (READ-ONLY COPY).

The authoritative reference and input builder live on the scoring server;
editing this copy changes nothing except your own understanding.
"""

import jax, jax.numpy as jnp
import numpy as np

VOCAB = 100000
D_MODEL = 768
MAX_LEN = 512
B, L = 64, 512

def setup_inputs(seed: int = 0) -> dict:
    key = jax.random.key(seed)
    k1, k2, k3, k4, k5 = jax.random.split(key, 5)
    x = jax.random.randint(k1, (B, L), 0, VOCAB, dtype=jnp.int64 if jax.config.jax_enable_x64 else jnp.int32)
    segment_label = jax.random.randint(k2, (B, L), 0, 3, dtype=jnp.int64 if jax.config.jax_enable_x64 else jnp.int32)
    token_table = jax.random.normal(k3, (VOCAB, D_MODEL), dtype=jnp.float32) * 0.02
    pos_table = jax.random.normal(k4, (MAX_LEN, D_MODEL), dtype=jnp.float32) * 0.02
    seg_table = jax.random.normal(k5, (3, D_MODEL), dtype=jnp.float32) * 0.02
    gamma = jnp.ones((D_MODEL,), dtype=jnp.float32)
    beta = jnp.zeros((D_MODEL,), dtype=jnp.float32)
    return {"x": x, "segment_label": segment_label, "token_table": token_table,
            "pos_table": pos_table, "seg_table": seg_table, "gamma": gamma, "beta": beta}

def _layer_norm(h, gamma, beta, eps=1e-5):
    mean = jnp.mean(h, axis=-1, keepdims=True)
    var = jnp.mean((h - mean) ** 2, axis=-1, keepdims=True)
    return (h - mean) / jnp.sqrt(var + eps) * gamma + beta

def reference(x, segment_label, token_table, pos_table, seg_table, gamma, beta):
    seq_len = x.shape[1]
    pos = jnp.broadcast_to(jnp.arange(seq_len)[None, :], x.shape)
    tok_emb = jnp.take(token_table, x, axis=0)
    pos_emb = jnp.take(pos_table, pos, axis=0)
    seg_emb = jnp.take(seg_table, segment_label, axis=0)
    embedding = tok_emb + pos_emb + seg_emb
    return _layer_norm(embedding, gamma, beta)

if __name__ == "__main__":
    import jax
    _d = setup_inputs()
    print(jax.jit(kernel)(*tuple(_d.values())))

</pallas_src>

<mosaic_0001>
#map = affine_map<(d0, d1) -> (0)>
#map1 = affine_map<(d0, d1) -> (0, 0)>
#map2 = affine_map<(d0, d1) -> (0, 0, 0)>
module attributes {stable_mosaic.version = 14 : i64} {
  func.func @_bert_embed_sc(%arg0: i32, %arg1: i32, %arg2: memref<32768xi32, #tpu.memory_space<hbm>>, %arg3: memref<32768xi32, #tpu.memory_space<hbm>>, %arg4: memref<100000x768xf32, #tpu.memory_space<hbm>>, %arg5: memref<512x768xf32, #tpu.memory_space<hbm>>, %arg6: memref<3x768xf32, #tpu.memory_space<hbm>>, %arg7: memref<768xf32, #tpu.memory_space<hbm>>, %arg8: memref<768xf32, #tpu.memory_space<hbm>>, %arg9: memref<64x512x768xf32, #tpu.memory_space<hbm>>, %arg10: memref<16xi32, #tpu.memory_space<vmem>>, %arg11: memref<16xi32, #tpu.memory_space<vmem>>, %arg12: memref<16x768xf32, #tpu.memory_space<vmem>>, %arg13: memref<3x768xf32, #tpu.memory_space<vmem>>, %arg14: memref<768xf32, #tpu.memory_space<vmem>>, %arg15: memref<768xf32, #tpu.memory_space<vmem>>, %arg16: memref<48x768xf32, #tpu.memory_space<vmem>>, %arg17: memref<16x768xf32, #tpu.memory_space<vmem>>, %arg18: memref<!tpu.dma_semaphore, #tpu.memory_space<semaphore_mem>>) attributes {dimension_semantics = [#tpu.dimension_semantics<core_parallel>, #tpu.dimension_semantics<subcore_parallel>], iteration_bounds = array<i64: 2, 16>, scalar_prefetch = 0 : i64, scratch_operands = 9 : i64, tpu.core_type = #tpu.core_type<sc_vector_subcore>, window_params = [{transform_indices = #map}, {transform_indices = #map}, {transform_indices = #map1}, {transform_indices = #map1}, {transform_indices = #map1}, {transform_indices = #map}, {transform_indices = #map}, {transform_indices = #map2}]} {
    %mul3A = arith.constant 2 : i32
    %mul3A_0 = arith.muli %arg1, %mul3A : i32
    %add3A = arith.addi %mul3A_0, %arg0 : i32
    %mul3A_1 = arith.constant 16 : i32
    %mul3A_2 = arith.muli %add3A, %mul3A_1 : i32
    "tpu.region"() ({
      %run_scoped3A = tpu.sem_alloc : memref<!tpu.dma_semaphore, #tpu.memory_space<semaphore_mem>>
      %dma_start3A = arith.constant 0 : i32
      %dma_start3A_16 = tpu.memref_slice %arg5[%mul3A_2, %dma_start3A] : memref<512x768xf32, #tpu.memory_space<hbm>> -> memref<16x768xf32, #tpu.memory_space<hbm>>
      %dma_start3A_17 = arith.constant 0 : i32
      %dma_start3A_18 = tpu.memref_slice %arg5[%mul3A_2, %dma_start3A_17] : memref<512x768xf32, #tpu.memory_space<hbm>> -> memref<16x768xf32, #tpu.memory_space<hbm>>
      tpu.enqueue_dma source(%dma_start3A_18 : memref<16x768xf32, #tpu.memory_space<hbm>>) target(%arg12 : memref<16x768xf32, #tpu.memory_space<vmem>>) target_semaphore(%run_scoped3A : memref<!tpu.dma_semaphore, #tpu.memory_space<semaphore_mem>>)
      %dma_wait3A = arith.constant 0 : i32
      %dma_wait3A_19 = tpu.memref_slice %arg5[%mul3A_2, %dma_wait3A] : memref<512x768xf32, #tpu.memory_space<hbm>> -> memref<16x768xf32, #tpu.memory_space<hbm>>
      %dma_wait3A_20 = arith.constant 0 : i32
      %dma_wait3A_21 = tpu.memref_slice %arg5[%mul3A_2, %dma_wait3A_20] : memref<512x768xf32, #tpu.memory_space<hbm>> -> memref<16x768xf32, #tpu.memory_space<hbm>>
      tpu.wait_dma2 semaphore(%run_scoped3A : memref<!tpu.dma_semaphore, #tpu.memory_space<semaphore_mem>>) src(%dma_wait3A_21 : memref<16x768xf32, #tpu.memory_space<hbm>>) dst(%arg12 : memref<16x768xf32, #tpu.memory_space<vmem>>)
      tpu.yield
    }) : () -> ()
    "tpu.region"() ({
      %run_scoped3A = tpu.sem_alloc : memref<!tpu.dma_semaphore, #tpu.memory_space<semaphore_mem>>
      tpu.enqueue_dma source(%arg6 : memref<3x768xf32, #tpu.memory_space<hbm>>) target(%arg13 : memref<3x768xf32, #tpu.memory_space<vmem>>) target_semaphore(%run_scoped3A : memref<!tpu.dma_semaphore, #tpu.memory_space<semaphore_mem>>)
      tpu.wait_dma2 semaphore(%run_scoped3A : memref<!tpu.dma_semaphore, #tpu.memory_space<semaphore_mem>>) src(%arg6 : memref<3x768xf32, #tpu.memory_space<hbm>>) dst(%arg13 : memref<3x768xf32, #tpu.memory_space<vmem>>)
      tpu.yield
    }) : () -> ()
    "tpu.region"() ({
      %run_scoped3A = tpu.sem_alloc : memref<!tpu.dma_semaphore, #tpu.memory_space<semaphore_mem>>
      tpu.enqueue_dma source(%arg7 : memref<768xf32, #tpu.memory_space<hbm>>) target(%arg14 : memref<768xf32, #tpu.memory_space<vmem>>) target_semaphore(%run_scoped3A : memref<!tpu.dma_semaphore, #tpu.memory_space<semaphore_mem>>)
      tpu.wait_dma2 semaphore(%run_scoped3A : memref<!tpu.dma_semaphore, #tpu.memory_space<semaphore_mem>>) src(%arg7 : memref<768xf32, #tpu.memory_space<hbm>>) dst(%arg14 : memref<768xf32, #tpu.memory_space<vmem>>)
      tpu.yield
    }) : () -> ()
    "tpu.region"() ({
      %run_scoped3A = tpu.sem_alloc : memref<!tpu.dma_semaphore, #tpu.memory_space<semaphore_mem>>
      tpu.enqueue_dma source(%arg8 : memref<768xf32, #tpu.memory_space<hbm>>) target(%arg15 : memref<768xf32, #tpu.memory_space<vmem>>) target_semaphore(%run_scoped3A : memref<!tpu.dma_semaphore, #tpu.memory_space<semaphore_mem>>)
      tpu.wait_dma2 semaphore(%run_scoped3A : memref<!tpu.dma_semaphore, #tpu.memory_space<semaphore_mem>>) src(%arg8 : memref<768xf32, #tpu.memory_space<hbm>>) dst(%arg15 : memref<768xf32, #tpu.memory_space<vmem>>)
      tpu.yield
    }) : () -> ()
    %scan3A = arith.constant 0 : i32
    %scan3A_3 = arith.constant 0 : i32
    %scan3A_4 = arith.constant 16 : i32
    %scan3A_5 = arith.addi %scan3A_3, %scan3A_4 : i32
    %scan3A_6 = arith.constant 1 : i32
    %scan3A_7 = scf.for %scan3A_16 = %scan3A_3 to %scan3A_5 step %scan3A_6 iter_args(%scan3A_17 = %scan3A) -> (i32)  : i32 {
      %scan3A_18 = arith.constant 0 : i32
      %scan3A_19 = arith.constant 0 : i32
      %scan3A_20 = arith.constant 48 : i32
      %scan3A_21 = arith.addi %scan3A_19, %scan3A_20 : i32
      %scan3A_22 = arith.constant 1 : i32
      %scan3A_23 = scf.for %scan3A_26 = %scan3A_19 to %scan3A_21 step %scan3A_22 iter_args(%scan3A_27 = %scan3A_18) -> (i32)  : i32 {
        %mul3A_28 = arith.constant 16 : i32
        %mul3A_29 = arith.muli %scan3A_26, %mul3A_28 : i32
        %get3A = arith.index_cast %scan3A_16 : i32 to index
        %get3A_30 = arith.index_cast %mul3A_29 : i32 to index
        %get3A_31 = tpu.vector_load %arg12[%get3A, %get3A_30] {strides = array<i32>} : memref<16x768xf32, #tpu.memory_space<vmem>>, vector<1x16xf32>,
        %get3A_32 = vector.shape_cast %get3A_31 : vector<1x16xf32> to vector<16xf32>
        %get3A_33 = arith.constant 0 : i32
        %get3A_34 = arith.index_cast %get3A_33 : i32 to index
        %get3A_35 = arith.index_cast %mul3A_29 : i32 to index
        %get3A_36 = tpu.vector_load %arg13[%get3A_34, %get3A_35] {strides = array<i32>} : memref<3x768xf32, #tpu.memory_space<vmem>>, vector<1x16xf32>,
        %get3A_37 = vector.shape_cast %get3A_36 : vector<1x16xf32> to vector<16xf32>
        %add3A_38 = arith.addf %get3A_32, %get3A_37 : vector<16xf32>
        %add3A_39 = arith.constant 0 : i32
        %add3A_40 = arith.addi %add3A_39, %scan3A_16 : i32
        %swap3A = arith.index_cast %add3A_40 : i32 to index
        %swap3A_41 = arith.index_cast %mul3A_29 : i32 to index
        %swap3A_42 = tpu.vector_load %arg16[%swap3A, %swap3A_41] {strides = array<i32>} : memref<48x768xf32, #tpu.memory_space<vmem>>, vector<1x16xf32>,
        %swap3A_43 = vector.shape_cast %swap3A_42 : vector<1x16xf32> to vector<16xf32>
        %swap3A_44 = vector.shape_cast %add3A_38 : vector<16xf32> to vector<1x16xf32>
        tpu.vector_store %arg16[%swap3A, %swap3A_41], %swap3A_44 {strides = array<i32>} : memref<48x768xf32, #tpu.memory_space<vmem>>, vector<1x16xf32>,
        %get3A_45 = arith.constant 1 : i32
        %get3A_46 = arith.index_cast %get3A_45 : i32 to index
        %get3A_47 = arith.index_cast %mul3A_29 : i32 to index
        %get3A_48 = tpu.vector_load %arg13[%get3A_46, %get3A_47] {strides = array<i32>} : memref<3x768xf32, #tpu.memory_space<vmem>>, vector<1x16xf32>,
        %get3A_49 = vector.shape_cast %get3A_48 : vector<1x16xf32> to vector<16xf32>
        %add3A_50 = arith.addf %get3A_32, %get3A_49 : vector<16xf32>
        %add3A_51 = arith.constant 16 : i32
        %add3A_52 = arith.addi %add3A_51, %scan3A_16 : i32
        %swap3A_53 = arith.index_cast %add3A_52 : i32 to index
        %swap3A_54 = arith.index_cast %mul3A_29 : i32 to index
        %swap3A_55 = tpu.vector_load %arg16[%swap3A_53, %swap3A_54] {strides = array<i32>} : memref<48x768xf32, #tpu.memory_space<vmem>>, vector<1x16xf32>,
        %swap3A_56 = vector.shape_cast %swap3A_55 : vector<1x16xf32> to vector<16xf32>
        %swap3A_57 = vector.shape_cast %add3A_50 : vector<16xf32> to vector<1x16xf32>
        tpu.vector_store %arg16[%swap3A_53, %swap3A_54], %swap3A_57 {strides = array<i32>} : memref<48x768xf32, #tpu.memory_space<vmem>>, vector<1x16xf32>,
        %get3A_58 = arith.constant 2 : i32
        %get3A_59 = arith.index_cast %get3A_58 : i32 to index
        %get3A_60 = arith.index_cast %mul3A_29 : i32 to index
        %get3A_61 = tpu.vector_load %arg13[%get3A_59, %get3A_60] {strides = array<i32>} : memref<3x768xf32, #tpu.memory_space<vmem>>, vector<1x16xf32>,
        %get3A_62 = vector.shape_cast %get3A_61 : vector<1x16xf32> to vector<16xf32>
        %add3A_63 = arith.addf %get3A_32, %get3A_62 : vector<16xf32>
        %add3A_64 = arith.constant 32 : i32
        %add3A_65 = arith.addi %add3A_64, %scan3A_16 : i32
        %swap3A_66 = arith.index_cast %add3A_65 : i32 to index
        %swap3A_67 = arith.index_cast %mul3A_29 : i32 to index
        %swap3A_68 = tpu.vector_load %arg16[%swap3A_66, %swap3A_67] {strides = array<i32>} : memref<48x768xf32, #tpu.memory_space<vmem>>, vector<1x16xf32>,
        %swap3A_69 = vector.shape_cast %swap3A_68 : vector<1x16xf32> to vector<16xf32>
        %swap3A_70 = vector.shape_cast %add3A_63 : vector<16xf32> to vector<1x16xf32>
        tpu.vector_store %arg16[%swap3A_66, %swap3A_67], %swap3A_70 {strides = array<i32>} : memref<48x768xf32, #tpu.memory_space<vmem>>, vector<1x16xf32>,
        %scan3A_71 = arith.constant 0 : i32
        scf.yield %scan3A_71 : i32
      }
      %scan3A_24 = arith.constant 48 : i32
      %scan3A_25 = arith.constant 0 : i32
      scf.yield %scan3A_25 : i32
    }
    %scan3A_8 = arith.constant 16 : i32
    %iota3A = tpu.iota {dimensions = array<i32: 0>} : vector<16xi32>
    %scan3A_9 = arith.constant 0 : i32
    %scan3A_10 = arith.constant 0 : i32
    %scan3A_11 = arith.constant 64 : i32
    %scan3A_12 = arith.addi %scan3A_10, %scan3A_11 : i32
    %scan3A_13 = arith.constant 1 : i32
    %scan3A_14 = scf.for %scan3A_16 = %scan3A_10 to %scan3A_12 step %scan3A_13 iter_args(%scan3A_17 = %scan3A_9) -> (i32)  : i32 {
      %mul3A_18 = arith.constant 512 : i32
      %mul3A_19 = arith.muli %scan3A_16, %mul3A_18 : i32
      %add3A_20 = arith.addi %mul3A_19, %mul3A_2 : i32
      "tpu.region"() ({
        %run_scoped3A = tpu.sem_alloc : memref<!tpu.dma_semaphore, #tpu.memory_space<semaphore_mem>>
        %dma_start3A_38 = tpu.memref_slice %arg2[%add3A_20] : memref<32768xi32, #tpu.memory_space<hbm>> -> memref<16xi32, #tpu.memory_space<hbm>>
        %dma_start3A_39 = tpu.memref_slice %arg2[%add3A_20] : memref<32768xi32, #tpu.memory_space<hbm>> -> memref<16xi32, #tpu.memory_space<hbm>>
        tpu.enqueue_dma source(%dma_start3A_39 : memref<16xi32, #tpu.memory_space<hbm>>) target(%arg10 : memref<16xi32, #tpu.memory_space<vmem>>) target_semaphore(%run_scoped3A : memref<!tpu.dma_semaphore, #tpu.memory_space<semaphore_mem>>)
        %dma_wait3A_40 = tpu.memref_slice %arg2[%add3A_20] : memref<32768xi32, #tpu.memory_space<hbm>> -> memref<16xi32, #tpu.memory_space<hbm>>
        %dma_wait3A_41 = tpu.memref_slice %arg2[%add3A_20] : memref<32768xi32, #tpu.memory_space<hbm>> -> memref<16xi32, #tpu.memory_space<hbm>>
        tpu.wait_dma2 semaphore(%run_scoped3A : memref<!tpu.dma_semaphore, #tpu.memory_space<semaphore_mem>>) src(%dma_wait3A_41 : memref<16xi32, #tpu.memory_space<hbm>>) dst(%arg10 : memref<16xi32, #tpu.memory_space<vmem>>)
        tpu.yield
      }) : () -> ()
      %mul3A_21 = arith.constant 512 : i32
      %mul3A_22 = arith.muli %scan3A_16, %mul3A_21 : i32
      %add3A_23 = arith.addi %mul3A_22, %mul3A_2 : i32
      "tpu.region"() ({
        %run_scoped3A = tpu.sem_alloc : memref<!tpu.dma_semaphore, #tpu.memory_space<semaphore_mem>>
        %dma_start3A_38 = tpu.memref_slice %arg3[%add3A_23] : memref<32768xi32, #tpu.memory_space<hbm>> -> memref<16xi32, #tpu.memory_space<hbm>>
        %dma_start3A_39 = tpu.memref_slice %arg3[%add3A_23] : memref<32768xi32, #tpu.memory_space<hbm>> -> memref<16xi32, #tpu.memory_space<hbm>>
        tpu.enqueue_dma source(%dma_start3A_39 : memref<16xi32, #tpu.memory_space<hbm>>) target(%arg11 : memref<16xi32, #tpu.memory_space<vmem>>) target_semaphore(%run_scoped3A : memref<!tpu.dma_semaphore, #tpu.memory_space<semaphore_mem>>)
        %dma_wait3A_40 = tpu.memref_slice %arg3[%add3A_23] : memref<32768xi32, #tpu.memory_space<hbm>> -> memref<16xi32, #tpu.memory_space<hbm>>
        %dma_wait3A_41 = tpu.memref_slice %arg3[%add3A_23] : memref<32768xi32, #tpu.memory_space<hbm>> -> memref<16xi32, #tpu.memory_space<hbm>>
        tpu.wait_dma2 semaphore(%run_scoped3A : memref<!tpu.dma_semaphore, #tpu.memory_space<semaphore_mem>>) src(%dma_wait3A_41 : memref<16xi32, #tpu.memory_space<hbm>>) dst(%arg11 : memref<16xi32, #tpu.memory_space<vmem>>)
        tpu.yield
      }) : () -> ()
      %dma_start3A = arith.constant 0 : i32
      %dma_start3A_24 = arith.constant 0 : i32
      %dma_start3A_25 = tpu.memref_slice %arg4[%dma_start3A, %dma_start3A_24] : memref<100000x768xf32, #tpu.memory_space<hbm>> -> memref<100000x768xf32, #tpu.memory_space<hbm>>
      tpu.enqueue_indirect_dma source(%dma_start3A_25 : memref<100000x768xf32, #tpu.memory_space<hbm>>) target(%arg17 : memref<16x768xf32, #tpu.memory_space<vmem>>) offsets(%arg10 : memref<16xi32, #tpu.memory_space<vmem>>) semaphore(%arg18 : memref<!tpu.dma_semaphore, #tpu.memory_space<semaphore_mem>>)
      %dma_wait3A = arith.constant 0 : i32
      %dma_wait3A_26 = arith.constant 0 : i32
      %dma_wait3A_27 = tpu.memref_slice %arg4[%dma_wait3A, %dma_wait3A_26] : memref<100000x768xf32, #tpu.memory_space<hbm>> -> memref<100000x768xf32, #tpu.memory_space<hbm>>
      tpu.wait_indirect_dma semaphore(%arg18 : memref<!tpu.dma_semaphore, #tpu.memory_space<semaphore_mem>>) src(%dma_wait3A_27 : memref<100000x768xf32, #tpu.memory_space<hbm>>) dst(%arg17 : memref<16x768xf32, #tpu.memory_space<vmem>>)
      %get3A = arith.constant 0 : index
      %get3A_28 = tpu.vector_load %arg11[%get3A] {strides = array<i32>} : memref<16xi32, #tpu.memory_space<vmem>>, vector<16xi32>,
      %get3A_29 = vector.shape_cast %get3A_28 : vector<16xi32> to vector<16xi32>
      %scan3A_30 = arith.constant 0 : i32
      %scan3A_31 = arith.constant 0 : i32
      %scan3A_32 = arith.constant 16 : i32
      %scan3A_33 = arith.addi %scan3A_31, %scan3A_32 : i32
      %scan3A_34 = arith.constant 1 : i32
      %scan3A_35 = scf.for %scan3A_38 = %scan3A_31 to %scan3A_33 step %scan3A_34 iter_args(%scan3A_39 = %scan3A_30) -> (i32)  : i32 {
        %add3A_40 = vector.broadcast %scan3A_38 : i32 to vector<16xi32>
        %add3A_41 = arith.addi %iota3A, %add3A_40 : vector<16xi32>
        %and3A = arith.constant 15 : i32
        %and3A_42 = vector.broadcast %and3A : i32 to vector<16xi32>
        %and3A_43 = arith.andi %add3A_41, %and3A_42 : vector<16xi32>
        %broadcast_in_dim3A = vector.shape_cast %and3A_43 : vector<16xi32> to vector<16x1xi32>
        %gather3A = vector.shape_cast %broadcast_in_dim3A : vector<16x1xi32> to vector<16xi32>
        %gather3A_44 = tpu.dynamic_gather %get3A_29[%gather3A] in [0] : vector<16xi32>, vector<16xi32> -> vector<16xi32>
        %slice3A = vector.extract_strided_slice %gather3A_44 {offsets = [0], sizes = [1], strides = [1]} : vector<16xi32> to vector<1xi32>
        %squeeze3A = vector.extract %slice3A[0] : i32 from vector<1xi32>
        %mul3A_45 = arith.constant 16 : i32
        %mul3A_46 = arith.muli %squeeze3A, %mul3A_45 : i32
        %add3A_47 = arith.addi %mul3A_46, %scan3A_38 : i32
        %broadcast_in_dim3A_48 = arith.constant 0.000000e+00 : f32
        %broadcast_in_dim3A_49 = vector.broadcast %broadcast_in_dim3A_48 : f32 to vector<16xf32>
        %broadcast_in_dim3A_50 = arith.constant 0.000000e+00 : f32
        %broadcast_in_dim3A_51 = vector.broadcast %broadcast_in_dim3A_50 : f32 to vector<16xf32>
        %get3A_52 = arith.index_cast %scan3A_38 : i32 to index
        %get3A_53 = arith.constant 0 : index
        %get3A_54 = tpu.vector_load %arg17[%get3A_52, %get3A_53] {strides = array<i32>} : memref<16x768xf32, #tpu.memory_space<vmem>>, vector<1x16xf32>,
        %get3A_55 = vector.shape_cast %get3A_54 : vector<1x16xf32> to vector<16xf32>
        %get3A_56 = arith.index_cast %add3A_47 : i32 to index
        %get3A_57 = arith.constant 0 : index
        %get3A_58 = tpu.vector_load %arg16[%get3A_56, %get3A_57] {strides = array<i32>} : memref<48x768xf32, #tpu.memory_space<vmem>>, vector<1x16xf32>,
        %get3A_59 = vector.shape_cast %get3A_58 : vector<1x16xf32> to vector<16xf32>
        %add3A_60 = arith.addf %get3A_55, %get3A_59 : vector<16xf32>
        %add3A_61 = arith.addf %broadcast_in_dim3A_49, %add3A_60 : vector<16xf32>
        %mul3A_62 = arith.mulf %add3A_60, %add3A_60 : vector<16xf32>
        %add3A_63 = arith.addf %broadcast_in_dim3A_51, %mul3A_62 : vector<16xf32>
        %swap3A = arith.index_cast %scan3A_38 : i32 to index
        %swap3A_64 = arith.constant 0 : index
        %swap3A_65 = tpu.vector_load %arg17[%swap3A, %swap3A_64] {strides = array<i32>} : memref<16x768xf32, #tpu.memory_space<vmem>>, vector<1x16xf32>,
        %swap3A_66 = vector.shape_cast %swap3A_65 : vector<1x16xf32> to vector<16xf32>
        %swap3A_67 = vector.shape_cast %add3A_60 : vector<16xf32> to vector<1x16xf32>
        tpu.vector_store %arg17[%swap3A, %swap3A_64], %swap3A_67 {strides = array<i32>} : memref<16x768xf32, #tpu.memory_space<vmem>>, vector<1x16xf32>,
        %get3A_68 = arith.index_cast %scan3A_38 : i32 to index
        %get3A_69 = arith.constant 16 : index
        %get3A_70 = tpu.vector_load %arg17[%get3A_68, %get3A_69] {strides = array<i32>} : memref<16x768xf32, #tpu.memory_space<vmem>>, vector<1x16xf32>,
        %get3A_71 = vector.shape_cast %get3A_70 : vector<1x16xf32> to vector<16xf32>
        %get3A_72 = arith.index_cast %add3A_47 : i32 to index
        %get3A_73 = arith.constant 16 : index
        %get3A_74 = tpu.vector_load %arg16[%get3A_72, %get3A_73] {strides = array<i32>} : memref<48x768xf32, #tpu.memory_space<vmem>>, vector<1x16xf32>,
        %get3A_75 = vector.shape_cast %get3A_74 : vector<1x16xf32> to vector<16xf32>
        %add3A_76 = arith.addf %get3A_71, %get3A_75 : vector<16xf32>
        %add3A_77 = arith.addf %add3A_61, %add3A_76 : vector<16xf32>
        %mul3A_78 = arith.mulf %add3A_76, %add3A_76 : vector<16xf32>
        %add3A_79 = arith.addf %add3A_63, %mul3A_78 : vector<16xf32>
        %swap3A_80 = arith.index_cast %scan3A_38 : i32 to index
        %swap3A_81 = arith.constant 16 : index
        %swap3A_82 = tpu.vector_load %arg17[%swap3A_80, %swap3A_81] {strides = array<i32>} : memref<16x768xf32, #tpu.memory_space<vmem>>, vector<1x16xf32>,
        %swap3A_83 = vector.shape_cast %swap3A_82 : vector<1x16xf32> to vector<16xf32>
        %swap3A_84 = vector.shape_cast %add3A_76 : vector<16xf32> to vector<1x16xf32>
        tpu.vector_store %arg17[%swap3A_80, %swap3A_81], %swap3A_84 {strides = array<i32>} : memref<16x768xf32, #tpu.memory_space<vmem>>, vector<1x16xf32>,
        %get3A_85 = arith.index_cast %scan3A_38 : i32 to index
        %get3A_86 = arith.constant 32 : index
        %get3A_87 = tpu.vector_load %arg17[%get3A_85, %get3A_86] {strides = array<i32>} : memref<16x768xf32, #tpu.memory_space<vmem>>, vector<1x16xf32>,
        %get3A_88 = vector.shape_cast %get3A_87 : vector<1x16xf32> to vector<16xf32>
        %get3A_89 = arith.index_cast %add3A_47 : i32 to index
        %get3A_90 = arith.constant 32 : index
        %get3A_91 = tpu.vector_load %arg16[%get3A_89, %get3A_90] {strides = array<i32>} : memref<48x768xf32, #tpu.memory_space<vmem>>, vector<1x16xf32>,
        %get3A_92 = vector.shape_cast %get3A_91 : vector<1x16xf32> to vector<16xf32>
        %add3A_93 = arith.addf %get3A_88, %get3A_92 : vector<16xf32>
        %add3A_94 = arith.addf %add3A_77, %add3A_93 : vector<16xf32>
        %mul3A_95 = arith.mulf %add3A_93, %add3A_93 : vector<16xf32>
        %add3A_96 = arith.addf %add3A_79, %mul3A_95 : vector<16xf32>
        %swap3A_97 = arith.index_cast %scan3A_38 : i32 to index
        %swap3A_98 = arith.constant 32 : index
        %swap3A_99 = tpu.vector_load %arg17[%swap3A_97, %swap3A_98] {strides = array<i32>} : memref<16x768xf32, #tpu.memory_space<vmem>>, vector<1x16xf32>,
        %swap3A_100 = vector.shape_cast %swap3A_99 : vector<1x16xf32> to vector<16xf32>
        %swap3A_101 = vector.shape_cast %add3A_93 : vector<16xf32> to vector<1x16xf32>
        tpu.vector_store %arg17[%swap3A_97, %swap3A_98], %swap3A_101 {strides = array<i32>} : memref<16x768xf32, #tpu.memory_space<vmem>>, vector<1x16xf32>,
        %get3A_102 = arith.index_cast %scan3A_38 : i32 to index
        %get3A_103 = arith.constant 48 : index
        %get3A_104 = tpu.vector_load %arg17[%get3A_102, %get3A_103] {strides = array<i32>} : memref<16x768xf32, #tpu.memory_space<vmem>>, vector<1x16xf32>,
        %get3A_105 = vector.shape_cast %get3A_104 : vector<1x16xf32> to vector<16xf32>
        %get3A_106 = arith.index_cast %add3A_47 : i32 to index
        %get3A_107 = arith.constant 48 : index
        %get3A_108 = tpu.vector_load %arg16[%get3A_106, %get3A_107] {strides = array<i32>} : memref<48x768xf32, #tpu.memory_space<vmem>>, vector<1x16xf32>,
        %get3A_109 = vector.shape_cast %get3A_108 : vector<1x16xf32> to vector<16xf32>
        %add3A_110 = arith.addf %get3A_105, %get3A_109 : vector<16xf32>
        %add3A_111 = arith.addf %add3A_94, %add3A_110 : vector<16xf32>
        %mul3A_112 = arith.mulf %add3A_110, %add3A_110 : vector<16xf32>
        %add3A_113 = arith.addf %add3A_96, %mul3A_112 : vector<16xf32>
        %swap3A_114 = arith.index_cast %scan3A_38 : i32 to index
        %swap3A_115 = arith.constant 48 : index
        %swap3A_116 = tpu.vector_load %arg17[%swap3A_114, %swap3A_115] {strides = array<i32>} : memref<16x768xf32, #tpu.memory_space<vmem>>, vector<1x16xf32>,
        %swap3A_117 = vector.shape_cast %swap3A_116 : vector<1x16xf32> to vector<16xf32>
        %swap3A_118 = vector.shape_cast %add3A_110 : vector<16xf32> to vector<1x16xf32>
        tpu.vector_store %arg17[%swap3A_114, %swap3A_115], %swap3A_118 {strides = array<i32>} : memref<16x768xf32, #tpu.memory_space<vmem>>, vector<1x16xf32>,
        %get3A_119 = arith.index_cast %scan3A_38 : i32 to index
        %get3A_120 = arith.constant 64 : index
        %get3A_121 = tpu.vector_load %arg17[%get3A_119, %get3A_120] {strides = array<i32>} : memref<16x768xf32, #tpu.memory_space<vmem>>, vector<1x16xf32>,
        %get3A_122 = vector.shape_cast %get3A_121 : vector<1x16xf32> to vector<16xf32>
        %get3A_123 = arith.index_cast %add3A_47 : i32 to index
        %get3A_124 = arith.constant 64 : index
        %get3A_125 = tpu.vector_load %arg16[%get3A_123, %get3A_124] {strides = array<i32>} : memref<48x768xf32, #tpu.memory_space<vmem>>, vector<1x16xf32>,
        %get3A_126 = vector.shape_cast %get3A_125 : vector<1x16xf32> to vector<16xf32>
        %add3A_127 = arith.addf %get3A_122, %get3A_126 : vector<16xf32>
        %add3A_128 = arith.addf %add3A_111, %add3A_127 : vector<16xf32>
        %mul3A_129 = arith.mulf %add3A_127, %add3A_127 : vector<16xf32>
        %add3A_130 = arith.addf %add3A_113, %mul3A_129 : vector<16xf32>
        %swap3A_131 = arith.index_cast %scan3A_38 : i32 to index
        %swap3A_132 = arith.constant 64 : index
        %swap3A_133 = tpu.vector_load %arg17[%swap3A_131, %swap3A_132] {strides = array<i32>} : memref<16x768xf32, #tpu.memory_space<vmem>>, vector<1x16xf32>,
        %swap3A_134 = vector.shape_cast %swap3A_133 : vector<1x16xf32> to vector<16xf32>
        %swap3A_135 = vector.shape_cast %add3A_127 : vector<16xf32> to vector<1x16xf32>
        tpu.vector_store %arg17[%swap3A_131, %swap3A_132], %swap3A_135 {strides = array<i32>} : memref<16x768xf32, #tpu.memory_space<vmem>>, vector<1x16xf32>,
        %get3A_136 = arith.index_cast %scan3A_38 : i32 to index
        %get3A_137 = arith.constant 80 : index
        %get3A_138 = tpu.vector_load %arg17[%get3A_136, %get3A_137] {strides = array<i32>} : memref<16x768xf32, #tpu.memory_space<vmem>>, vector<1x16xf32>,
        %get3A_139 = vector.shape_cast %get3A_138 : vector<1x16xf32> to vector<16xf32>
        %get3A_140 = arith.index_cast %add3A_47 : i32 to index
        %get3A_141 = arith.constant 80 : index
        %get3A_142 = tpu.vector_load %arg16[%get3A_140, %get3A_141] {strides = array<i32>} : memref<48x768xf32, #tpu.memory_space<vmem>>, vector<1x16xf32>,
        %get3A_143 = vector.shape_cast %get3A_142 : vector<1x16xf32> to vector<16xf32>
        %add3A_144 = arith.addf %get3A_139, %get3A_143 : vector<16xf32>
        %add3A_145 = arith.addf %add3A_128, %add3A_144 : vector<16xf32>
        %mul3A_146 = arith.mulf %add3A_144, %add3A_144 : vector<16xf32>
        %add3A_147 = arith.addf %add3A_130, %mul3A_146 : vector<16xf32>
        %swap3A_148 = arith.index_cast %scan3A_38 : i32 to index
        %swap3A_149 = arith.constant 80 : index
        %swap3A_150 = tpu.vector_load %arg17[%swap3A_148, %swap3A_149] {strides = array<i32>} : memref<16x768xf32, #tpu.memory_space<vmem>>, vector<1x16xf32>,
        %swap3A_151 = vector.shape_cast %swap3A_150 : vector<1x16xf32> to vector<16xf32>
        %swap3A_152 = vector.shape_cast %add3A_144 : vector<16xf32> to vector<1x16xf32>
        tpu.vector_store %arg17[%swap3A_148, %swap3A_149], %swap3A_152 {strides = array<i32>} : memref<16x768xf32, #tpu.memory_space<vmem>>, vector<1x16xf32>,
        %get3A_153 = arith.index_cast %scan3A_38 : i32 to index
        %get3A_154 = arith.constant 96 : index
        %get3A_155 = tpu.vector_load %arg17[%get3A_153, %get3A_154] {strides = array<i32>} : memref<16x768xf32, #tpu.memory_space<vmem>>, vector<1x16xf32>,
        %get3A_156 = vector.shape_cast %get3A_155 : vector<1x16xf32> to vector<16xf32>
        %get3A_157 = arith.index_cast %add3A_47 : i32 to index
        %get3A_158 = arith.constant 96 : index
        %get3A_159 = tpu.vector_load %arg16[%get3A_157, %get3A_158] {strides = array<i32>} : memref<48x768xf32, #tpu.memory_space<vmem>>, vector<1x16xf32>,
        %get3A_160 = vector.shape_cast %get3A_159 : vector<1x16xf32> to vector<16xf32>
        %add3A_161 = arith.addf %get3A_156, %get3A_160 : vector<16xf32>
        %add3A_162 = arith.addf %add3A_145, %add3A_161 : vector<16xf32>
        %mul3A_163 = arith.mulf %add3A_161, %add3A_161 : vector<16xf32>
        %add3A_164 = arith.addf %add3A_147, %mul3A_163 : vector<16xf32>
        %swap3A_165 = arith.index_cast %scan3A_38 : i32 to index
        %swap3A_166 = arith.constant 96 : index
        %swap3A_167 = tpu.vector_load %arg17[%swap3A_165, %swap3A_166] {strides = array<i32>} : memref<16x768xf32, #tpu.memory_space<vmem>>, vector<1x16xf32>,
        %swap3A_168 = vector.shape_cast %swap3A_167 : vector<1x16xf32> to vector<16xf32>
        %swap3A_169 = vector.shape_cast %add3A_161 : vector<16xf32> to vector<1x16xf32>
        tpu.vector_store %arg17[%swap3A_165, %swap3A_166], %swap3A_169 {strides = array<i32>} : memref<16x768xf32, #tpu.memory_space<vmem>>, vector<1x16xf32>,
        %get3A_170 = arith.index_cast %scan3A_38 : i32 to index
        %get3A_171 = arith.constant 112 : index
        %get3A_172 = tpu.vector_load %arg17[%get3A_170, %get3A_171] {strides = array<i32>} : memref<16x768xf32, #tpu.memory_space<vmem>>, vector<1x16xf32>,
        %get3A_173 = vector.shape_cast %get3A_172 : vector<1x16xf32> to vector<16xf32>
        %get3A_174 = arith.index_cast %add3A_47 : i32 to index
        %get3A_175 = arith.constant 112 : index
        %get3A_176 = tpu.vector_load %arg16[%get3A_174, %get3A_175] {strides = array<i32>} : memref<48x768xf32, #tpu.memory_space<vmem>>, vector<1x16xf32>,
        %get3A_177 = vector.shape_cast %get3A_176 : vector<1x16xf32> to vector<16xf32>
        %add3A_178 = arith.addf %get3A_173, %get3A_177 : vector<16xf32>
        %add3A_179 = arith.addf %add3A_162, %add3A_178 : vector<16xf32>
        %mul3A_180 = arith.mulf %add3A_178, %add3A_178 : vector<16xf32>
        %add3A_181 = arith.addf %add3A_164, %mul3A_180 : vector<16xf32>
        %swap3A_182 = arith.index_cast %scan3A_38 : i32 to index
        %swap3A_183 = arith.constant 112 : index
        %swap3A_184 = tpu.vector_load %arg17[%swap3A_182, %swap3A_183] {strides = array<i32>} : memref<16x768xf32, #tpu.memory_space<vmem>>, vector<1x16xf32>,
        %swap3A_185 = vector.shape_cast %swap3A_184 : vector<1x16xf32> to vector<16xf32>
        %swap3A_186 = vector.shape_cast %add3A_178 : vector<16xf32> to vector<1x16xf32>
        tpu.vector_store %arg17[%swap3A_182, %swap3A_183], %swap3A_186 {strides = array<i32>} : memref<16x768xf32, #tpu.memory_space<vmem>>, vector<1x16xf32>,
        %get3A_187 = arith.index_cast %scan3A_38 : i32 to index
        %get3A_188 = arith.constant 128 : index
        %get3A_189 = tpu.vector_load %arg17[%get3A_187, %get3A_188] {strides = array<i32>} : memref<16x768xf32, #tpu.memory_space<vmem>>, vector<1x16xf32>,
        %get3A_190 = vector.shape_cast %get3A_189 : vector<1x16xf32> to vector<16xf32>
        %get3A_191 = arith.index_cast %add3A_47 : i32 to index
        %get3A_192 = arith.constant 128 : index
        %get3A_193 = tpu.vector_load %arg16[%get3A_191, %get3A_192] {strides = array<i32>} : memref<48x768xf32, #tpu.memory_space<vmem>>, vector<1x16xf32>,
        %get3A_194 = vector.shape_cast %get3A_193 : vector<1x16xf32> to vector<16xf32>
        %add3A_195 = arith.addf %get3A_190, %get3A_194 : vector<16xf32>
        %add3A_196 = arith.addf %add3A_179, %add3A_195 : vector<16xf32>
        %mul3A_197 = arith.mulf %add3A_195, %add3A_195 : vector<16xf32>
        %add3A_198 = arith.addf %add3A_181, %mul3A_197 : vector<16xf32>
        %swap3A_199 = arith.index_cast %scan3A_38 : i32 to index
        %swap3A_200 = arith.constant 128 : index
        %swap3A_201 = tpu.vector_load %arg17[%swap3A_199, %swap3A_200] {strides = array<i32>} : memref<16x768xf32, #tpu.memory_space<vmem>>, vector<1x16xf32>,
        %swap3A_202 = vector.shape_cast %swap3A_201 : vector<1x16xf32> to vector<16xf32>
        %swap3A_203 = vector.shape_cast %add3A_195 : vector<16xf32> to vector<1x16xf32>
        tpu.vector_store %arg17[%swap3A_199, %swap3A_200], %swap3A_203 {strides = array<i32>} : memref<16x768xf32, #tpu.memory_space<vmem>>, vector<1x16xf32>,
        %get3A_204 = arith.index_cast %scan3A_38 : i32 to index
        %get3A_205 = arith.constant 144 : index
        %get3A_206 = tpu.vector_load %arg17[%get3A_204, %get3A_205] {strides = array<i32>} : memref<16x768xf32, #tpu.memory_space<vmem>>, vector<1x16xf32>,
        %get3A_207 = vector.shape_cast %get3A_206 : vector<1x16xf32> to vector<16xf32>
        %get3A_208 = arith.index_cast %add3A_47 : i32 to index
        %get3A_209 = arith.constant 144 : index
        %get3A_210 = tpu.vector_load %arg16[%get3A_208, %get3A_209] {strides = array<i32>} : memref<48x768xf32, #tpu.memory_space<vmem>>, vector<1x16xf32>,
        %get3A_211 = vector.shape_cast %get3A_210 : vector<1x16xf32> to vector<16xf32>
        %add3A_212 = arith.addf %get3A_207, %get3A_211 : vector<16xf32>
        %add3A_213 = arith.addf %add3A_196, %add3A_212 : vector<16xf32>
        %mul3A_214 = arith.mulf %add3A_212, %add3A_212 : vector<16xf32>
        %add3A_215 = arith.addf %add3A_198, %mul3A_214 : vector<16xf32>
        %swap3A_216 = arith.index_cast %scan3A_38 : i32 to index
        %swap3A_217 = arith.constant 144 : index
        %swap3A_218 = tpu.vector_load %arg17[%swap3A_216, %swap3A_217] {strides = array<i32>} : memref<16x768xf32, #tpu.memory_space<vmem>>, vector<1x16xf32>,
        %swap3A_219 = vector.shape_cast %swap3A_218 : vector<1x16xf32> to vector<16xf32>
        %swap3A_220 = vector.shape_cast %add3A_212 : vector<16xf32> to vector<1x16xf32>
        tpu.vector_store %arg17[%swap3A_216, %swap3A_217], %swap3A_220 {strides = array<i32>} : memref<16x768xf32, #tpu.memory_space<vmem>>, vector<1x16xf32>,
        %get3A_221 = arith.index_cast %scan3A_38 : i32 to index
        %get3A_222 = arith.constant 160 : index
        %get3A_223 = tpu.vector_load %arg17[%get3A_221, %get3A_222] {strides = array<i32>} : memref<16x768xf32, #tpu.memory_space<vmem>>, vector<1x16xf32>,
        %get3A_224 = vector.shape_cast %get3A_223 : vector<1x16xf32> to vector<16xf32>
        %get3A_225 = arith.index_cast %add3A_47 : i32 to index
        %get3A_226 = arith.constant 160 : index
        %get3A_227 = tpu.vector_load %arg16[%get3A_225, %get3A_226] {strides = array<i32>} : memref<48x768xf32, #tpu.memory_space<vmem>>, vector<1x16xf32>,
        %get3A_228 = vector.shape_cast %get3A_227 : vector<1x16xf32> to vector<16xf32>
        %add3A_229 = arith.addf %get3A_224, %get3A_228 : vector<16xf32>
        %add3A_230 = arith.addf %add3A_213, %add3A_229 : vector<16xf32>
        %mul3A_231 = arith.mulf %add3A_229, %add3A_229 : vector<16xf32>
        %add3A_232 = arith.addf %add3A_215, %mul3A_231 : vector<16xf32>
        %swap3A_233 = arith.index_cast %scan3A_38 : i32 to index
        %swap3A_234 = arith.constant 160 : index
        %swap3A_235 = tpu.vector_load %arg17[%swap3A_233, %swap3A_234] {strides = array<i32>} : memref<16x768xf32, #tpu.memory_space<vmem>>, vector<1x16xf32>,
        %swap3A_236 = vector.shape_cast %swap3A_235 : vector<1x16xf32> to vector<16xf32>
        %swap3A_237 = vector.shape_cast %add3A_229 : vector<16xf32> to vector<1x16xf32>
        tpu.vector_store %arg17[%swap3A_233, %swap3A_234], %swap3A_237 {strides = array<i32>} : memref<16x768xf32, #tpu.memory_space<vmem>>, vector<1x16xf32>,
        %get3A_238 = arith.index_cast %scan3A_38 : i32 to index
        %get3A_239 = arith.constant 176 : index
        %get3A_240 = tpu.vector_load %arg17[%get3A_238, %get3A_239] {strides = array<i32>} : memref<16x768xf32, #tpu.memory_space<vmem>>, vector<1x16xf32>,
        %get3A_241 = vector.shape_cast %get3A_240 : vector<1x16xf32> to vector<16xf32>
        %get3A_242 = arith.index_cast %add3A_47 : i32 to index
        %get3A_243 = arith.constant 176 : index
        %get3A_244 = tpu.vector_load %arg16[%get3A_242, %get3A_243] {strides = array<i32>} : memref<48x768xf32, #tpu.memory_space<vmem>>, vector<1x16xf32>,
        %get3A_245 = vector.shape_cast %get3A_244 : vector<1x16xf32> to vector<16xf32>
        %add3A_246 = arith.addf %get3A_241, %get3A_245 : vector<16xf32>
        %add3A_247 = arith.addf %add3A_230, %add3A_246 : vector<16xf32>
        %mul3A_248 = arith.mulf %add3A_246, %add3A_246 : vector<16xf32>
        %add3A_249 = arith.addf %add3A_232, %mul3A_248 : vector<16xf32>
        %swap3A_250 = arith.index_cast %scan3A_38 : i32 to index
        %swap3A_251 = arith.constant 176 : index
        %swap3A_252 = tpu.vector_load %arg17[%swap3A_250, %swap3A_251] {strides = array<i32>} : memref<16x768xf32, #tpu.memory_space<vmem>>, vector<1x16xf32>,
        %swap3A_253 = vector.shape_cast %swap3A_252 : vector<1x16xf32> to vector<16xf32>
        %swap3A_254 = vector.shape_cast %add3A_246 : vector<16xf32> to vector<1x16xf32>
        tpu.vector_store %arg17[%swap3A_250, %swap3A_251], %swap3A_254 {strides = array<i32>} : memref<16x768xf32, #tpu.memory_space<vmem>>, vector<1x16xf32>,
        %get3A_255 = arith.index_cast %scan3A_38 : i32 to index
        %get3A_256 = arith.constant 192 : index
        %get3A_257 = tpu.vector_load %arg17[%get3A_255, %get3A_256] {strides = array<i32>} : memref<16x768xf32, #tpu.memory_space<vmem>>, vector<1x16xf32>,
        %get3A_258 = vector.shape_cast %get3A_257 : vector<1x16xf32> to vector<16xf32>
        %get3A_259 = arith.index_cast %add3A_47 : i32 to index
        %get3A_260 = arith.constant 192 : index
        %get3A_261 = tpu.vector_load %arg16[%get3A_259, %get3A_260] {strides = array<i32>} : memref<48x768xf32, #tpu.memory_space<vmem>>, vector<1x16xf32>,
        %get3A_262 = vector.shape_cast %get3A_261 : vector<1x16xf32> to vector<16xf32>
        %add3A_263 = arith.addf %get3A_258, %get3A_262 : vector<16xf32>
        %add3A_264 = arith.addf %add3A_247, %add3A_263 : vector<16xf32>
        %mul3A_265 = arith.mulf %add3A_263, %add3A_263 : vector<16xf32>
        %add3A_266 = arith.addf %add3A_249, %mul3A_265 : vector<16xf32>
        %swap3A_267 = arith.index_cast %scan3A_38 : i32 to index
        %swap3A_268 = arith.constant 192 : index
        %swap3A_269 = tpu.vector_load %arg17[%swap3A_267, %swap3A_268] {strides = array<i32>} : memref<16x768xf32, #tpu.memory_space<vmem>>, vector<1x16xf32>,
        %swap3A_270 = vector.shape_cast %swap3A_269 : vector<1x16xf32> to vector<16xf32>
        %swap3A_271 = vector.shape_cast %add3A_263 : vector<16xf32> to vector<1x16xf32>
        tpu.vector_store %arg17[%swap3A_267, %swap3A_268], %swap3A_271 {strides = array<i32>} : memref<16x768xf32, #tpu.memory_space<vmem>>, vector<1x16xf32>,
        %get3A_272 = arith.index_cast %scan3A_38 : i32 to index
        %get3A_273 = arith.constant 208 : index
        %get3A_274 = tpu.vector_load %arg17[%get3A_272, %get3A_273] {strides = array<i32>} : memref<16x768xf32, #tpu.memory_space<vmem>>, vector<1x16xf32>,
        %get3A_275 = vector.shape_cast %get3A_274 : vector<1x16xf32> to vector<16xf32>
        %get3A_276 = arith.index_cast %add3A_47 : i32 to index
        %get3A_277 = arith.constant 208 : index
        %get3A_278 = tpu.vector_load %arg16[%get3A_276, %get3A_277] {strides = array<i32>} : memref<48x768xf32, #tpu.memory_space<vmem>>, vector<1x16xf32>,
        %get3A_279 = vector.shape_cast %get3A_278 : vector<1x16xf32> to vector<16xf32>
        %add3A_280 = arith.addf %get3A_275, %get3A_279 : vector<16xf32>
        %add3A_281 = arith.addf %add3A_264, %add3A_280 : vector<16xf32>
        %mul3A_282 = arith.mulf %add3A_280, %add3A_280 : vector<16xf32>
        %add3A_283 = arith.addf %add3A_266, %mul3A_282 : vector<16xf32>
        %swap3A_284 = arith.index_cast %scan3A_38 : i32 to index
        %swap3A_285 = arith.constant 208 : index
        %swap3A_286 = tpu.vector_load %arg17[%swap3A_284, %swap3A_285] {strides = array<i32>} : memref<16x768xf32, #tpu.memory_space<vmem>>, vector<1x16xf32>,
        %swap3A_287 = vector.shape_cast %swap3A_286 : vector<1x16xf32> to vector<16xf32>
        %swap3A_288 = vector.shape_cast %add3A_280 : vector<16xf32> to vector<1x16xf32>
        tpu.vector_store %arg17[%swap3A_284, %swap3A_285], %swap3A_288 {strides = array<i32>} : memref<16x768xf32, #tpu.memory_space<vmem>>, vector<1x16xf32>,
        %get3A_289 = arith.index_cast %scan3A_38 : i32 to index
        %get3A_290 = arith.constant 224 : index
        %get3A_291 = tpu.vector_load %arg17[%get3A_289, %get3A_290] {strides = array<i32>} : memref<16x768xf32, #tpu.memory_space<vmem>>, vector<1x16xf32>,
        %get3A_292 = vector.shape_cast %get3A_291 : vector<1x16xf32> to vector<16xf32>
        %get3A_293 = arith.index_cast %add3A_47 : i32 to index
        %get3A_294 = arith.constant 224 : index
        %get3A_295 = tpu.vector_load %arg16[%get3A_293, %get3A_294] {strides = array<i32>} : memref<48x768xf32, #tpu.memory_space<vmem>>, vector<1x16xf32>,
        %get3A_296 = vector.shape_cast %get3A_295 : vector<1x16xf32> to vector<16xf32>
        %add3A_297 = arith.addf %get3A_292, %get3A_296 : vector<16xf32>
        %add3A_298 = arith.addf %add3A_281, %add3A_297 : vector<16xf32>
        %mul3A_299 = arith.mulf %add3A_297, %add3A_297 : vector<16xf32>
        %add3A_300 = arith.addf %add3A_283, %mul3A_299 : vector<16xf32>
        %swap3A_301 = arith.index_cast %scan3A_38 : i32 to index
        %swap3A_302 = arith.constant 224 : index
        %swap3A_303 = tpu.vector_load %arg17[%swap3A_301, %swap3A_302] {strides = array<i32>} : memref<16x768xf32, #tpu.memory_space<vmem>>, vector<1x16xf32>,
        %swap3A_304 = vector.shape_cast %swap3A_303 : vector<1x16xf32> to vector<16xf32>
        %swap3A_305 = vector.shape_cast %add3A_297 : vector<16xf32> to vector<1x16xf32>
        tpu.vector_store %arg17[%swap3A_301, %swap3A_302], %swap3A_305 {strides = array<i32>} : memref<16x768xf32, #tpu.memory_space<vmem>>, vector<1x16xf32>,
        %get3A_306 = arith.index_cast %scan3A_38 : i32 to index
        %get3A_307 = arith.constant 240 : index
        %get3A_308 = tpu.vector_load %arg17[%get3A_306, %get3A_307] {strides = array<i32>} : memref<16x768xf32, #tpu.memory_space<vmem>>, vector<1x16xf32>,
        %get3A_309 = vector.shape_cast %get3A_308 : vector<1x16xf32> to vector<16xf32>
        %get3A_310 = arith.index_cast %add3A_47 : i32 to index
        %get3A_311 = arith.constant 240 : index
        %get3A_312 = tpu.vector_load %arg16[%get3A_310, %get3A_311] {strides = array<i32>} : memref<48x768xf32, #tpu.memory_space<vmem>>, vector<1x16xf32>,
        %get3A_313 = vector.shape_cast %get3A_312 : vector<1x16xf32> to vector<16xf32>
        %add3A_314 = arith.addf %get3A_309, %get3A_313 : vector<16xf32>
        %add3A_315 = arith.addf %add3A_298, %add3A_314 : vector<16xf32>
        %mul3A_316 = arith.mulf %add3A_314, %add3A_314 : vector<16xf32>
        %add3A_317 = arith.addf %add3A_300, %mul3A_316 : vector<16xf32>
        %swap3A_318 = arith.index_cast %scan3A_38 : i32 to index
        %swap3A_319 = arith.constant 240 : index
        %swap3A_320 = tpu.vector_load %arg17[%swap3A_318, %swap3A_319] {strides = array<i32>} : memref<16x768xf32, #tpu.memory_space<vmem>>, vector<1x16xf32>,
        %swap3A_321 = vector.shape_cast %swap3A_320 : vector<1x16xf32> to vector<16xf32>
        %swap3A_322 = vector.shape_cast %add3A_314 : vector<16xf32> to vector<1x16xf32>
        tpu.vector_store %arg17[%swap3A_318, %swap3A_319], %swap3A_322 {strides = array<i32>} : memref<16x768xf32, #tpu.memory_space<vmem>>, vector<1x16xf32>,
        %get3A_323 = arith.index_cast %scan3A_38 : i32 to index
        %get3A_324 = arith.constant 256 : index
        %get3A_325 = tpu.vector_load %arg17[%get3A_323, %get3A_324] {strides = array<i32>} : memref<16x768xf32, #tpu.memory_space<vmem>>, vector<1x16xf32>,
        %get3A_326 = vector.shape_cast %get3A_325 : vector<1x16xf32> to vector<16xf32>
        %get3A_327 = arith.index_cast %add3A_47 : i32 to index
        %get3A_328 = arith.constant 256 : index
        %get3A_329 = tpu.vector_load %arg16[%get3A_327, %get3A_328] {strides = array<i32>} : memref<48x768xf32, #tpu.memory_space<vmem>>, vector<1x16xf32>,
        %get3A_330 = vector.shape_cast %get3A_329 : vector<1x16xf32> to vector<16xf32>
        %add3A_331 = arith.addf %get3A_326, %get3A_330 : vector<16xf32>
        %add3A_332 = arith.addf %add3A_315, %add3A_331 : vector<16xf32>
        %mul3A_333 = arith.mulf %add3A_331, %add3A_331 : vector<16xf32>
        %add3A_334 = arith.addf %add3A_317, %mul3A_333 : vector<16xf32>
        %swap3A_335 = arith.index_cast %scan3A_38 : i32 to index
        %swap3A_336 = arith.constant 256 : index
        %swap3A_337 = tpu.vector_load %arg17[%swap3A_335, %swap3A_336] {strides = array<i32>} : memref<16x768xf32, #tpu.memory_space<vmem>>, vector<1x16xf32>,
        %swap3A_338 = vector.shape_cast %swap3A_337 : vector<1x16xf32> to vector<16xf32>
        %swap3A_339 = vector.shape_cast %add3A_331 : vector<16xf32> to vector<1x16xf32>
        tpu.vector_store %arg17[%swap3A_335, %swap3A_336], %swap3A_339 {strides = array<i32>} : memref<16x768xf32, #tpu.memory_space<vmem>>, vector<1x16xf32>,
        %get3A_340 = arith.index_cast %scan3A_38 : i32 to index
        %get3A_341 = arith.constant 272 : index
        %get3A_342 = tpu.vector_load %arg17[%get3A_340, %get3A_341] {strides = array<i32>} : memref<16x768xf32, #tpu.memory_space<vmem>>, vector<1x16xf32>,
        %get3A_343 = vector.shape_cast %get3A_342 : vector<1x16xf32> to vector<16xf32>
        %get3A_344 = arith.index_cast %add3A_47 : i32 to index
        %get3A_345 = arith.constant 272 : index
        %get3A_346 = tpu.vector_load %arg16[%get3A_344, %get3A_345] {strides = array<i32>} : memref<48x768xf32, #tpu.memory_space<vmem>>, vector<1x16xf32>,
        %get3A_347 = vector.shape_cast %get3A_346 : vector<1x16xf32> to vector<16xf32>
        %add3A_348 = arith.addf %get3A_343, %get3A_347 : vector<16xf32>
        %add3A_349 = arith.addf %add3A_332, %add3A_348 : vector<16xf32>
        %mul3A_350 = arith.mulf %add3A_348, %add3A_348 : vector<16xf32>
        %add3A_351 = arith.addf %add3A_334, %mul3A_350 : vector<16xf32>
        %swap3A_352 = arith.index_cast %scan3A_38 : i32 to index
        %swap3A_353 = arith.constant 272 : index
        %swap3A_354 = tpu.vector_load %arg17[%swap3A_352, %swap3A_353] {strides = array<i32>} : memref<16x768xf32, #tpu.memory_space<vmem>>, vector<1x16xf32>,
        %swap3A_355 = vector.shape_cast %swap3A_354 : vector<1x16xf32> to vector<16xf32>
        %swap3A_356 = vector.shape_cast %add3A_348 : vector<16xf32> to vector<1x16xf32>
        tpu.vector_store %arg17[%swap3A_352, %swap3A_353], %swap3A_356 {strides = array<i32>} : memref<16x768xf32, #tpu.memory_space<vmem>>, vector<1x16xf32>,
        %get3A_357 = arith.index_cast %scan3A_38 : i32 to index
        %get3A_358 = arith.constant 288 : index
        %get3A_359 = tpu.vector_load %arg17[%get3A_357, %get3A_358] {strides = array<i32>} : memref<16x768xf32, #tpu.memory_space<vmem>>, vector<1x16xf32>,
        %get3A_360 = vector.shape_cast %get3A_359 : vector<1x16xf32> to vector<16xf32>
        %get3A_361 = arith.index_cast %add3A_47 : i32 to index
        %get3A_362 = arith.constant 288 : index
        %get3A_363 = tpu.vector_load %arg16[%get3A_361, %get3A_362] {strides = array<i32>} : memref<48x768xf32, #tpu.memory_space<vmem>>, vector<1x16xf32>,
        %get3A_364 = vector.shape_cast %get3A_363 : vector<1x16xf32> to vector<16xf32>
        %add3A_365 = arith.addf %get3A_360, %get3A_364 : vector<16xf32>
        %add3A_366 = arith.addf %add3A_349, %add3A_365 : vector<16xf32>
        %mul3A_367 = arith.mulf %add3A_365, %add3A_365 : vector<16xf32>
        %add3A_368 = arith.addf %add3A_351, %mul3A_367 : vector<16xf32>
        %swap3A_369 = arith.index_cast %scan3A_38 : i32 to index
        %swap3A_370 = arith.constant 288 : index
        %swap3A_371 = tpu.vector_load %arg17[%swap3A_369, %swap3A_370] {strides = array<i32>} : memref<16x768xf32, #tpu.memory_space<vmem>>, vector<1x16xf32>,
        %swap3A_372 = vector.shape_cast %swap3A_371 : vector<1x16xf32> to vector<16xf32>
        %swap3A_373 = vector.shape_cast %add3A_365 : vector<16xf32> to vector<1x16xf32>
        tpu.vector_store %arg17[%swap3A_369, %swap3A_370], %swap3A_373 {strides = array<i32>} : memref<16x768xf32, #tpu.memory_space<vmem>>, vector<1x16xf32>,
        %get3A_374 = arith.index_cast %scan3A_38 : i32 to index
        %get3A_375 = arith.constant 304 : index
        %get3A_376 = tpu.vector_load %arg17[%get3A_374, %get3A_375] {strides = array<i32>} : memref<16x768xf32, #tpu.memory_space<vmem>>, vector<1x16xf32>,
        %get3A_377 = vector.shape_cast %get3A_376 : vector<1x16xf32> to vector<16xf32>
        %get3A_378 = arith.index_cast %add3A_47 : i32 to index
        %get3A_379 = arith.constant 304 : index
        %get3A_380 = tpu.vector_load %arg16[%get3A_378, %get3A_379] {strides = array<i32>} : memref<48x768xf32, #tpu.memory_space<vmem>>, vector<1x16xf32>,
        %get3A_381 = vector.shape_cast %get3A_380 : vector<1x16xf32> to vector<16xf32>
        %add3A_382 = arith.addf %get3A_377, %get3A_381 : vector<16xf32>
        %add3A_383 = arith.addf %add3A_366, %add3A_382 : vector<16xf32>
        %mul3A_384 = arith.mulf %add3A_382, %add3A_382 : vector<16xf32>
        %add3A_385 = arith.addf %add3A_368, %mul3A_384 : vector<16xf32>
        %swap3A_386 = arith.index_cast %scan3A_38 : i32 to index
        %swap3A_387 = arith.constant 304 : index
        %swap3A_388 = tpu.vector_load %arg17[%swap3A_386, %swap3A_387] {strides = array<i32>} : memref<16x768xf32, #tpu.memory_space<vmem>>, vector<1x16xf32>,
        %swap3A_389 = vector.shape_cast %swap3A_388 : vector<1x16xf32> to vector<16xf32>
        %swap3A_390 = vector.shape_cast %add3A_382 : vector<16xf32> to vector<1x16xf32>
        tpu.vector_store %arg17[%swap3A_386, %swap3A_387], %swap3A_390 {strides = array<i32>} : memref<16x768xf32, #tpu.memory_space<vmem>>, vector<1x16xf32>,
        %get3A_391 = arith.index_cast %scan3A_38 : i32 to index
        %get3A_392 = arith.constant 320 : index
        %get3A_393 = tpu.vector_load %arg17[%get3A_391, %get3A_392] {strides = array<i32>} : memref<16x768xf32, #tpu.memory_space<vmem>>, vector<1x16xf32>,
        %get3A_394 = vector.shape_cast %get3A_393 : vector<1x16xf32> to vector<16xf32>
        %get3A_395 = arith.index_cast %add3A_47 : i32 to index
        %get3A_396 = arith.constant 320 : index
        %get3A_397 = tpu.vector_load %arg16[%get3A_395, %get3A_396] {strides = array<i32>} : memref<48x768xf32, #tpu.memory_space<vmem>>, vector<1x16xf32>,
        %get3A_398 = vector.shape_cast %get3A_397 : vector<1x16xf32> to vector<16xf32>
        %add3A_399 = arith.addf %get3A_394, %get3A_398 : vector<16xf32>
        %add3A_400 = arith.addf %add3A_383, %add3A_399 : vector<16xf32>
        %mul3A_401 = arith.mulf %add3A_399, %add3A_399 : vector<16xf32>
        %add3A_402 = arith.addf %add3A_385, %mul3A_401 : vector<16xf32>
        %swap3A_403 = arith.index_cast %scan3A_38 : i32 to index
        %swap3A_404 = arith.constant 320 : index
        %swap3A_405 = tpu.vector_load %arg17[%swap3A_403, %swap3A_404] {strides = array<i32>} : memref<16x768xf32, #tpu.memory_space<vmem>>, vector<1x16xf32>,
        %swap3A_406 = vector.shape_cast %swap3A_405 : vector<1x16xf32> to vector<16xf32>
        %swap3A_407 = vector.shape_cast %add3A_399 : vector<16xf32> to vector<1x16xf32>
        tpu.vector_store %arg17[%swap3A_403, %swap3A_404], %swap3A_407 {strides = array<i32>} : memref<16x768xf32, #tpu.memory_space<vmem>>, vector<1x16xf32>,
        %get3A_408 = arith.index_cast %scan3A_38 : i32 to index
        %get3A_409 = arith.constant 336 : index
        %get3A_410 = tpu.vector_load %arg17[%get3A_408, %get3A_409] {strides = array<i32>} : memref<16x768xf32, #tpu.memory_space<vmem>>, vector<1x16xf32>,
        %get3A_411 = vector.shape_cast %get3A_410 : vector<1x16xf32> to vector<16xf32>
        %get3A_412 = arith.index_cast %add3A_47 : i32 to index
        %get3A_413 = arith.constant 336 : index
        %get3A_414 = tpu.vector_load %arg16[%get3A_412, %get3A_413] {strides = array<i32>} : memref<48x768xf32, #tpu.memory_space<vmem>>, vector<1x16xf32>,
        %get3A_415 = vector.shape_cast %get3A_414 : vector<1x16xf32> to vector<16xf32>
        %add3A_416 = arith.addf %get3A_411, %get3A_415 : vector<16xf32>
        %add3A_417 = arith.addf %add3A_400, %add3A_416 : vector<16xf32>
        %mul3A_418 = arith.mulf %add3A_416, %add3A_416 : vector<16xf32>
        %add3A_419 = arith.addf %add3A_402, %mul3A_418 : vector<16xf32>
        %swap3A_420 = arith.index_cast %scan3A_38 : i32 to index
        %swap3A_421 = arith.constant 336 : index
        %swap3A_422 = tpu.vector_load %arg17[%swap3A_420, %swap3A_421] {strides = array<i32>} : memref<16x768xf32, #tpu.memory_space<vmem>>, vector<1x16xf32>,
        %swap3A_423 = vector.shape_cast %swap3A_422 : vector<1x16xf32> to vector<16xf32>
        %swap3A_424 = vector.shape_cast %add3A_416 : vector<16xf32> to vector<1x16xf32>
        tpu.vector_store %arg17[%swap3A_420, %swap3A_421], %swap3A_424 {strides = array<i32>} : memref<16x768xf32, #tpu.memory_space<vmem>>, vector<1x16xf32>,
        %get3A_425 = arith.index_cast %scan3A_38 : i32 to index
        %get3A_426 = arith.constant 352 : index
        %get3A_427 = tpu.vector_load %arg17[%get3A_425, %get3A_426] {strides = array<i32>} : memref<16x768xf32, #tpu.memory_space<vmem>>, vector<1x16xf32>,
        %get3A_428 = vector.shape_cast %get3A_427 : vector<1x16xf32> to vector<16xf32>
        %get3A_429 = arith.index_cast %add3A_47 : i32 to index
        %get3A_430 = arith.constant 352 : index
        %get3A_431 = tpu.vector_load %arg16[%get3A_429, %get3A_430] {strides = array<i32>} : memref<48x768xf32, #tpu.memory_space<vmem>>, vector<1x16xf32>,
        %get3A_432 = vector.shape_cast %get3A_431 : vector<1x16xf32> to vector<16xf32>
        %add3A_433 = arith.addf %get3A_428, %get3A_432 : vector<16xf32>
        %add3A_434 = arith.addf %add3A_417, %add3A_433 : vector<16xf32>
        %mul3A_435 = arith.mulf %add3A_433, %add3A_433 : vector<16xf32>
        %add3A_436 = arith.addf %add3A_419, %mul3A_435 : vector<16xf32>
        %swap3A_437 = arith.index_cast %scan3A_38 : i32 to index
        %swap3A_438 = arith.constant 352 : index
        %swap3A_439 = tpu.vector_load %arg17[%swap3A_437, %swap3A_438] {strides = array<i32>} : memref<16x768xf32, #tpu.memory_space<vmem>>, vector<1x16xf32>,
        %swap3A_440 = vector.shape_cast %swap3A_439 : vector<1x16xf32> to vector<16xf32>
        %swap3A_441 = vector.shape_cast %add3A_433 : vector<16xf32> to vector<1x16xf32>
        tpu.vector_store %arg17[%swap3A_437, %swap3A_438], %swap3A_441 {strides = array<i32>} : memref<16x768xf32, #tpu.memory_space<vmem>>, vector<1x16xf32>,
        %get3A_442 = arith.index_cast %scan3A_38 : i32 to index
        %get3A_443 = arith.constant 368 : index
        %get3A_444 = tpu.vector_load %arg17[%get3A_442, %get3A_443] {strides = array<i32>} : memref<16x768xf32, #tpu.memory_space<vmem>>, vector<1x16xf32>,
        %get3A_445 = vector.shape_cast %get3A_444 : vector<1x16xf32> to vector<16xf32>
        %get3A_446 = arith.index_cast %add3A_47 : i32 to index
        %get3A_447 = arith.constant 368 : index
        %get3A_448 = tpu.vector_load %arg16[%get3A_446, %get3A_447] {strides = array<i32>} : memref<48x768xf32, #tpu.memory_space<vmem>>, vector<1x16xf32>,
        %get3A_449 = vector.shape_cast %get3A_448 : vector<1x16xf32> to vector<16xf32>
        %add3A_450 = arith.addf %get3A_445, %get3A_449 : vector<16xf32>
        %add3A_451 = arith.addf %add3A_434, %add3A_450 : vector<16xf32>
        %mul3A_452 = arith.mulf %add3A_450, %add3A_450 : vector<16xf32>
        %add3A_453 = arith.addf %add3A_436, %mul3A_452 : vector<16xf32>
        %swap3A_454 = arith.index_cast %scan3A_38 : i32 to index
        %swap3A_455 = arith.constant 368 : index
        %swap3A_456 = tpu.vector_load %arg17[%swap3A_454, %swap3A_455] {strides = array<i32>} : memref<16x768xf32, #tpu.memory_space<vmem>>, vector<1x16xf32>,
        %swap3A_457 = vector.shape_cast %swap3A_456 : vector<1x16xf32> to vector<16xf32>
        %swap3A_458 = vector.shape_cast %add3A_450 : vector<16xf32> to vector<1x16xf32>
        tpu.vector_store %arg17[%swap3A_454, %swap3A_455], %swap3A_458 {strides = array<i32>} : memref<16x768xf32, #tpu.memory_space<vmem>>, vector<1x16xf32>,
        %get3A_459 = arith.index_cast %scan3A_38 : i32 to index
        %get3A_460 = arith.constant 384 : index
        %get3A_461 = tpu.vector_load %arg17[%get3A_459, %get3A_460] {strides = array<i32>} : memref<16x768xf32, #tpu.memory_space<vmem>>, vector<1x16xf32>,
        %get3A_462 = vector.shape_cast %get3A_461 : vector<1x16xf32> to vector<16xf32>
        %get3A_463 = arith.index_cast %add3A_47 : i32 to index
        %get3A_464 = arith.constant 384 : index
        %get3A_465 = tpu.vector_load %arg16[%get3A_463, %get3A_464] {strides = array<i32>} : memref<48x768xf32, #tpu.memory_space<vmem>>, vector<1x16xf32>,
        %get3A_466 = vector.shape_cast %get3A_465 : vector<1x16xf32> to vector<16xf32>
        %add3A_467 = arith.addf %get3A_462, %get3A_466 : vector<16xf32>
        %add3A_468 = arith.addf %add3A_451, %add3A_467 : vector<16xf32>
        %mul3A_469 = arith.mulf %add3A_467, %add3A_467 : vector<16xf32>
        %add3A_470 = arith.addf %add3A_453, %mul3A_469 : vector<16xf32>
        %swap3A_471 = arith.index_cast %scan3A_38 : i32 to index
        %swap3A_472 = arith.constant 384 : index
        %swap3A_473 = tpu.vector_load %arg17[%swap3A_471, %swap3A_472] {strides = array<i32>} : memref<16x768xf32, #tpu.memory_space<vmem>>, vector<1x16xf32>,
        %swap3A_474 = vector.shape_cast %swap3A_473 : vector<1x16xf32> to vector<16xf32>
        %swap3A_475 = vector.shape_cast %add3A_467 : vector<16xf32> to vector<1x16xf32>
        tpu.vector_store %arg17[%swap3A_471, %swap3A_472], %swap3A_475 {strides = array<i32>} : memref<16x768xf32, #tpu.memory_space<vmem>>, vector<1x16xf32>,
        %get3A_476 = arith.index_cast %scan3A_38 : i32 to index
        %get3A_477 = arith.constant 400 : index
        %get3A_478 = tpu.vector_load %arg17[%get3A_476, %get3A_477] {strides = array<i32>} : memref<16x768xf32, #tpu.memory_space<vmem>>, vector<1x16xf32>,
        %get3A_479 = vector.shape_cast %get3A_478 : vector<1x16xf32> to vector<16xf32>
        %get3A_480 = arith.index_cast %add3A_47 : i32 to index
        %get3A_481 = arith.constant 400 : index
        %get3A_482 = tpu.vector_load %arg16[%get3A_480, %get3A_481] {strides = array<i32>} : memref<48x768xf32, #tpu.memory_space<vmem>>, vector<1x16xf32>,
        %get3A_483 = vector.shape_cast %get3A_482 : vector<1x16xf32> to vector<16xf32>
        %add3A_484 = arith.addf %get3A_479, %get3A_483 : vector<16xf32>
        %add3A_485 = arith.addf %add3A_468, %add3A_484 : vector<16xf32>
        %mul3A_486 = arith.mulf %add3A_484, %add3A_484 : vector<16xf32>
        %add3A_487 = arith.addf %add3A_470, %mul3A_486 : vector<16xf32>
        %swap3A_488 = arith.index_cast %scan3A_38 : i32 to index
        %swap3A_489 = arith.constant 400 : index
        %swap3A_490 = tpu.vector_load %arg17[%swap3A_488, %swap3A_489] {strides = array<i32>} : memref<16x768xf32, #tpu.memory_space<vmem>>, vector<1x16xf32>,
        %swap3A_491 = vector.shape_cast %swap3A_490 : vector<1x16xf32> to vector<16xf32>
        %swap3A_492 = vector.shape_cast %add3A_484 : vector<16xf32> to vector<1x16xf32>
        tpu.vector_store %arg17[%swap3A_488, %swap3A_489], %swap3A_492 {strides = array<i32>} : memref<16x768xf32, #tpu.memory_space<vmem>>, vector<1x16xf32>,
        %get3A_493 = arith.index_cast %scan3A_38 : i32 to index
        %get3A_494 = arith.constant 416 : index
        %get3A_495 = tpu.vector_load %arg17[%get3A_493, %get3A_494] {strides = array<i32>} : memref<16x768xf32, #tpu.memory_space<vmem>>, vector<1x16xf32>,
        %get3A_496 = vector.shape_cast %get3A_495 : vector<1x16xf32> to vector<16xf32>
        %get3A_497 = arith.index_cast %add3A_47 : i32 to index
        %get3A_498 = arith.constant 416 : index
        %get3A_499 = tpu.vector_load %arg16[%get3A_497, %get3A_498] {strides = array<i32>} : memref<48x768xf32, #tpu.memory_space<vmem>>, vector<1x16xf32>,
        %get3A_500 = vector.shape_cast %get3A_499 : vector<1x16xf32> to vector<16xf32>
        %add3A_501 = arith.addf %get3A_496, %get3A_500 : vector<16xf32>
        %add3A_502 = arith.addf %add3A_485, %add3A_501 : vector<16xf32>
        %mul3A_503 = arith.mulf %add3A_501, %add3A_501 : vector<16xf32>
        %add3A_504 = arith.addf %add3A_487, %mul3A_503 : vector<16xf32>
        %swap3A_505 = arith.index_cast %scan3A_38 : i32 to index
        %swap3A_506 = arith.constant 416 : index
        %swap3A_507 = tpu.vector_load %arg17[%swap3A_505, %swap3A_506] {strides = array<i32>} : memref<16x768xf32, #tpu.memory_space<vmem>>, vector<1x16xf32>,
        %swap3A_508 = vector.shape_cast %swap3A_507 : vector<1x16xf32> to vector<16xf32>
        %swap3A_509 = vector.shape_cast %add3A_501 : vector<16xf32> to vector<1x16xf32>
        tpu.vector_store %arg17[%swap3A_505, %swap3A_506], %swap3A_509 {strides = array<i32>} : memref<16x768xf32, #tpu.memory_space<vmem>>, vector<1x16xf32>,
        %get3A_510 = arith.index_cast %scan3A_38 : i32 to index
        %get3A_511 = arith.constant 432 : index
        %get3A_512 = tpu.vector_load %arg17[%get3A_510, %get3A_511] {strides = array<i32>} : memref<16x768xf32, #tpu.memory_space<vmem>>, vector<1x16xf32>,
        %get3A_513 = vector.shape_cast %get3A_512 : vector<1x16xf32> to vector<16xf32>
        %get3A_514 = arith.index_cast %add3A_47 : i32 to index
        %get3A_515 = arith.constant 432 : index
        %get3A_516 = tpu.vector_load %arg16[%get3A_514, %get3A_515] {strides = array<i32>} : memref<48x768xf32, #tpu.memory_space<vmem>>, vector<1x16xf32>,
        %get3A_517 = vector.shape_cast %get3A_516 : vector<1x16xf32> to vector<16xf32>
        %add3A_518 = arith.addf %get3A_513, %get3A_517 : vector<16xf32>
        %add3A_519 = arith.addf %add3A_502, %add3A_518 : vector<16xf32>
        %mul3A_520 = arith.mulf %add3A_518, %add3A_518 : vector<16xf32>
        %add3A_521 = arith.addf %add3A_504, %mul3A_520 : vector<16xf32>
        %swap3A_522 = arith.index_cast %scan3A_38 : i32 to index
        %swap3A_523 = arith.constant 432 : index
        %swap3A_524 = tpu.vector_load %arg17[%swap3A_522, %swap3A_523] {strides = array<i32>} : memref<16x768xf32, #tpu.memory_space<vmem>>, vector<1x16xf32>,
        %swap3A_525 = vector.shape_cast %swap3A_524 : vector<1x16xf32> to vector<16xf32>
        %swap3A_526 = vector.shape_cast %add3A_518 : vector<16xf32> to vector<1x16xf32>
        tpu.vector_store %arg17[%swap3A_522, %swap3A_523], %swap3A_526 {strides = array<i32>} : memref<16x768xf32, #tpu.memory_space<vmem>>, vector<1x16xf32>,
        %get3A_527 = arith.index_cast %scan3A_38 : i32 to index
        %get3A_528 = arith.constant 448 : index
        %get3A_529 = tpu.vector_load %arg17[%get3A_527, %get3A_528] {strides = array<i32>} : memref<16x768xf32, #tpu.memory_space<vmem>>, vector<1x16xf32>,
        %get3A_530 = vector.shape_cast %get3A_529 : vector<1x16xf32> to vector<16xf32>
        %get3A_531 = arith.index_cast %add3A_47 : i32 to index
        %get3A_532 = arith.constant 448 : index
        %get3A_533 = tpu.vector_load %arg16[%get3A_531, %get3A_532] {strides = array<i32>} : memref<48x768xf32, #tpu.memory_space<vmem>>, vector<1x16xf32>,
        %get3A_534 = vector.shape_cast %get3A_533 : vector<1x16xf32> to vector<16xf32>
        %add3A_535 = arith.addf %get3A_530, %get3A_534 : vector<16xf32>
        %add3A_536 = arith.addf %add3A_519, %add3A_535 : vector<16xf32>
        %mul3A_537 = arith.mulf %add3A_535, %add3A_535 : vector<16xf32>
        %add3A_538 = arith.addf %add3A_521, %mul3A_537 : vector<16xf32>
        %swap3A_539 = arith.index_cast %scan3A_38 : i32 to index
        %swap3A_540 = arith.constant 448 : index
        %swap3A_541 = tpu.vector_load %arg17[%swap3A_539, %swap3A_540] {strides = array<i32>} : memref<16x768xf32, #tpu.memory_space<vmem>>, vector<1x16xf32>,
        %swap3A_542 = vector.shape_cast %swap3A_541 : vector<1x16xf32> to vector<16xf32>
        %swap3A_543 = vector.shape_cast %add3A_535 : vector<16xf32> to vector<1x16xf32>
        tpu.vector_store %arg17[%swap3A_539, %swap3A_540], %swap3A_543 {strides = array<i32>} : memref<16x768xf32, #tpu.memory_space<vmem>>, vector<1x16xf32>,
        %get3A_544 = arith.index_cast %scan3A_38 : i32 to index
        %get3A_545 = arith.constant 464 : index
        %get3A_546 = tpu.vector_load %arg17[%get3A_544, %get3A_545] {strides = array<i32>} : memref<16x768xf32, #tpu.memory_space<vmem>>, vector<1x16xf32>,
        %get3A_547 = vector.shape_cast %get3A_546 : vector<1x16xf32> to vector<16xf32>
        %get3A_548 = arith.index_cast %add3A_47 : i32 to index
        %get3A_549 = arith.constant 464 : index
        %get3A_550 = tpu.vector_load %arg16[%get3A_548, %get3A_549] {strides = array<i32>} : memref<48x768xf32, #tpu.memory_space<vmem>>, vector<1x16xf32>,
        %get3A_551 = vector.shape_cast %get3A_550 : vector<1x16xf32> to vector<16xf32>
        %add3A_552 = arith.addf %get3A_547, %get3A_551 : vector<16xf32>
        %add3A_553 = arith.addf %add3A_536, %add3A_552 : vector<16xf32>
        %mul3A_554 = arith.mulf %add3A_552, %add3A_552 : vector<16xf32>
        %add3A_555 = arith.addf %add3A_538, %mul3A_554 : vector<16xf32>
        %swap3A_556 = arith.index_cast %scan3A_38 : i32 to index
        %swap3A_557 = arith.constant 464 : index
        %swap3A_558 = tpu.vector_load %arg17[%swap3A_556, %swap3A_557] {strides = array<i32>} : memref<16x768xf32, #tpu.memory_space<vmem>>, vector<1x16xf32>,
        %swap3A_559 = vector.shape_cast %swap3A_558 : vector<1x16xf32> to vector<16xf32>
        %swap3A_560 = vector.shape_cast %add3A_552 : vector<16xf32> to vector<1x16xf32>
        tpu.vector_store %arg17[%swap3A_556, %swap3A_557], %swap3A_560 {strides = array<i32>} : memref<16x768xf32, #tpu.memory_space<vmem>>, vector<1x16xf32>,
        %get3A_561 = arith.index_cast %scan3A_38 : i32 to index
        %get3A_562 = arith.constant 480 : index
        %get3A_563 = tpu.vector_load %arg17[%get3A_561, %get3A_562] {strides = array<i32>} : memref<16x768xf32, #tpu.memory_space<vmem>>, vector<1x16xf32>,
        %get3A_564 = vector.shape_cast %get3A_563 : vector<1x16xf32> to vector<16xf32>
        %get3A_565 = arith.index_cast %add3A_47 : i32 to index
        %get3A_566 = arith.constant 480 : index
        %get3A_567 = tpu.vector_load %arg16[%get3A_565, %get3A_566] {strides = array<i32>} : memref<48x768xf32, #tpu.memory_space<vmem>>, vector<1x16xf32>,
        %get3A_568 = vector.shape_cast %get3A_567 : vector<1x16xf32> to vector<16xf32>
        %add3A_569 = arith.addf %get3A_564, %get3A_568 : vector<16xf32>
        %add3A_570 = arith.addf %add3A_553, %add3A_569 : vector<16xf32>
        %mul3A_571 = arith.mulf %add3A_569, %add3A_569 : vector<16xf32>
        %add3A_572 = arith.addf %add3A_555, %mul3A_571 : vector<16xf32>
        %swap3A_573 = arith.index_cast %scan3A_38 : i32 to index
        %swap3A_574 = arith.constant 480 : index
        %swap3A_575 = tpu.vector_load %arg17[%swap3A_573, %swap3A_574] {strides = array<i32>} : memref<16x768xf32, #tpu.memory_space<vmem>>, vector<1x16xf32>,
        %swap3A_576 = vector.shape_cast %swap3A_575 : vector<1x16xf32> to vector<16xf32>
        %swap3A_577 = vector.shape_cast %add3A_569 : vector<16xf32> to vector<1x16xf32>
        tpu.vector_store %arg17[%swap3A_573, %swap3A_574], %swap3A_577 {strides = array<i32>} : memref<16x768xf32, #tpu.memory_space<vmem>>, vector<1x16xf32>,
        %get3A_578 = arith.index_cast %scan3A_38 : i32 to index
        %get3A_579 = arith.constant 496 : index
        %get3A_580 = tpu.vector_load %arg17[%get3A_578, %get3A_579] {strides = array<i32>} : memref<16x768xf32, #tpu.memory_space<vmem>>, vector<1x16xf32>,
        %get3A_581 = vector.shape_cast %get3A_580 : vector<1x16xf32> to vector<16xf32>
        %get3A_582 = arith.index_cast %add3A_47 : i32 to index
        %get3A_583 = arith.constant 496 : index
        %get3A_584 = tpu.vector_load %arg16[%get3A_582, %get3A_583] {strides = array<i32>} : memref<48x768xf32, #tpu.memory_space<vmem>>, vector<1x16xf32>,
        %get3A_585 = vector.shape_cast %get3A_584 : vector<1x16xf32> to vector<16xf32>
        %add3A_586 = arith.addf %get3A_581, %get3A_585 : vector<16xf32>
        %add3A_587 = arith.addf %add3A_570, %add3A_586 : vector<16xf32>
        %mul3A_588 = arith.mulf %add3A_586, %add3A_586 : vector<16xf32>
        %add3A_589 = arith.addf %add3A_572, %mul3A_588 : vector<16xf32>
        %swap3A_590 = arith.index_cast %scan3A_38 : i32 to index
        %swap3A_591 = arith.constant 496 : index
        %swap3A_592 = tpu.vector_load %arg17[%swap3A_590, %swap3A_591] {strides = array<i32>} : memref<16x768xf32, #tpu.memory_space<vmem>>, vector<1x16xf32>,
        %swap3A_593 = vector.shape_cast %swap3A_592 : vector<1x16xf32> to vector<16xf32>
        %swap3A_594 = vector.shape_cast %add3A_586 : vector<16xf32> to vector<1x16xf32>
        tpu.vector_store %arg17[%swap3A_590, %swap3A_591], %swap3A_594 {strides = array<i32>} : memref<16x768xf32, #tpu.memory_space<vmem>>, vector<1x16xf32>,
        %get3A_595 = arith.index_cast %scan3A_38 : i32 to index
        %get3A_596 = arith.constant 512 : index
        %get3A_597 = tpu.vector_load %arg17[%get3A_595, %get3A_596] {strides = array<i32>} : memref<16x768xf32, #tpu.memory_space<vmem>>, vector<1x16xf32>,
        %get3A_598 = vector.shape_cast %get3A_597 : vector<1x16xf32> to vector<16xf32>
        %get3A_599 = arith.index_cast %add3A_47 : i32 to index
        %get3A_600 = arith.constant 512 : index
        %get3A_601 = tpu.vector_load %arg16[%get3A_599, %get3A_600] {strides = array<i32>} : memref<48x768xf32, #tpu.memory_space<vmem>>, vector<1x16xf32>,
        %get3A_602 = vector.shape_cast %get3A_601 : vector<1x16xf32> to vector<16xf32>
        %add3A_603 = arith.addf %get3A_598, %get3A_602 : vector<16xf32>
        %add3A_604 = arith.addf %add3A_587, %add3A_603 : vector<16xf32>
        %mul3A_605 = arith.mulf %add3A_603, %add3A_603 : vector<16xf32>
        %add3A_606 = arith.addf %add3A_589, %mul3A_605 : vector<16xf32>
        %swap3A_607 = arith.index_cast %scan3A_38 : i32 to index
        %swap3A_608 = arith.constant 512 : index
        %swap3A_609 = tpu.vector_load %arg17[%swap3A_607, %swap3A_608] {strides = array<i32>} : memref<16x768xf32, #tpu.memory_space<vmem>>, vector<1x16xf32>,
        %swap3A_610 = vector.shape_cast %swap3A_609 : vector<1x16xf32> to vector<16xf32>
        %swap3A_611 = vector.shape_cast %add3A_603 : vector<16xf32> to vector<1x16xf32>
        tpu.vector_store %arg17[%swap3A_607, %swap3A_608], %swap3A_611 {strides = array<i32>} : memref<16x768xf32, #tpu.memory_space<vmem>>, vector<1x16xf32>,
        %get3A_612 = arith.index_cast %scan3A_38 : i32 to index
        %get3A_613 = arith.constant 528 : index
        %get3A_614 = tpu.vector_load %arg17[%get3A_612, %get3A_613] {strides = array<i32>} : memref<16x768xf32, #tpu.memory_space<vmem>>, vector<1x16xf32>,
        %get3A_615 = vector.shape_cast %get3A_614 : vector<1x16xf32> to vector<16xf32>
        %get3A_616 = arith.index_cast %add3A_47 : i32 to index
        %get3A_617 = arith.constant 528 : index
        %get3A_618 = tpu.vector_load %arg16[%get3A_616, %get3A_617] {strides = array<i32>} : memref<48x768xf32, #tpu.memory_space<vmem>>, vector<1x16xf32>,
        %get3A_619 = vector.shape_cast %get3A_618 : vector<1x16xf32> to vector<16xf32>
        %add3A_620 = arith.addf %get3A_615, %get3A_619 : vector<16xf32>
        %add3A_621 = arith.addf %add3A_604, %add3A_620 : vector<16xf32>
        %mul3A_622 = arith.mulf %add3A_620, %add3A_620 : vector<16xf32>
        %add3A_623 = arith.addf %add3A_606, %mul3A_622 : vector<16xf32>
        %swap3A_624 = arith.index_cast %scan3A_38 : i32 to index
        %swap3A_625 = arith.constant 528 : index
        %swap3A_626 = tpu.vector_load %arg17[%swap3A_624, %swap3A_625] {strides = array<i32>} : memref<16x768xf32, #tpu.memory_space<vmem>>, vector<1x16xf32>,
        %swap3A_627 = vector.shape_cast %swap3A_626 : vector<1x16xf32> to vector<16xf32>
        %swap3A_628 = vector.shape_cast %add3A_620 : vector<16xf32> to vector<1x16xf32>
        tpu.vector_store %arg17[%swap3A_624, %swap3A_625], %swap3A_628 {strides = array<i32>} : memref<16x768xf32, #tpu.memory_space<vmem>>, vector<1x16xf32>,
        %get3A_629 = arith.index_cast %scan3A_38 : i32 to index
        %get3A_630 = arith.constant 544 : index
        %get3A_631 = tpu.vector_load %arg17[%get3A_629, %get3A_630] {strides = array<i32>} : memref<16x768xf32, #tpu.memory_space<vmem>>, vector<1x16xf32>,
        %get3A_632 = vector.shape_cast %get3A_631 : vector<1x16xf32> to vector<16xf32>
        %get3A_633 = arith.index_cast %add3A_47 : i32 to index
        %get3A_634 = arith.constant 544 : index
        %get3A_635 = tpu.vector_load %arg16[%get3A_633, %get3A_634] {strides = array<i32>} : memref<48x768xf32, #tpu.memory_space<vmem>>, vector<1x16xf32>,
        %get3A_636 = vector.shape_cast %get3A_635 : vector<1x16xf32> to vector<16xf32>
        %add3A_637 = arith.addf %get3A_632, %get3A_636 : vector<16xf32>
        %add3A_638 = arith.addf %add3A_621, %add3A_637 : vector<16xf32>
        %mul3A_639 = arith.mulf %add3A_637, %add3A_637 : vector<16xf32>
        %add3A_640 = arith.addf %add3A_623, %mul3A_639 : vector<16xf32>
        %swap3A_641 = arith.index_cast %scan3A_38 : i32 to index
        %swap3A_642 = arith.constant 544 : index
        %swap3A_643 = tpu.vector_load %arg17[%swap3A_641, %swap3A_642] {strides = array<i32>} : memref<16x768xf32, #tpu.memory_space<vmem>>, vector<1x16xf32>,
        %swap3A_644 = vector.shape_cast %swap3A_643 : vector<1x16xf32> to vector<16xf32>
        %swap3A_645 = vector.shape_cast %add3A_637 : vector<16xf32> to vector<1x16xf32>
        tpu.vector_store %arg17[%swap3A_641, %swap3A_642], %swap3A_645 {strides = array<i32>} : memref<16x768xf32, #tpu.memory_space<vmem>>, vector<1x16xf32>,
        %get3A_646 = arith.index_cast %scan3A_38 : i32 to index
        %get3A_647 = arith.constant 560 : index
        %get3A_648 = tpu.vector_load %arg17[%get3A_646, %get3A_647] {strides = array<i32>} : memref<16x768xf32, #tpu.memory_space<vmem>>, vector<1x16xf32>,
        %get3A_649 = vector.shape_cast %get3A_648 : vector<1x16xf32> to vector<16xf32>
        %get3A_650 = arith.index_cast %add3A_47 : i32 to index
        %get3A_651 = arith.constant 560 : index
        %get3A_652 = tpu.vector_load %arg16[%get3A_650, %get3A_651] {strides = array<i32>} : memref<48x768xf32, #tpu.memory_space<vmem>>, vector<1x16xf32>,
        %get3A_653 = vector.shape_cast %get3A_652 : vector<1x16xf32> to vector<16xf32>
        %add3A_654 = arith.addf %get3A_649, %get3A_653 : vector<16xf32>
        %add3A_655 = arith.addf %add3A_638, %add3A_654 : vector<16xf32>
        %mul3A_656 = arith.mulf %add3A_654, %add3A_654 : vector<16xf32>
        %add3A_657 = arith.addf %add3A_640, %mul3A_656 : vector<16xf32>
        %swap3A_658 = arith.index_cast %scan3A_38 : i32 to index
        %swap3A_659 = arith.constant 560 : index
        %swap3A_660 = tpu.vector_load %arg17[%swap3A_658, %swap3A_659] {strides = array<i32>} : memref<16x768xf32, #tpu.memory_space<vmem>>, vector<1x16xf32>,
        %swap3A_661 = vector.shape_cast %swap3A_660 : vector<1x16xf32> to vector<16xf32>
        %swap3A_662 = vector.shape_cast %add3A_654 : vector<16xf32> to vector<1x16xf32>
        tpu.vector_store %arg17[%swap3A_658, %swap3A_659], %swap3A_662 {strides = array<i32>} : memref<16x768xf32, #tpu.memory_space<vmem>>, vector<1x16xf32>,
        %get3A_663 = arith.index_cast %scan3A_38 : i32 to index
        %get3A_664 = arith.constant 576 : index
        %get3A_665 = tpu.vector_load %arg17[%get3A_663, %get3A_664] {strides = array<i32>} : memref<16x768xf32, #tpu.memory_space<vmem>>, vector<1x16xf32>,
        %get3A_666 = vector.shape_cast %get3A_665 : vector<1x16xf32> to vector<16xf32>
        %get3A_667 = arith.index_cast %add3A_47 : i32 to index
        %get3A_668 = arith.constant 576 : index
        %get3A_669 = tpu.vector_load %arg16[%get3A_667, %get3A_668] {strides = array<i32>} : memref<48x768xf32, #tpu.memory_space<vmem>>, vector<1x16xf32>,
        %get3A_670 = vector.shape_cast %get3A_669 : vector<1x16xf32> to vector<16xf32>
        %add3A_671 = arith.addf %get3A_666, %get3A_670 : vector<16xf32>
        %add3A_672 = arith.addf %add3A_655, %add3A_671 : vector<16xf32>
        %mul3A_673 = arith.mulf %add3A_671, %add3A_671 : vector<16xf32>
        %add3A_674 = arith.addf %add3A_657, %mul3A_673 : vector<16xf32>
        %swap3A_675 = arith.index_cast %scan3A_38 : i32 to index
        %swap3A_676 = arith.constant 576 : index
        %swap3A_677 = tpu.vector_load %arg17[%swap3A_675, %swap3A_676] {strides = array<i32>} : memref<16x768xf32, #tpu.memory_space<vmem>>, vector<1x16xf32>,
        %swap3A_678 = vector.shape_cast %swap3A_677 : vector<1x16xf32> to vector<16xf32>
        %swap3A_679 = vector.shape_cast %add3A_671 : vector<16xf32> to vector<1x16xf32>
        tpu.vector_store %arg17[%swap3A_675, %swap3A_676], %swap3A_679 {strides = array<i32>} : memref<16x768xf32, #tpu.memory_space<vmem>>, vector<1x16xf32>,
        %get3A_680 = arith.index_cast %scan3A_38 : i32 to index
        %get3A_681 = arith.constant 592 : index
        %get3A_682 = tpu.vector_load %arg17[%get3A_680, %get3A_681] {strides = array<i32>} : memref<16x768xf32, #tpu.memory_space<vmem>>, vector<1x16xf32>,
        %get3A_683 = vector.shape_cast %get3A_682 : vector<1x16xf32> to vector<16xf32>
        %get3A_684 = arith.index_cast %add3A_47 : i32 to index
        %get3A_685 = arith.constant 592 : index
        %get3A_686 = tpu.vector_load %arg16[%get3A_684, %get3A_685] {strides = array<i32>} : memref<48x768xf32, #tpu.memory_space<vmem>>, vector<1x16xf32>,
        %get3A_687 = vector.shape_cast %get3A_686 : vector<1x16xf32> to vector<16xf32>
        %add3A_688 = arith.addf %get3A_683, %get3A_687 : vector<16xf32>
        %add3A_689 = arith.addf %add3A_672, %add3A_688 : vector<16xf32>
        %mul3A_690 = arith.mulf %add3A_688, %add3A_688 : vector<16xf32>
        %add3A_691 = arith.addf %add3A_674, %mul3A_690 : vector<16xf32>
        %swap3A_692 = arith.index_cast %scan3A_38 : i32 to index
        %swap3A_693 = arith.constant 592 : index
        %swap3A_694 = tpu.vector_load %arg17[%swap3A_692, %swap3A_693] {strides = array<i32>} : memref<16x768xf32, #tpu.memory_space<vmem>>, vector<1x16xf32>,
        %swap3A_695 = vector.shape_cast %swap3A_694 : vector<1x16xf32> to vector<16xf32>
        %swap3A_696 = vector.shape_cast %add3A_688 : vector<16xf32> to vector<1x16xf32>
        tpu.vector_store %arg17[%swap3A_692, %swap3A_693], %swap3A_696 {strides = array<i32>} : memref<16x768xf32, #tpu.memory_space<vmem>>, vector<1x16xf32>,
        %get3A_697 = arith.index_cast %scan3A_38 : i32 to index
        %get3A_698 = arith.constant 608 : index
        %get3A_699 = tpu.vector_load %arg17[%get3A_697, %get3A_698] {strides = array<i32>} : memref<16x768xf32, #tpu.memory_space<vmem>>, vector<1x16xf32>,
        %get3A_700 = vector.shape_cast %get3A_699 : vector<1x16xf32> to vector<16xf32>
        %get3A_701 = arith.index_cast %add3A_47 : i32 to index
        %get3A_702 = arith.constant 608 : index
        %get3A_703 = tpu.vector_load %arg16[%get3A_701, %get3A_702] {strides = array<i32>} : memref<48x768xf32, #tpu.memory_space<vmem>>, vector<1x16xf32>,
        %get3A_704 = vector.shape_cast %get3A_703 : vector<1x16xf32> to vector<16xf32>
        %add3A_705 = arith.addf %get3A_700, %get3A_704 : vector<16xf32>
        %add3A_706 = arith.addf %add3A_689, %add3A_705 : vector<16xf32>
        %mul3A_707 = arith.mulf %add3A_705, %add3A_705 : vector<16xf32>
        %add3A_708 = arith.addf %add3A_691, %mul3A_707 : vector<16xf32>
        %swap3A_709 = arith.index_cast %scan3A_38 : i32 to index
        %swap3A_710 = arith.constant 608 : index
        %swap3A_711 = tpu.vector_load %arg17[%swap3A_709, %swap3A_710] {strides = array<i32>} : memref<16x768xf32, #tpu.memory_space<vmem>>, vector<1x16xf32>,
        %swap3A_712 = vector.shape_cast %swap3A_711 : vector<1x16xf32> to vector<16xf32>
        %swap3A_713 = vector.shape_cast %add3A_705 : vector<16xf32> to vector<1x16xf32>
        tpu.vector_store %arg17[%swap3A_709, %swap3A_710], %swap3A_713 {strides = array<i32>} : memref<16x768xf32, #tpu.memory_space<vmem>>, vector<1x16xf32>,
        %get3A_714 = arith.index_cast %scan3A_38 : i32 to index
        %get3A_715 = arith.constant 624 : index
        %get3A_716 = tpu.vector_load %arg17[%get3A_714, %get3A_715] {strides = array<i32>} : memref<16x768xf32, #tpu.memory_space<vmem>>, vector<1x16xf32>,
        %get3A_717 = vector.shape_cast %get3A_716 : vector<1x16xf32> to vector<16xf32>
        %get3A_718 = arith.index_cast %add3A_47 : i32 to index
        %get3A_719 = arith.constant 624 : index
        %get3A_720 = tpu.vector_load %arg16[%get3A_718, %get3A_719] {strides = array<i32>} : memref<48x768xf32, #tpu.memory_space<vmem>>, vector<1x16xf32>,
        %get3A_721 = vector.shape_cast %get3A_720 : vector<1x16xf32> to vector<16xf32>
        %add3A_722 = arith.addf %get3A_717, %get3A_721 : vector<16xf32>
        %add3A_723 = arith.addf %add3A_706, %add3A_722 : vector<16xf32>
        %mul3A_724 = arith.mulf %add3A_722, %add3A_722 : vector<16xf32>
        %add3A_725 = arith.addf %add3A_708, %mul3A_724 : vector<16xf32>
        %swap3A_726 = arith.index_cast %scan3A_38 : i32 to index
        %swap3A_727 = arith.constant 624 : index
        %swap3A_728 = tpu.vector_load %arg17[%swap3A_726, %swap3A_727] {strides = array<i32>} : memref<16x768xf32, #tpu.memory_space<vmem>>, vector<1x16xf32>,
        %swap3A_729 = vector.shape_cast %swap3A_728 : vector<1x16xf32> to vector<16xf32>
        %swap3A_730 = vector.shape_cast %add3A_722 : vector<16xf32> to vector<1x16xf32>
        tpu.vector_store %arg17[%swap3A_726, %swap3A_727], %swap3A_730 {strides = array<i32>} : memref<16x768xf32, #tpu.memory_space<vmem>>, vector<1x16xf32>,
        %get3A_731 = arith.index_cast %scan3A_38 : i32 to index
        %get3A_732 = arith.constant 640 : index
        %get3A_733 = tpu.vector_load %arg17[%get3A_731, %get3A_732] {strides = array<i32>} : memref<16x768xf32, #tpu.memory_space<vmem>>, vector<1x16xf32>,
        %get3A_734 = vector.shape_cast %get3A_733 : vector<1x16xf32> to vector<16xf32>
        %get3A_735 = arith.index_cast %add3A_47 : i32 to index
        %get3A_736 = arith.constant 640 : index
        %get3A_737 = tpu.vector_load %arg16[%get3A_735, %get3A_736] {strides = array<i32>} : memref<48x768xf32, #tpu.memory_space<vmem>>, vector<1x16xf32>,
        %get3A_738 = vector.shape_cast %get3A_737 : vector<1x16xf32> to vector<16xf32>
        %add3A_739 = arith.addf %get3A_734, %get3A_738 : vector<16xf32>
        %add3A_740 = arith.addf %add3A_723, %add3A_739 : vector<16xf32>
        %mul3A_741 = arith.mulf %add3A_739, %add3A_739 : vector<16xf32>
        %add3A_742 = arith.addf %add3A_725, %mul3A_741 : vector<16xf32>
        %swap3A_743 = arith.index_cast %scan3A_38 : i32 to index
        %swap3A_744 = arith.constant 640 : index
        %swap3A_745 = tpu.vector_load %arg17[%swap3A_743, %swap3A_744] {strides = array<i32>} : memref<16x768xf32, #tpu.memory_space<vmem>>, vector<1x16xf32>,
        %swap3A_746 = vector.shape_cast %swap3A_745 : vector<1x16xf32> to vector<16xf32>
        %swap3A_747 = vector.shape_cast %add3A_739 : vector<16xf32> to vector<1x16xf32>
        tpu.vector_store %arg17[%swap3A_743, %swap3A_744], %swap3A_747 {strides = array<i32>} : memref<16x768xf32, #tpu.memory_space<vmem>>, vector<1x16xf32>,
        %get3A_748 = arith.index_cast %scan3A_38 : i32 to index
        %get3A_749 = arith.constant 656 : index
        %get3A_750 = tpu.vector_load %arg17[%get3A_748, %get3A_749] {strides = array<i32>} : memref<16x768xf32, #tpu.memory_space<vmem>>, vector<1x16xf32>,
        %get3A_751 = vector.shape_cast %get3A_750 : vector<1x16xf32> to vector<16xf32>
        %get3A_752 = arith.index_cast %add3A_47 : i32 to index
        %get3A_753 = arith.constant 656 : index
        %get3A_754 = tpu.vector_load %arg16[%get3A_752, %get3A_753] {strides = array<i32>} : memref<48x768xf32, #tpu.memory_space<vmem>>, vector<1x16xf32>,
        %get3A_755 = vector.shape_cast %get3A_754 : vector<1x16xf32> to vector<16xf32>
        %add3A_756 = arith.addf %get3A_751, %get3A_755 : vector<16xf32>
        %add3A_757 = arith.addf %add3A_740, %add3A_756 : vector<16xf32>
        %mul3A_758 = arith.mulf %add3A_756, %add3A_756 : vector<16xf32>
        %add3A_759 = arith.addf %add3A_742, %mul3A_758 : vector<16xf32>
        %swap3A_760 = arith.index_cast %scan3A_38 : i32 to index
        %swap3A_761 = arith.constant 656 : index
        %swap3A_762 = tpu.vector_load %arg17[%swap3A_760, %swap3A_761] {strides = array<i32>} : memref<16x768xf32, #tpu.memory_space<vmem>>, vector<1x16xf32>,
        %swap3A_763 = vector.shape_cast %swap3A_762 : vector<1x16xf32> to vector<16xf32>
        %swap3A_764 = vector.shape_cast %add3A_756 : vector<16xf32> to vector<1x16xf32>
        tpu.vector_store %arg17[%swap3A_760, %swap3A_761], %swap3A_764 {strides = array<i32>} : memref<16x768xf32, #tpu.memory_space<vmem>>, vector<1x16xf32>,
        %get3A_765 = arith.index_cast %scan3A_38 : i32 to index
        %get3A_766 = arith.constant 672 : index
        %get3A_767 = tpu.vector_load %arg17[%get3A_765, %get3A_766] {strides = array<i32>} : memref<16x768xf32, #tpu.memory_space<vmem>>, vector<1x16xf32>,
        %get3A_768 = vector.shape_cast %get3A_767 : vector<1x16xf32> to vector<16xf32>
        %get3A_769 = arith.index_cast %add3A_47 : i32 to index
        %get3A_770 = arith.constant 672 : index
        %get3A_771 = tpu.vector_load %arg16[%get3A_769, %get3A_770] {strides = array<i32>} : memref<48x768xf32, #tpu.memory_space<vmem>>, vector<1x16xf32>,
        %get3A_772 = vector.shape_cast %get3A_771 : vector<1x16xf32> to vector<16xf32>
        %add3A_773 = arith.addf %get3A_768, %get3A_772 : vector<16xf32>
        %add3A_774 = arith.addf %add3A_757, %add3A_773 : vector<16xf32>
        %mul3A_775 = arith.mulf %add3A_773, %add3A_773 : vector<16xf32>
        %add3A_776 = arith.addf %add3A_759, %mul3A_775 : vector<16xf32>
        %swap3A_777 = arith.index_cast %scan3A_38 : i32 to index
        %swap3A_778 = arith.constant 672 : index
        %swap3A_779 = tpu.vector_load %arg17[%swap3A_777, %swap3A_778] {strides = array<i32>} : memref<16x768xf32, #tpu.memory_space<vmem>>, vector<1x16xf32>,
        %swap3A_780 = vector.shape_cast %swap3A_779 : vector<1x16xf32> to vector<16xf32>
        %swap3A_781 = vector.shape_cast %add3A_773 : vector<16xf32> to vector<1x16xf32>
        tpu.vector_store %arg17[%swap3A_777, %swap3A_778], %swap3A_781 {strides = array<i32>} : memref<16x768xf32, #tpu.memory_space<vmem>>, vector<1x16xf32>,
        %get3A_782 = arith.index_cast %scan3A_38 : i32 to index
        %get3A_783 = arith.constant 688 : index
        %get3A_784 = tpu.vector_load %arg17[%get3A_782, %get3A_783] {strides = array<i32>} : memref<16x768xf32, #tpu.memory_space<vmem>>, vector<1x16xf32>,
        %get3A_785 = vector.shape_cast %get3A_784 : vector<1x16xf32> to vector<16xf32>
        %get3A_786 = arith.index_cast %add3A_47 : i32 to index
        %get3A_787 = arith.constant 688 : index
        %get3A_788 = tpu.vector_load %arg16[%get3A_786, %get3A_787] {strides = array<i32>} : memref<48x768xf32, #tpu.memory_space<vmem>>, vector<1x16xf32>,
        %get3A_789 = vector.shape_cast %get3A_788 : vector<1x16xf32> to vector<16xf32>
        %add3A_790 = arith.addf %get3A_785, %get3A_789 : vector<16xf32>
        %add3A_791 = arith.addf %add3A_774, %add3A_790 : vector<16xf32>
        %mul3A_792 = arith.mulf %add3A_790, %add3A_790 : vector<16xf32>
        %add3A_793 = arith.addf %add3A_776, %mul3A_792 : vector<16xf32>
        %swap3A_794 = arith.index_cast %scan3A_38 : i32 to index
        %swap3A_795 = arith.constant 688 : index
        %swap3A_796 = tpu.vector_load %arg17[%swap3A_794, %swap3A_795] {strides = array<i32>} : memref<16x768xf32, #tpu.memory_space<vmem>>, vector<1x16xf32>,
        %swap3A_797 = vector.shape_cast %swap3A_796 : vector<1x16xf32> to vector<16xf32>
        %swap3A_798 = vector.shape_cast %add3A_790 : vector<16xf32> to vector<1x16xf32>
        tpu.vector_store %arg17[%swap3A_794, %swap3A_795], %swap3A_798 {strides = array<i32>} : memref<16x768xf32, #tpu.memory_space<vmem>>, vector<1x16xf32>,
        %get3A_799 = arith.index_cast %scan3A_38 : i32 to index
        %get3A_800 = arith.constant 704 : index
        %get3A_801 = tpu.vector_load %arg17[%get3A_799, %get3A_800] {strides = array<i32>} : memref<16x768xf32, #tpu.memory_space<vmem>>, vector<1x16xf32>,
        %get3A_802 = vector.shape_cast %get3A_801 : vector<1x16xf32> to vector<16xf32>
        %get3A_803 = arith.index_cast %add3A_47 : i32 to index
        %get3A_804 = arith.constant 704 : index
        %get3A_805 = tpu.vector_load %arg16[%get3A_803, %get3A_804] {strides = array<i32>} : memref<48x768xf32, #tpu.memory_space<vmem>>, vector<1x16xf32>,
        %get3A_806 = vector.shape_cast %get3A_805 : vector<1x16xf32> to vector<16xf32>
        %add3A_807 = arith.addf %get3A_802, %get3A_806 : vector<16xf32>
        %add3A_808 = arith.addf %add3A_791, %add3A_807 : vector<16xf32>
        %mul3A_809 = arith.mulf %add3A_807, %add3A_807 : vector<16xf32>
        %add3A_810 = arith.addf %add3A_793, %mul3A_809 : vector<16xf32>
        %swap3A_811 = arith.index_cast %scan3A_38 : i32 to index
        %swap3A_812 = arith.constant 704 : index
        %swap3A_813 = tpu.vector_load %arg17[%swap3A_811, %swap3A_812] {strides = array<i32>} : memref<16x768xf32, #tpu.memory_space<vmem>>, vector<1x16xf32>,
        %swap3A_814 = vector.shape_cast %swap3A_813 : vector<1x16xf32> to vector<16xf32>
        %swap3A_815 = vector.shape_cast %add3A_807 : vector<16xf32> to vector<1x16xf32>
        tpu.vector_store %arg17[%swap3A_811, %swap3A_812], %swap3A_815 {strides = array<i32>} : memref<16x768xf32, #tpu.memory_space<vmem>>, vector<1x16xf32>,
        %get3A_816 = arith.index_cast %scan3A_38 : i32 to index
        %get3A_817 = arith.constant 720 : index
        %get3A_818 = tpu.vector_load %arg17[%get3A_816, %get3A_817] {strides = array<i32>} : memref<16x768xf32, #tpu.memory_space<vmem>>, vector<1x16xf32>,
        %get3A_819 = vector.shape_cast %get3A_818 : vector<1x16xf32> to vector<16xf32>
        %get3A_820 = arith.index_cast %add3A_47 : i32 to index
        %get3A_821 = arith.constant 720 : index
        %get3A_822 = tpu.vector_load %arg16[%get3A_820, %get3A_821] {strides = array<i32>} : memref<48x768xf32, #tpu.memory_space<vmem>>, vector<1x16xf32>,
        %get3A_823 = vector.shape_cast %get3A_822 : vector<1x16xf32> to vector<16xf32>
        %add3A_824 = arith.addf %get3A_819, %get3A_823 : vector<16xf32>
        %add3A_825 = arith.addf %add3A_808, %add3A_824 : vector<16xf32>
        %mul3A_826 = arith.mulf %add3A_824, %add3A_824 : vector<16xf32>
        %add3A_827 = arith.addf %add3A_810, %mul3A_826 : vector<16xf32>
        %swap3A_828 = arith.index_cast %scan3A_38 : i32 to index
        %swap3A_829 = arith.constant 720 : index
        %swap3A_830 = tpu.vector_load %arg17[%swap3A_828, %swap3A_829] {strides = array<i32>} : memref<16x768xf32, #tpu.memory_space<vmem>>, vector<1x16xf32>,
        %swap3A_831 = vector.shape_cast %swap3A_830 : vector<1x16xf32> to vector<16xf32>
        %swap3A_832 = vector.shape_cast %add3A_824 : vector<16xf32> to vector<1x16xf32>
        tpu.vector_store %arg17[%swap3A_828, %swap3A_829], %swap3A_832 {strides = array<i32>} : memref<16x768xf32, #tpu.memory_space<vmem>>, vector<1x16xf32>,
        %get3A_833 = arith.index_cast %scan3A_38 : i32 to index
        %get3A_834 = arith.constant 736 : index
        %get3A_835 = tpu.vector_load %arg17[%get3A_833, %get3A_834] {strides = array<i32>} : memref<16x768xf32, #tpu.memory_space<vmem>>, vector<1x16xf32>,
        %get3A_836 = vector.shape_cast %get3A_835 : vector<1x16xf32> to vector<16xf32>
        %get3A_837 = arith.index_cast %add3A_47 : i32 to index
        %get3A_838 = arith.constant 736 : index
        %get3A_839 = tpu.vector_load %arg16[%get3A_837, %get3A_838] {strides = array<i32>} : memref<48x768xf32, #tpu.memory_space<vmem>>, vector<1x16xf32>,
        %get3A_840 = vector.shape_cast %get3A_839 : vector<1x16xf32> to vector<16xf32>
        %add3A_841 = arith.addf %get3A_836, %get3A_840 : vector<16xf32>
        %add3A_842 = arith.addf %add3A_825, %add3A_841 : vector<16xf32>
        %mul3A_843 = arith.mulf %add3A_841, %add3A_841 : vector<16xf32>
        %add3A_844 = arith.addf %add3A_827, %mul3A_843 : vector<16xf32>
        %swap3A_845 = arith.index_cast %scan3A_38 : i32 to index
        %swap3A_846 = arith.constant 736 : index
        %swap3A_847 = tpu.vector_load %arg17[%swap3A_845, %swap3A_846] {strides = array<i32>} : memref<16x768xf32, #tpu.memory_space<vmem>>, vector<1x16xf32>,
        %swap3A_848 = vector.shape_cast %swap3A_847 : vector<1x16xf32> to vector<16xf32>
        %swap3A_849 = vector.shape_cast %add3A_841 : vector<16xf32> to vector<1x16xf32>
        tpu.vector_store %arg17[%swap3A_845, %swap3A_846], %swap3A_849 {strides = array<i32>} : memref<16x768xf32, #tpu.memory_space<vmem>>, vector<1x16xf32>,
        %get3A_850 = arith.index_cast %scan3A_38 : i32 to index
        %get3A_851 = arith.constant 752 : index
        %get3A_852 = tpu.vector_load %arg17[%get3A_850, %get3A_851] {strides = array<i32>} : memref<16x768xf32, #tpu.memory_space<vmem>>, vector<1x16xf32>,
        %get3A_853 = vector.shape_cast %get3A_852 : vector<1x16xf32> to vector<16xf32>
        %get3A_854 = arith.index_cast %add3A_47 : i32 to index
        %get3A_855 = arith.constant 752 : index
        %get3A_856 = tpu.vector_load %arg16[%get3A_854, %get3A_855] {strides = array<i32>} : memref<48x768xf32, #tpu.memory_space<vmem>>, vector<1x16xf32>,
        %get3A_857 = vector.shape_cast %get3A_856 : vector<1x16xf32> to vector<16xf32>
        %add3A_858 = arith.addf %get3A_853, %get3A_857 : vector<16xf32>
        %add3A_859 = arith.addf %add3A_842, %add3A_858 : vector<16xf32>
        %mul3A_860 = arith.mulf %add3A_858, %add3A_858 : vector<16xf32>
        %add3A_861 = arith.addf %add3A_844, %mul3A_860 : vector<16xf32>
        %swap3A_862 = arith.index_cast %scan3A_38 : i32 to index
        %swap3A_863 = arith.constant 752 : index
        %swap3A_864 = tpu.vector_load %arg17[%swap3A_862, %swap3A_863] {strides = array<i32>} : memref<16x768xf32, #tpu.memory_space<vmem>>, vector<1x16xf32>,
        %swap3A_865 = vector.shape_cast %swap3A_864 : vector<1x16xf32> to vector<16xf32>
        %swap3A_866 = vector.shape_cast %add3A_858 : vector<16xf32> to vector<1x16xf32>
        tpu.vector_store %arg17[%swap3A_862, %swap3A_863], %swap3A_866 {strides = array<i32>} : memref<16x768xf32, #tpu.memory_space<vmem>>, vector<1x16xf32>,
        %xor3A = arith.constant 8 : i32
        %xor3A_867 = vector.broadcast %xor3A : i32 to vector<16xi32>
        %xor3A_868 = arith.xori %iota3A, %xor3A_867 : vector<16xi32>
        %broadcast_in_dim3A_869 = vector.shape_cast %xor3A_868 : vector<16xi32> to vector<16x1xi32>
        %gather3A_870 = vector.shape_cast %broadcast_in_dim3A_869 : vector<16x1xi32> to vector<16xi32>
        %gather3A_871 = tpu.dynamic_gather %add3A_859[%gather3A_870] in [0] : vector<16xf32>, vector<16xi32> -> vector<16xf32>
        %add3A_872 = arith.addf %add3A_859, %gather3A_871 : vector<16xf32>
        %xor3A_873 = arith.constant 4 : i32
        %xor3A_874 = vector.broadcast %xor3A_873 : i32 to vector<16xi32>
        %xor3A_875 = arith.xori %iota3A, %xor3A_874 : vector<16xi32>
        %broadcast_in_dim3A_876 = vector.shape_cast %xor3A_875 : vector<16xi32> to vector<16x1xi32>
        %gather3A_877 = vector.shape_cast %broadcast_in_dim3A_876 : vector<16x1xi32> to vector<16xi32>
        %gather3A_878 = tpu.dynamic_gather %add3A_872[%gather3A_877] in [0] : vector<16xf32>, vector<16xi32> -> vector<16xf32>
        %add3A_879 = arith.addf %add3A_872, %gather3A_878 : vector<16xf32>
        %xor3A_880 = arith.constant 2 : i32
        %xor3A_881 = vector.broadcast %xor3A_880 : i32 to vector<16xi32>
        %xor3A_882 = arith.xori %iota3A, %xor3A_881 : vector<16xi32>
        %broadcast_in_dim3A_883 = vector.shape_cast %xor3A_882 : vector<16xi32> to vector<16x1xi32>
        %gather3A_884 = vector.shape_cast %broadcast_in_dim3A_883 : vector<16x1xi32> to vector<16xi32>
        %gather3A_885 = tpu.dynamic_gather %add3A_879[%gather3A_884] in [0] : vector<16xf32>, vector<16xi32> -> vector<16xf32>
        %add3A_886 = arith.addf %add3A_879, %gather3A_885 : vector<16xf32>
        %xor3A_887 = arith.constant 1 : i32
        %xor3A_888 = vector.broadcast %xor3A_887 : i32 to vector<16xi32>
        %xor3A_889 = arith.xori %iota3A, %xor3A_888 : vector<16xi32>
        %broadcast_in_dim3A_890 = vector.shape_cast %xor3A_889 : vector<16xi32> to vector<16x1xi32>
        %gather3A_891 = vector.shape_cast %broadcast_in_dim3A_890 : vector<16x1xi32> to vector<16xi32>
        %gather3A_892 = tpu.dynamic_gather %add3A_886[%gather3A_891] in [0] : vector<16xf32>, vector<16xi32> -> vector<16xf32>
        %add3A_893 = arith.addf %add3A_886, %gather3A_892 : vector<16xf32>
        %mul3A_894 = arith.constant 0.00130208337 : f32
        %mul3A_895 = vector.broadcast %mul3A_894 : f32 to vector<16xf32>
        %mul3A_896 = arith.mulf %add3A_893, %mul3A_895 : vector<16xf32>
        %xor3A_897 = arith.constant 8 : i32
        %xor3A_898 = vector.broadcast %xor3A_897 : i32 to vector<16xi32>
        %xor3A_899 = arith.xori %iota3A, %xor3A_898 : vector<16xi32>
        %broadcast_in_dim3A_900 = vector.shape_cast %xor3A_899 : vector<16xi32> to vector<16x1xi32>
        %gather3A_901 = vector.shape_cast %broadcast_in_dim3A_900 : vector<16x1xi32> to vector<16xi32>
        %gather3A_902 = tpu.dynamic_gather %add3A_861[%gather3A_901] in [0] : vector<16xf32>, vector<16xi32> -> vector<16xf32>
        %add3A_903 = arith.addf %add3A_861, %gather3A_902 : vector<16xf32>
        %xor3A_904 = arith.constant 4 : i32
        %xor3A_905 = vector.broadcast %xor3A_904 : i32 to vector<16xi32>
        %xor3A_906 = arith.xori %iota3A, %xor3A_905 : vector<16xi32>
        %broadcast_in_dim3A_907 = vector.shape_cast %xor3A_906 : vector<16xi32> to vector<16x1xi32>
        %gather3A_908 = vector.shape_cast %broadcast_in_dim3A_907 : vector<16x1xi32> to vector<16xi32>
        %gather3A_909 = tpu.dynamic_gather %add3A_903[%gather3A_908] in [0] : vector<16xf32>, vector<16xi32> -> vector<16xf32>
        %add3A_910 = arith.addf %add3A_903, %gather3A_909 : vector<16xf32>
        %xor3A_911 = arith.constant 2 : i32
        %xor3A_912 = vector.broadcast %xor3A_911 : i32 to vector<16xi32>
        %xor3A_913 = arith.xori %iota3A, %xor3A_912 : vector<16xi32>
        %broadcast_in_dim3A_914 = vector.shape_cast %xor3A_913 : vector<16xi32> to vector<16x1xi32>
        %gather3A_915 = vector.shape_cast %broadcast_in_dim3A_914 : vector<16x1xi32> to vector<16xi32>
        %gather3A_916 = tpu.dynamic_gather %add3A_910[%gather3A_915] in [0] : vector<16xf32>, vector<16xi32> -> vector<16xf32>
        %add3A_917 = arith.addf %add3A_910, %gather3A_916 : vector<16xf32>
        %xor3A_918 = arith.constant 1 : i32
        %xor3A_919 = vector.broadcast %xor3A_918 : i32 to vector<16xi32>
        %xor3A_920 = arith.xori %iota3A, %xor3A_919 : vector<16xi32>
        %broadcast_in_dim3A_921 = vector.shape_cast %xor3A_920 : vector<16xi32> to vector<16x1xi32>
        %gather3A_922 = vector.shape_cast %broadcast_in_dim3A_921 : vector<16x1xi32> to vector<16xi32>
        %gather3A_923 = tpu.dynamic_gather %add3A_917[%gather3A_922] in [0] : vector<16xf32>, vector<16xi32> -> vector<16xf32>
        %add3A_924 = arith.addf %add3A_917, %gather3A_923 : vector<16xf32>
        %mul3A_925 = arith.constant 0.00130208337 : f32
        %mul3A_926 = vector.broadcast %mul3A_925 : f32 to vector<16xf32>
        %mul3A_927 = arith.mulf %add3A_924, %mul3A_926 : vector<16xf32>
        %mul3A_928 = arith.mulf %mul3A_896, %mul3A_896 : vector<16xf32>
        %sub3A = arith.subf %mul3A_927, %mul3A_928 : vector<16xf32>
        %add3A_929 = arith.constant 9.99999974E-6 : f32
        %add3A_930 = vector.broadcast %add3A_929 : f32 to vector<16xf32>
        %add3A_931 = arith.addf %sub3A, %add3A_930 : vector<16xf32>
        %bitcast_convert_type3A = tpu.bitcast %add3A_931 : vector<16xf32> -> vector<16xi32>
        %shift_right_arithmetic3A = arith.constant 1 : i32
        %shift_right_arithmetic3A_932 = vector.broadcast %shift_right_arithmetic3A : i32 to vector<16xi32>
        %shift_right_arithmetic3A_933 = arith.shrsi %bitcast_convert_type3A, %shift_right_arithmetic3A_932 : vector<16xi32>
        %sub3A_934 = arith.constant 1597463007 : i32
        %sub3A_935 = vector.broadcast %sub3A_934 : i32 to vector<16xi32>
        %sub3A_936 = arith.subi %sub3A_935, %shift_right_arithmetic3A_933 : vector<16xi32>
        %bitcast_convert_type3A_937 = tpu.bitcast %sub3A_936 : vector<16xi32> -> vector<16xf32>
        %mul3A_938 = arith.constant 5.000000e-01 : f32
        %mul3A_939 = vector.broadcast %mul3A_938 : f32 to vector<16xf32>
        %mul3A_940 = arith.mulf %add3A_931, %mul3A_939 : vector<16xf32>
        %mul3A_941 = arith.mulf %mul3A_940, %bitcast_convert_type3A_937 : vector<16xf32>
        %mul3A_942 = arith.mulf %mul3A_941, %bitcast_convert_type3A_937 : vector<16xf32>
        %sub3A_943 = arith.constant 1.500000e+00 : f32
        %sub3A_944 = vector.broadcast %sub3A_943 : f32 to vector<16xf32>
        %sub3A_945 = arith.subf %sub3A_944, %mul3A_942 : vector<16xf32>
        %mul3A_946 = arith.mulf %bitcast_convert_type3A_937, %sub3A_945 : vector<16xf32>
        %mul3A_947 = arith.mulf %mul3A_940, %mul3A_946 : vector<16xf32>
        %mul3A_948 = arith.mulf %mul3A_947, %mul3A_946 : vector<16xf32>
        %sub3A_949 = arith.constant 1.500000e+00 : f32
        %sub3A_950 = vector.broadcast %sub3A_949 : f32 to vector<16xf32>
        %sub3A_951 = arith.subf %sub3A_950, %mul3A_948 : vector<16xf32>
        %mul3A_952 = arith.mulf %mul3A_946, %sub3A_951 : vector<16xf32>
        %mul3A_953 = arith.mulf %mul3A_940, %mul3A_952 : vector<16xf32>
        %mul3A_954 = arith.mulf %mul3A_953, %mul3A_952 : vector<16xf32>
        %sub3A_955 = arith.constant 1.500000e+00 : f32
        %sub3A_956 = vector.broadcast %sub3A_955 : f32 to vector<16xf32>
        %sub3A_957 = arith.subf %sub3A_956, %mul3A_954 : vector<16xf32>
        %mul3A_958 = arith.mulf %mul3A_952, %sub3A_957 : vector<16xf32>
        %get3A_959 = arith.index_cast %scan3A_38 : i32 to index
        %get3A_960 = arith.constant 0 : index
        %get3A_961 = tpu.vector_load %arg17[%get3A_959, %get3A_960] {strides = array<i32>} : memref<16x768xf32, #tpu.memory_space<vmem>>, vector<1x16xf32>,
        %get3A_962 = vector.shape_cast %get3A_961 : vector<1x16xf32> to vector<16xf32>
        %sub3A_963 = arith.subf %get3A_962, %mul3A_896 : vector<16xf32>
        %mul3A_964 = arith.mulf %sub3A_963, %mul3A_958 : vector<16xf32>
        %get3A_965 = arith.constant 0 : index
        %get3A_966 = tpu.vector_load %arg14[%get3A_965] {strides = array<i32>} : memref<768xf32, #tpu.memory_space<vmem>>, vector<16xf32>,
        %get3A_967 = vector.shape_cast %get3A_966 : vector<16xf32> to vector<16xf32>
        %mul3A_968 = arith.mulf %mul3A_964, %get3A_967 : vector<16xf32>
        %get3A_969 = arith.constant 0 : index
        %get3A_970 = tpu.vector_load %arg15[%get3A_969] {strides = array<i32>} : memref<768xf32, #tpu.memory_space<vmem>>, vector<16xf32>,
        %get3A_971 = vector.shape_cast %get3A_970 : vector<16xf32> to vector<16xf32>
        %add3A_972 = arith.addf %mul3A_968, %get3A_971 : vector<16xf32>
        %swap3A_973 = arith.index_cast %scan3A_38 : i32 to index
        %swap3A_974 = arith.constant 0 : index
        %swap3A_975 = tpu.vector_load %arg17[%swap3A_973, %swap3A_974] {strides = array<i32>} : memref<16x768xf32, #tpu.memory_space<vmem>>, vector<1x16xf32>,
        %swap3A_976 = vector.shape_cast %swap3A_975 : vector<1x16xf32> to vector<16xf32>
        %swap3A_977 = vector.shape_cast %add3A_972 : vector<16xf32> to vector<1x16xf32>
        tpu.vector_store %arg17[%swap3A_973, %swap3A_974], %swap3A_977 {strides = array<i32>} : memref<16x768xf32, #tpu.memory_space<vmem>>, vector<1x16xf32>,
        %get3A_978 = arith.index_cast %scan3A_38 : i32 to index
        %get3A_979 = arith.constant 16 : index
        %get3A_980 = tpu.vector_load %arg17[%get3A_978, %get3A_979] {strides = array<i32>} : memref<16x768xf32, #tpu.memory_space<vmem>>, vector<1x16xf32>,
        %get3A_981 = vector.shape_cast %get3A_980 : vector<1x16xf32> to vector<16xf32>
        %sub3A_982 = arith.subf %get3A_981, %mul3A_896 : vector<16xf32>
        %mul3A_983 = arith.mulf %sub3A_982, %mul3A_958 : vector<16xf32>
        %get3A_984 = arith.constant 16 : index
        %get3A_985 = tpu.vector_load %arg14[%get3A_984] {strides = array<i32>} : memref<768xf32, #tpu.memory_space<vmem>>, vector<16xf32>,
        %get3A_986 = vector.shape_cast %get3A_985 : vector<16xf32> to vector<16xf32>
        %mul3A_987 = arith.mulf %mul3A_983, %get3A_986 : vector<16xf32>
        %get3A_988 = arith.constant 16 : index
        %get3A_989 = tpu.vector_load %arg15[%get3A_988] {strides = array<i32>} : memref<768xf32, #tpu.memory_space<vmem>>, vector<16xf32>,
        %get3A_990 = vector.shape_cast %get3A_989 : vector<16xf32> to vector<16xf32>
        %add3A_991 = arith.addf %mul3A_987, %get3A_990 : vector<16xf32>
        %swap3A_992 = arith.index_cast %scan3A_38 : i32 to index
        %swap3A_993 = arith.constant 16 : index
        %swap3A_994 = tpu.vector_load %arg17[%swap3A_992, %swap3A_993] {strides = array<i32>} : memref<16x768xf32, #tpu.memory_space<vmem>>, vector<1x16xf32>,
        %swap3A_995 = vector.shape_cast %swap3A_994 : vector<1x16xf32> to vector<16xf32>
        %swap3A_996 = vector.shape_cast %add3A_991 : vector<16xf32> to vector<1x16xf32>
        tpu.vector_store %arg17[%swap3A_992, %swap3A_993], %swap3A_996 {strides = array<i32>} : memref<16x768xf32, #tpu.memory_space<vmem>>, vector<1x16xf32>,
        %get3A_997 = arith.index_cast %scan3A_38 : i32 to index
        %get3A_998 = arith.constant 32 : index
        %get3A_999 = tpu.vector_load %arg17[%get3A_997, %get3A_998] {strides = array<i32>} : memref<16x768xf32, #tpu.memory_space<vmem>>, vector<1x16xf32>,
        %get3A_1000 = vector.shape_cast %get3A_999 : vector<1x16xf32> to vector<16xf32>
        %sub3A_1001 = arith.subf %get3A_1000, %mul3A_896 : vector<16xf32>
        %mul3A_1002 = arith.mulf %sub3A_1001, %mul3A_958 : vector<16xf32>
        %get3A_1003 = arith.constant 32 : index
        %get3A_1004 = tpu.vector_load %arg14[%get3A_1003] {strides = array<i32>} : memref<768xf32, #tpu.memory_space<vmem>>, vector<16xf32>,
        %get3A_1005 = vector.shape_cast %get3A_1004 : vector<16xf32> to vector<16xf32>
        %mul3A_1006 = arith.mulf %mul3A_1002, %get3A_1005 : vector<16xf32>
        %get3A_1007 = arith.constant 32 : index
        %get3A_1008 = tpu.vector_load %arg15[%get3A_1007] {strides = array<i32>} : memref<768xf32, #tpu.memory_space<vmem>>, vector<16xf32>,
        %get3A_1009 = vector.shape_cast %get3A_1008 : vector<16xf32> to vector<16xf32>
        %add3A_1010 = arith.addf %mul3A_1006, %get3A_1009 : vector<16xf32>
        %swap3A_1011 = arith.index_cast %scan3A_38 : i32 to index
        %swap3A_1012 = arith.constant 32 : index
        %swap3A_1013 = tpu.vector_load %arg17[%swap3A_1011, %swap3A_1012] {strides = array<i32>} : memref<16x768xf32, #tpu.memory_space<vmem>>, vector<1x16xf32>,
        %swap3A_1014 = vector.shape_cast %swap3A_1013 : vector<1x16xf32> to vector<16xf32>
        %swap3A_1015 = vector.shape_cast %add3A_1010 : vector<16xf32> to vector<1x16xf32>
        tpu.vector_store %arg17[%swap3A_1011, %swap3A_1012], %swap3A_1015 {strides = array<i32>} : memref<16x768xf32, #tpu.memory_space<vmem>>, vector<1x16xf32>,
        %get3A_1016 = arith.index_cast %scan3A_38 : i32 to index
        %get3A_1017 = arith.constant 48 : index
        %get3A_1018 = tpu.vector_load %arg17[%get3A_1016, %get3A_1017] {strides = array<i32>} : memref<16x768xf32, #tpu.memory_space<vmem>>, vector<1x16xf32>,
        %get3A_1019 = vector.shape_cast %get3A_1018 : vector<1x16xf32> to vector<16xf32>
        %sub3A_1020 = arith.subf %get3A_1019, %mul3A_896 : vector<16xf32>
        %mul3A_1021 = arith.mulf %sub3A_1020, %mul3A_958 : vector<16xf32>
        %get3A_1022 = arith.constant 48 : index
        %get3A_1023 = tpu.vector_load %arg14[%get3A_1022] {strides = array<i32>} : memref<768xf32, #tpu.memory_space<vmem>>, vector<16xf32>,
        %get3A_1024 = vector.shape_cast %get3A_1023 : vector<16xf32> to vector<16xf32>
        %mul3A_1025 = arith.mulf %mul3A_1021, %get3A_1024 : vector<16xf32>
        %get3A_1026 = arith.constant 48 : index
        %get3A_1027 = tpu.vector_load %arg15[%get3A_1026] {strides = array<i32>} : memref<768xf32, #tpu.memory_space<vmem>>, vector<16xf32>,
        %get3A_1028 = vector.shape_cast %get3A_1027 : vector<16xf32> to vector<16xf32>
        %add3A_1029 = arith.addf %mul3A_1025, %get3A_1028 : vector<16xf32>
        %swap3A_1030 = arith.index_cast %scan3A_38 : i32 to index
        %swap3A_1031 = arith.constant 48 : index
        %swap3A_1032 = tpu.vector_load %arg17[%swap3A_1030, %swap3A_1031] {strides = array<i32>} : memref<16x768xf32, #tpu.memory_space<vmem>>, vector<1x16xf32>,
        %swap3A_1033 = vector.shape_cast %swap3A_1032 : vector<1x16xf32> to vector<16xf32>
        %swap3A_1034 = vector.shape_cast %add3A_1029 : vector<16xf32> to vector<1x16xf32>
        tpu.vector_store %arg17[%swap3A_1030, %swap3A_1031], %swap3A_1034 {strides = array<i32>} : memref<16x768xf32, #tpu.memory_space<vmem>>, vector<1x16xf32>,
        %get3A_1035 = arith.index_cast %scan3A_38 : i32 to index
        %get3A_1036 = arith.constant 64 : index
        %get3A_1037 = tpu.vector_load %arg17[%get3A_1035, %get3A_1036] {strides = array<i32>} : memref<16x768xf32, #tpu.memory_space<vmem>>, vector<1x16xf32>,
        %get3A_1038 = vector.shape_cast %get3A_1037 : vector<1x16xf32> to vector<16xf32>
        %sub3A_1039 = arith.subf %get3A_1038, %mul3A_896 : vector<16xf32>
        %mul3A_1040 = arith.mulf %sub3A_1039, %mul3A_958 : vector<16xf32>
        %get3A_1041 = arith.constant 64 : index
        %get3A_1042 = tpu.vector_load %arg14[%get3A_1041] {strides = array<i32>} : memref<768xf32, #tpu.memory_space<vmem>>, vector<16xf32>,
        %get3A_1043 = vector.shape_cast %get3A_1042 : vector<16xf32> to vector<16xf32>
        %mul3A_1044 = arith.mulf %mul3A_1040, %get3A_1043 : vector<16xf32>
        %get3A_1045 = arith.constant 64 : index
        %get3A_1046 = tpu.vector_load %arg15[%get3A_1045] {strides = array<i32>} : memref<768xf32, #tpu.memory_space<vmem>>, vector<16xf32>,
        %get3A_1047 = vector.shape_cast %get3A_1046 : vector<16xf32> to vector<16xf32>
        %add3A_1048 = arith.addf %mul3A_1044, %get3A_1047 : vector<16xf32>
        %swap3A_1049 = arith.index_cast %scan3A_38 : i32 to index
        %swap3A_1050 = arith.constant 64 : index
        %swap3A_1051 = tpu.vector_load %arg17[%swap3A_1049, %swap3A_1050] {strides = array<i32>} : memref<16x768xf32, #tpu.memory_space<vmem>>, vector<1x16xf32>,
        %swap3A_1052 = vector.shape_cast %swap3A_1051 : vector<1x16xf32> to vector<16xf32>
        %swap3A_1053 = vector.shape_cast %add3A_1048 : vector<16xf32> to vector<1x16xf32>
        tpu.vector_store %arg17[%swap3A_1049, %swap3A_1050], %swap3A_1053 {strides = array<i32>} : memref<16x768xf32, #tpu.memory_space<vmem>>, vector<1x16xf32>,
        %get3A_1054 = arith.index_cast %scan3A_38 : i32 to index
        %get3A_1055 = arith.constant 80 : index
        %get3A_1056 = tpu.vector_load %arg17[%get3A_1054, %get3A_1055] {strides = array<i32>} : memref<16x768xf32, #tpu.memory_space<vmem>>, vector<1x16xf32>,
        %get3A_1057 = vector.shape_cast %get3A_1056 : vector<1x16xf32> to vector<16xf32>
        %sub3A_1058 = arith.subf %get3A_1057, %mul3A_896 : vector<16xf32>
        %mul3A_1059 = arith.mulf %sub3A_1058, %mul3A_958 : vector<16xf32>
        %get3A_1060 = arith.constant 80 : index
        %get3A_1061 = tpu.vector_load %arg14[%get3A_1060] {strides = array<i32>} : memref<768xf32, #tpu.memory_space<vmem>>, vector<16xf32>,
        %get3A_1062 = vector.shape_cast %get3A_1061 : vector<16xf32> to vector<16xf32>
        %mul3A_1063 = arith.mulf %mul3A_1059, %get3A_1062 : vector<16xf32>
        %get3A_1064 = arith.constant 80 : index
        %get3A_1065 = tpu.vector_load %arg15[%get3A_1064] {strides = array<i32>} : memref<768xf32, #tpu.memory_space<vmem>>, vector<16xf32>,
        %get3A_1066 = vector.shape_cast %get3A_1065 : vector<16xf32> to vector<16xf32>
        %add3A_1067 = arith.addf %mul3A_1063, %get3A_1066 : vector<16xf32>
        %swap3A_1068 = arith.index_cast %scan3A_38 : i32 to index
        %swap3A_1069 = arith.constant 80 : index
        %swap3A_1070 = tpu.vector_load %arg17[%swap3A_1068, %swap3A_1069] {strides = array<i32>} : memref<16x768xf32, #tpu.memory_space<vmem>>, vector<1x16xf32>,
        %swap3A_1071 = vector.shape_cast %swap3A_1070 : vector<1x16xf32> to vector<16xf32>
        %swap3A_1072 = vector.shape_cast %add3A_1067 : vector<16xf32> to vector<1x16xf32>
        tpu.vector_store %arg17[%swap3A_1068, %swap3A_1069], %swap3A_1072 {strides = array<i32>} : memref<16x768xf32, #tpu.memory_space<vmem>>, vector<1x16xf32>,
        %get3A_1073 = arith.index_cast %scan3A_38 : i32 to index
        %get3A_1074 = arith.constant 96 : index
        %get3A_1075 = tpu.vector_load %arg17[%get3A_1073, %get3A_1074] {strides = array<i32>} : memref<16x768xf32, #tpu.memory_space<vmem>>, vector<1x16xf32>,
        %get3A_1076 = vector.shape_cast %get3A_1075 : vector<1x16xf32> to vector<16xf32>
        %sub3A_1077 = arith.subf %get3A_1076, %mul3A_896 : vector<16xf32>
        %mul3A_1078 = arith.mulf %sub3A_1077, %mul3A_958 : vector<16xf32>
        %get3A_1079 = arith.constant 96 : index
        %get3A_1080 = tpu.vector_load %arg14[%get3A_1079] {strides = array<i32>} : memref<768xf32, #tpu.memory_space<vmem>>, vector<16xf32>,
        %get3A_1081 = vector.shape_cast %get3A_1080 : vector<16xf32> to vector<16xf32>
        %mul3A_1082 = arith.mulf %mul3A_1078, %get3A_1081 : vector<16xf32>
        %get3A_1083 = arith.constant 96 : index
        %get3A_1084 = tpu.vector_load %arg15[%get3A_1083] {strides = array<i32>} : memref<768xf32, #tpu.memory_space<vmem>>, vector<16xf32>,
        %get3A_1085 = vector.shape_cast %get3A_1084 : vector<16xf32> to vector<16xf32>
        %add3A_1086 = arith.addf %mul3A_1082, %get3A_1085 : vector<16xf32>
        %swap3A_1087 = arith.index_cast %scan3A_38 : i32 to index
        %swap3A_1088 = arith.constant 96 : index
        %swap3A_1089 = tpu.vector_load %arg17[%swap3A_1087, %swap3A_1088] {strides = array<i32>} : memref<16x768xf32, #tpu.memory_space<vmem>>, vector<1x16xf32>,
        %swap3A_1090 = vector.shape_cast %swap3A_1089 : vector<1x16xf32> to vector<16xf32>
        %swap3A_1091 = vector.shape_cast %add3A_1086 : vector<16xf32> to vector<1x16xf32>
        tpu.vector_store %arg17[%swap3A_1087, %swap3A_1088], %swap3A_1091 {strides = array<i32>} : memref<16x768xf32, #tpu.memory_space<vmem>>, vector<1x16xf32>,
        %get3A_1092 = arith.index_cast %scan3A_38 : i32 to index
        %get3A_1093 = arith.constant 112 : index
        %get3A_1094 = tpu.vector_load %arg17[%get3A_1092, %get3A_1093] {strides = array<i32>} : memref<16x768xf32, #tpu.memory_space<vmem>>, vector<1x16xf32>,
        %get3A_1095 = vector.shape_cast %get3A_1094 : vector<1x16xf32> to vector<16xf32>
        %sub3A_1096 = arith.subf %get3A_1095, %mul3A_896 : vector<16xf32>
        %mul3A_1097 = arith.mulf %sub3A_1096, %mul3A_958 : vector<16xf32>
        %get3A_1098 = arith.constant 112 : index
        %get3A_1099 = tpu.vector_load %arg14[%get3A_1098] {strides = array<i32>} : memref<768xf32, #tpu.memory_space<vmem>>, vector<16xf32>,
        %get3A_1100 = vector.shape_cast %get3A_1099 : vector<16xf32> to vector<16xf32>
        %mul3A_1101 = arith.mulf %mul3A_1097, %get3A_1100 : vector<16xf32>
        %get3A_1102 = arith.constant 112 : index
        %get3A_1103 = tpu.vector_load %arg15[%get3A_1102] {strides = array<i32>} : memref<768xf32, #tpu.memory_space<vmem>>, vector<16xf32>,
        %get3A_1104 = vector.shape_cast %get3A_1103 : vector<16xf32> to vector<16xf32>
        %add3A_1105 = arith.addf %mul3A_1101, %get3A_1104 : vector<16xf32>
        %swap3A_1106 = arith.index_cast %scan3A_38 : i32 to index
        %swap3A_1107 = arith.constant 112 : index
        %swap3A_1108 = tpu.vector_load %arg17[%swap3A_1106, %swap3A_1107] {strides = array<i32>} : memref<16x768xf32, #tpu.memory_space<vmem>>, vector<1x16xf32>,
        %swap3A_1109 = vector.shape_cast %swap3A_1108 : vector<1x16xf32> to vector<16xf32>
        %swap3A_1110 = vector.shape_cast %add3A_1105 : vector<16xf32> to vector<1x16xf32>
        tpu.vector_store %arg17[%swap3A_1106, %swap3A_1107], %swap3A_1110 {strides = array<i32>} : memref<16x768xf32, #tpu.memory_space<vmem>>, vector<1x16xf32>,
        %get3A_1111 = arith.index_cast %scan3A_38 : i32 to index
        %get3A_1112 = arith.constant 128 : index
        %get3A_1113 = tpu.vector_load %arg17[%get3A_1111, %get3A_1112] {strides = array<i32>} : memref<16x768xf32, #tpu.memory_space<vmem>>, vector<1x16xf32>,
        %get3A_1114 = vector.shape_cast %get3A_1113 : vector<1x16xf32> to vector<16xf32>
        %sub3A_1115 = arith.subf %get3A_1114, %mul3A_896 : vector<16xf32>
        %mul3A_1116 = arith.mulf %sub3A_1115, %mul3A_958 : vector<16xf32>
        %get3A_1117 = arith.constant 128 : index
        %get3A_1118 = tpu.vector_load %arg14[%get3A_1117] {strides = array<i32>} : memref<768xf32, #tpu.memory_space<vmem>>, vector<16xf32>,
        %get3A_1119 = vector.shape_cast %get3A_1118 : vector<16xf32> to vector<16xf32>
        %mul3A_1120 = arith.mulf %mul3A_1116, %get3A_1119 : vector<16xf32>
        %get3A_1121 = arith.constant 128 : index
        %get3A_1122 = tpu.vector_load %arg15[%get3A_1121] {strides = array<i32>} : memref<768xf32, #tpu.memory_space<vmem>>, vector<16xf32>,
        %get3A_1123 = vector.shape_cast %get3A_1122 : vector<16xf32> to vector<16xf32>
        %add3A_1124 = arith.addf %mul3A_1120, %get3A_1123 : vector<16xf32>
        %swap3A_1125 = arith.index_cast %scan3A_38 : i32 to index
        %swap3A_1126 = arith.constant 128 : index
        %swap3A_1127 = tpu.vector_load %arg17[%swap3A_1125, %swap3A_1126] {strides = array<i32>} : memref<16x768xf32, #tpu.memory_space<vmem>>, vector<1x16xf32>,
        %swap3A_1128 = vector.shape_cast %swap3A_1127 : vector<1x16xf32> to vector<16xf32>
        %swap3A_1129 = vector.shape_cast %add3A_1124 : vector<16xf32> to vector<1x16xf32>
        tpu.vector_store %arg17[%swap3A_1125, %swap3A_1126], %swap3A_1129 {strides = array<i32>} : memref<16x768xf32, #tpu.memory_space<vmem>>, vector<1x16xf32>,
        %get3A_1130 = arith.index_cast %scan3A_38 : i32 to index
        %get3A_1131 = arith.constant 144 : index
        %get3A_1132 = tpu.vector_load %arg17[%get3A_1130, %get3A_1131] {strides = array<i32>} : memref<16x768xf32, #tpu.memory_space<vmem>>, vector<1x16xf32>,
        %get3A_1133 = vector.shape_cast %get3A_1132 : vector<1x16xf32> to vector<16xf32>
        %sub3A_1134 = arith.subf %get3A_1133, %mul3A_896 : vector<16xf32>
        %mul3A_1135 = arith.mulf %sub3A_1134, %mul3A_958 : vector<16xf32>
        %get3A_1136 = arith.constant 144 : index
        %get3A_1137 = tpu.vector_load %arg14[%get3A_1136] {strides = array<i32>} : memref<768xf32, #tpu.memory_space<vmem>>, vector<16xf32>,
        %get3A_1138 = vector.shape_cast %get3A_1137 : vector<16xf32> to vector<16xf32>
        %mul3A_1139 = arith.mulf %mul3A_1135, %get3A_1138 : vector<16xf32>
        %get3A_1140 = arith.constant 144 : index
        %get3A_1141 = tpu.vector_load %arg15[%get3A_1140] {strides = array<i32>} : memref<768xf32, #tpu.memory_space<vmem>>, vector<16xf32>,
        %get3A_1142 = vector.shape_cast %get3A_1141 : vector<16xf32> to vector<16xf32>
        %add3A_1143 = arith.addf %mul3A_1139, %get3A_1142 : vector<16xf32>
        %swap3A_1144 = arith.index_cast %scan3A_38 : i32 to index
        %swap3A_1145 = arith.constant 144 : index
        %swap3A_1146 = tpu.vector_load %arg17[%swap3A_1144, %swap3A_1145] {strides = array<i32>} : memref<16x768xf32, #tpu.memory_space<vmem>>, vector<1x16xf32>,
        %swap3A_1147 = vector.shape_cast %swap3A_1146 : vector<1x16xf32> to vector<16xf32>
        %swap3A_1148 = vector.shape_cast %add3A_1143 : vector<16xf32> to vector<1x16xf32>
        tpu.vector_store %arg17[%swap3A_1144, %swap3A_1145], %swap3A_1148 {strides = array<i32>} : memref<16x768xf32, #tpu.memory_space<vmem>>, vector<1x16xf32>,
        %get3A_1149 = arith.index_cast %scan3A_38 : i32 to index
        %get3A_1150 = arith.constant 160 : index
        %get3A_1151 = tpu.vector_load %arg17[%get3A_1149, %get3A_1150] {strides = array<i32>} : memref<16x768xf32, #tpu.memory_space<vmem>>, vector<1x16xf32>,
        %get3A_1152 = vector.shape_cast %get3A_1151 : vector<1x16xf32> to vector<16xf32>
        %sub3A_1153 = arith.subf %get3A_1152, %mul3A_896 : vector<16xf32>
        %mul3A_1154 = arith.mulf %sub3A_1153, %mul3A_958 : vector<16xf32>
        %get3A_1155 = arith.constant 160 : index
        %get3A_1156 = tpu.vector_load %arg14[%get3A_1155] {strides = array<i32>} : memref<768xf32, #tpu.memory_space<vmem>>, vector<16xf32>,
        %get3A_1157 = vector.shape_cast %get3A_1156 : vector<16xf32> to vector<16xf32>
        %mul3A_1158 = arith.mulf %mul3A_1154, %get3A_1157 : vector<16xf32>
        %get3A_1159 = arith.constant 160 : index
        %get3A_1160 = tpu.vector_load %arg15[%get3A_1159] {strides = array<i32>} : memref<768xf32, #tpu.memory_space<vmem>>, vector<16xf32>,
        %get3A_1161 = vector.shape_cast %get3A_1160 : vector<16xf32> to vector<16xf32>
        %add3A_1162 = arith.addf %mul3A_1158, %get3A_1161 : vector<16xf32>
        %swap3A_1163 = arith.index_cast %scan3A_38 : i32 to index
        %swap3A_1164 = arith.constant 160 : index
        %swap3A_1165 = tpu.vector_load %arg17[%swap3A_1163, %swap3A_1164] {strides = array<i32>} : memref<16x768xf32, #tpu.memory_space<vmem>>, vector<1x16xf32>,
        %swap3A_1166 = vector.shape_cast %swap3A_1165 : vector<1x16xf32> to vector<16xf32>
        %swap3A_1167 = vector.shape_cast %add3A_1162 : vector<16xf32> to vector<1x16xf32>
        tpu.vector_store %arg17[%swap3A_1163, %swap3A_1164], %swap3A_1167 {strides = array<i32>} : memref<16x768xf32, #tpu.memory_space<vmem>>, vector<1x16xf32>,
        %get3A_1168 = arith.index_cast %scan3A_38 : i32 to index
        %get3A_1169 = arith.constant 176 : index
        %get3A_1170 = tpu.vector_load %arg17[%get3A_1168, %get3A_1169] {strides = array<i32>} : memref<16x768xf32, #tpu.memory_space<vmem>>, vector<1x16xf32>,
        %get3A_1171 = vector.shape_cast %get3A_1170 : vector<1x16xf32> to vector<16xf32>
        %sub3A_1172 = arith.subf %get3A_1171, %mul3A_896 : vector<16xf32>
        %mul3A_1173 = arith.mulf %sub3A_1172, %mul3A_958 : vector<16xf32>
        %get3A_1174 = arith.constant 176 : index
        %get3A_1175 = tpu.vector_load %arg14[%get3A_1174] {strides = array<i32>} : memref<768xf32, #tpu.memory_space<vmem>>, vector<16xf32>,
        %get3A_1176 = vector.shape_cast %get3A_1175 : vector<16xf32> to vector<16xf32>
        %mul3A_1177 = arith.mulf %mul3A_1173, %get3A_1176 : vector<16xf32>
        %get3A_1178 = arith.constant 176 : index
        %get3A_1179 = tpu.vector_load %arg15[%get3A_1178] {strides = array<i32>} : memref<768xf32, #tpu.memory_space<vmem>>, vector<16xf32>,
        %get3A_1180 = vector.shape_cast %get3A_1179 : vector<16xf32> to vector<16xf32>
        %add3A_1181 = arith.addf %mul3A_1177, %get3A_1180 : vector<16xf32>
        %swap3A_1182 = arith.index_cast %scan3A_38 : i32 to index
        %swap3A_1183 = arith.constant 176 : index
        %swap3A_1184 = tpu.vector_load %arg17[%swap3A_1182, %swap3A_1183] {strides = array<i32>} : memref<16x768xf32, #tpu.memory_space<vmem>>, vector<1x16xf32>,
        %swap3A_1185 = vector.shape_cast %swap3A_1184 : vector<1x16xf32> to vector<16xf32>
        %swap3A_1186 = vector.shape_cast %add3A_1181 : vector<16xf32> to vector<1x16xf32>
        tpu.vector_store %arg17[%swap3A_1182, %swap3A_1183], %swap3A_1186 {strides = array<i32>} : memref<16x768xf32, #tpu.memory_space<vmem>>, vector<1x16xf32>,
        %get3A_1187 = arith.index_cast %scan3A_38 : i32 to index
        %get3A_1188 = arith.constant 192 : index
        %get3A_1189 = tpu.vector_load %arg17[%get3A_1187, %get3A_1188] {strides = array<i32>} : memref<16x768xf32, #tpu.memory_space<vmem>>, vector<1x16xf32>,
        %get3A_1190 = vector.shape_cast %get3A_1189 : vector<1x16xf32> to vector<16xf32>
        %sub3A_1191 = arith.subf %get3A_1190, %mul3A_896 : vector<16xf32>
        %mul3A_1192 = arith.mulf %sub3A_1191, %mul3A_958 : vector<16xf32>
        %get3A_1193 = arith.constant 192 : index
        %get3A_1194 = tpu.vector_load %arg14[%get3A_1193] {strides = array<i32>} : memref<768xf32, #tpu.memory_space<vmem>>, vector<16xf32>,
        %get3A_1195 = vector.shape_cast %get3A_1194 : vector<16xf32> to vector<16xf32>
        %mul3A_1196 = arith.mulf %mul3A_1192, %get3A_1195 : vector<16xf32>
        %get3A_1197 = arith.constant 192 : index
        %get3A_1198 = tpu.vector_load %arg15[%get3A_1197] {strides = array<i32>} : memref<768xf32, #tpu.memory_space<vmem>>, vector<16xf32>,
        %get3A_1199 = vector.shape_cast %get3A_1198 : vector<16xf32> to vector<16xf32>
        %add3A_1200 = arith.addf %mul3A_1196, %get3A_1199 : vector<16xf32>
        %swap3A_1201 = arith.index_cast %scan3A_38 : i32 to index
        %swap3A_1202 = arith.constant 192 : index
        %swap3A_1203 = tpu.vector_load %arg17[%swap3A_1201, %swap3A_1202] {strides = array<i32>} : memref<16x768xf32, #tpu.memory_space<vmem>>, vector<1x16xf32>,
        %swap3A_1204 = vector.shape_cast %swap3A_1203 : vector<1x16xf32> to vector<16xf32>
        %swap3A_1205 = vector.shape_cast %add3A_1200 : vector<16xf32> to vector<1x16xf32>
        tpu.vector_store %arg17[%swap3A_1201, %swap3A_1202], %swap3A_1205 {strides = array<i32>} : memref<16x768xf32, #tpu.memory_space<vmem>>, vector<1x16xf32>,
        %get3A_1206 = arith.index_cast %scan3A_38 : i32 to index
        %get3A_1207 = arith.constant 208 : index
        %get3A_1208 = tpu.vector_load %arg17[%get3A_1206, %get3A_1207] {strides = array<i32>} : memref<16x768xf32, #tpu.memory_space<vmem>>, vector<1x16xf32>,
        %get3A_1209 = vector.shape_cast %get3A_1208 : vector<1x16xf32> to vector<16xf32>
        %sub3A_1210 = arith.subf %get3A_1209, %mul3A_896 : vector<16xf32>
        %mul3A_1211 = arith.mulf %sub3A_1210, %mul3A_958 : vector<16xf32>
        %get3A_1212 = arith.constant 208 : index
        %get3A_1213 = tpu.vector_load %arg14[%get3A_1212] {strides = array<i32>} : memref<768xf32, #tpu.memory_space<vmem>>, vector<16xf32>,
        %get3A_1214 = vector.shape_cast %get3A_1213 : vector<16xf32> to vector<16xf32>
        %mul3A_1215 = arith.mulf %mul3A_1211, %get3A_1214 : vector<16xf32>
        %get3A_1216 = arith.constant 208 : index
        %get3A_1217 = tpu.vector_load %arg15[%get3A_1216] {strides = array<i32>} : memref<768xf32, #tpu.memory_space<vmem>>, vector<16xf32>,
        %get3A_1218 = vector.shape_cast %get3A_1217 : vector<16xf32> to vector<16xf32>
        %add3A_1219 = arith.addf %mul3A_1215, %get3A_1218 : vector<16xf32>
        %swap3A_1220 = arith.index_cast %scan3A_38 : i32 to index
        %swap3A_1221 = arith.constant 208 : index
        %swap3A_1222 = tpu.vector_load %arg17[%swap3A_1220, %swap3A_1221] {strides = array<i32>} : memref<16x768xf32, #tpu.memory_space<vmem>>, vector<1x16xf32>,
        %swap3A_1223 = vector.shape_cast %swap3A_1222 : vector<1x16xf32> to vector<16xf32>
        %swap3A_1224 = vector.shape_cast %add3A_1219 : vector<16xf32> to vector<1x16xf32>
        tpu.vector_store %arg17[%swap3A_1220, %swap3A_1221], %swap3A_1224 {strides = array<i32>} : memref<16x768xf32, #tpu.memory_space<vmem>>, vector<1x16xf32>,
        %get3A_1225 = arith.index_cast %scan3A_38 : i32 to index
        %get3A_1226 = arith.constant 224 : index
        %get3A_1227 = tpu.vector_load %arg17[%get3A_1225, %get3A_1226] {strides = array<i32>} : memref<16x768xf32, #tpu.memory_space<vmem>>, vector<1x16xf32>,
        %get3A_1228 = vector.shape_cast %get3A_1227 : vector<1x16xf32> to vector<16xf32>
        %sub3A_1229 = arith.subf %get3A_1228, %mul3A_896 : vector<16xf32>
        %mul3A_1230 = arith.mulf %sub3A_1229, %mul3A_958 : vector<16xf32>
        %get3A_1231 = arith.constant 224 : index
        %get3A_1232 = tpu.vector_load %arg14[%get3A_1231] {strides = array<i32>} : memref<768xf32, #tpu.memory_space<vmem>>, vector<16xf32>,
        %get3A_1233 = vector.shape_cast %get3A_1232 : vector<16xf32> to vector<16xf32>
        %mul3A_1234 = arith.mulf %mul3A_1230, %get3A_1233 : vector<16xf32>
        %get3A_1235 = arith.constant 224 : index
        %get3A_1236 = tpu.vector_load %arg15[%get3A_1235] {strides = array<i32>} : memref<768xf32, #tpu.memory_space<vmem>>, vector<16xf32>,
        %get3A_1237 = vector.shape_cast %get3A_1236 : vector<16xf32> to vector<16xf32>
        %add3A_1238 = arith.addf %mul3A_1234, %get3A_1237 : vector<16xf32>
        %swap3A_1239 = arith.index_cast %scan3A_38 : i32 to index
        %swap3A_1240 = arith.constant 224 : index
        %swap3A_1241 = tpu.vector_load %arg17[%swap3A_1239, %swap3A_1240] {strides = array<i32>} : memref<16x768xf32, #tpu.memory_space<vmem>>, vector<1x16xf32>,
        %swap3A_1242 = vector.shape_cast %swap3A_1241 : vector<1x16xf32> to vector<16xf32>
        %swap3A_1243 = vector.shape_cast %add3A_1238 : vector<16xf32> to vector<1x16xf32>
        tpu.vector_store %arg17[%swap3A_1239, %swap3A_1240], %swap3A_1243 {strides = array<i32>} : memref<16x768xf32, #tpu.memory_space<vmem>>, vector<1x16xf32>,
        %get3A_1244 = arith.index_cast %scan3A_38 : i32 to index
        %get3A_1245 = arith.constant 240 : index
        %get3A_1246 = tpu.vector_load %arg17[%get3A_1244, %get3A_1245] {strides = array<i32>} : memref<16x768xf32, #tpu.memory_space<vmem>>, vector<1x16xf32>,
        %get3A_1247 = vector.shape_cast %get3A_1246 : vector<1x16xf32> to vector<16xf32>
        %sub3A_1248 = arith.subf %get3A_1247, %mul3A_896 : vector<16xf32>
        %mul3A_1249 = arith.mulf %sub3A_1248, %mul3A_958 : vector<16xf32>
        %get3A_1250 = arith.constant 240 : index
        %get3A_1251 = tpu.vector_load %arg14[%get3A_1250] {strides = array<i32>} : memref<768xf32, #tpu.memory_space<vmem>>, vector<16xf32>,
        %get3A_1252 = vector.shape_cast %get3A_1251 : vector<16xf32> to vector<16xf32>
        %mul3A_1253 = arith.mulf %mul3A_1249, %get3A_1252 : vector<16xf32>
        %get3A_1254 = arith.constant 240 : index
        %get3A_1255 = tpu.vector_load %arg15[%get3A_1254] {strides = array<i32>} : memref<768xf32, #tpu.memory_space<vmem>>, vector<16xf32>,
        %get3A_1256 = vector.shape_cast %get3A_1255 : vector<16xf32> to vector<16xf32>
        %add3A_1257 = arith.addf %mul3A_1253, %get3A_1256 : vector<16xf32>
        %swap3A_1258 = arith.index_cast %scan3A_38 : i32 to index
        %swap3A_1259 = arith.constant 240 : index
        %swap3A_1260 = tpu.vector_load %arg17[%swap3A_1258, %swap3A_1259] {strides = array<i32>} : memref<16x768xf32, #tpu.memory_space<vmem>>, vector<1x16xf32>,
        %swap3A_1261 = vector.shape_cast %swap3A_1260 : vector<1x16xf32> to vector<16xf32>
        %swap3A_1262 = vector.shape_cast %add3A_1257 : vector<16xf32> to vector<1x16xf32>
        tpu.vector_store %arg17[%swap3A_1258, %swap3A_1259], %swap3A_1262 {strides = array<i32>} : memref<16x768xf32, #tpu.memory_space<vmem>>, vector<1x16xf32>,
        %get3A_1263 = arith.index_cast %scan3A_38 : i32 to index
        %get3A_1264 = arith.constant 256 : index
        %get3A_1265 = tpu.vector_load %arg17[%get3A_1263, %get3A_1264] {strides = array<i32>} : memref<16x768xf32, #tpu.memory_space<vmem>>, vector<1x16xf32>,
        %get3A_1266 = vector.shape_cast %get3A_1265 : vector<1x16xf32> to vector<16xf32>
        %sub3A_1267 = arith.subf %get3A_1266, %mul3A_896 : vector<16xf32>
        %mul3A_1268 = arith.mulf %sub3A_1267, %mul3A_958 : vector<16xf32>
        %get3A_1269 = arith.constant 256 : index
        %get3A_1270 = tpu.vector_load %arg14[%get3A_1269] {strides = array<i32>} : memref<768xf32, #tpu.memory_space<vmem>>, vector<16xf32>,
        %get3A_1271 = vector.shape_cast %get3A_1270 : vector<16xf32> to vector<16xf32>
        %mul3A_1272 = arith.mulf %mul3A_1268, %get3A_1271 : vector<16xf32>
        %get3A_1273 = arith.constant 256 : index
        %get3A_1274 = tpu.vector_load %arg15[%get3A_1273] {strides = array<i32>} : memref<768xf32, #tpu.memory_space<vmem>>, vector<16xf32>,
        %get3A_1275 = vector.shape_cast %get3A_1274 : vector<16xf32> to vector<16xf32>
        %add3A_1276 = arith.addf %mul3A_1272, %get3A_1275 : vector<16xf32>
        %swap3A_1277 = arith.index_cast %scan3A_38 : i32 to index
        %swap3A_1278 = arith.constant 256 : index
        %swap3A_1279 = tpu.vector_load %arg17[%swap3A_1277, %swap3A_1278] {strides = array<i32>} : memref<16x768xf32, #tpu.memory_space<vmem>>, vector<1x16xf32>,
        %swap3A_1280 = vector.shape_cast %swap3A_1279 : vector<1x16xf32> to vector<16xf32>
        %swap3A_1281 = vector.shape_cast %add3A_1276 : vector<16xf32> to vector<1x16xf32>
        tpu.vector_store %arg17[%swap3A_1277, %swap3A_1278], %swap3A_1281 {strides = array<i32>} : memref<16x768xf32, #tpu.memory_space<vmem>>, vector<1x16xf32>,
        %get3A_1282 = arith.index_cast %scan3A_38 : i32 to index
        %get3A_1283 = arith.constant 272 : index
        %get3A_1284 = tpu.vector_load %arg17[%get3A_1282, %get3A_1283] {strides = array<i32>} : memref<16x768xf32, #tpu.memory_space<vmem>>, vector<1x16xf32>,
        %get3A_1285 = vector.shape_cast %get3A_1284 : vector<1x16xf32> to vector<16xf32>
        %sub3A_1286 = arith.subf %get3A_1285, %mul3A_896 : vector<16xf32>
        %mul3A_1287 = arith.mulf %sub3A_1286, %mul3A_958 : vector<16xf32>
        %get3A_1288 = arith.constant 272 : index
        %get3A_1289 = tpu.vector_load %arg14[%get3A_1288] {strides = array<i32>} : memref<768xf32, #tpu.memory_space<vmem>>, vector<16xf32>,
        %get3A_1290 = vector.shape_cast %get3A_1289 : vector<16xf32> to vector<16xf32>
        %mul3A_1291 = arith.mulf %mul3A_1287, %get3A_1290 : vector<16xf32>
        %get3A_1292 = arith.constant 272 : index
        %get3A_1293 = tpu.vector_load %arg15[%get3A_1292] {strides = array<i32>} : memref<768xf32, #tpu.memory_space<vmem>>, vector<16xf32>,
        %get3A_1294 = vector.shape_cast %get3A_1293 : vector<16xf32> to vector<16xf32>
        %add3A_1295 = arith.addf %mul3A_1291, %get3A_1294 : vector<16xf32>
        %swap3A_1296 = arith.index_cast %scan3A_38 : i32 to index
        %swap3A_1297 = arith.constant 272 : index
        %swap3A_1298 = tpu.vector_load %arg17[%swap3A_1296, %swap3A_1297] {strides = array<i32>} : memref<16x768xf32, #tpu.memory_space<vmem>>, vector<1x16xf32>,
        %swap3A_1299 = vector.shape_cast %swap3A_1298 : vector<1x16xf32> to vector<16xf32>
        %swap3A_1300 = vector.shape_cast %add3A_1295 : vector<16xf32> to vector<1x16xf32>
        tpu.vector_store %arg17[%swap3A_1296, %swap3A_1297], %swap3A_1300 {strides = array<i32>} : memref<16x768xf32, #tpu.memory_space<vmem>>, vector<1x16xf32>,
        %get3A_1301 = arith.index_cast %scan3A_38 : i32 to index
        %get3A_1302 = arith.constant 288 : index
        %get3A_1303 = tpu.vector_load %arg17[%get3A_1301, %get3A_1302] {strides = array<i32>} : memref<16x768xf32, #tpu.memory_space<vmem>>, vector<1x16xf32>,
        %get3A_1304 = vector.shape_cast %get3A_1303 : vector<1x16xf32> to vector<16xf32>
        %sub3A_1305 = arith.subf %get3A_1304, %mul3A_896 : vector<16xf32>
        %mul3A_1306 = arith.mulf %sub3A_1305, %mul3A_958 : vector<16xf32>
        %get3A_1307 = arith.constant 288 : index
        %get3A_1308 = tpu.vector_load %arg14[%get3A_1307] {strides = array<i32>} : memref<768xf32, #tpu.memory_space<vmem>>, vector<16xf32>,
        %get3A_1309 = vector.shape_cast %get3A_1308 : vector<16xf32> to vector<16xf32>
        %mul3A_1310 = arith.mulf %mul3A_1306, %get3A_1309 : vector<16xf32>
        %get3A_1311 = arith.constant 288 : index
        %get3A_1312 = tpu.vector_load %arg15[%get3A_1311] {strides = array<i32>} : memref<768xf32, #tpu.memory_space<vmem>>, vector<16xf32>,
        %get3A_1313 = vector.shape_cast %get3A_1312 : vector<16xf32> to vector<16xf32>
        %add3A_1314 = arith.addf %mul3A_1310, %get3A_1313 : vector<16xf32>
        %swap3A_1315 = arith.index_cast %scan3A_38 : i32 to index
        %swap3A_1316 = arith.constant 288 : index
        %swap3A_1317 = tpu.vector_load %arg17[%swap3A_1315, %swap3A_1316] {strides = array<i32>} : memref<16x768xf32, #tpu.memory_space<vmem>>, vector<1x16xf32>,
        %swap3A_1318 = vector.shape_cast %swap3A_1317 : vector<1x16xf32> to vector<16xf32>
        %swap3A_1319 = vector.shape_cast %add3A_1314 : vector<16xf32> to vector<1x16xf32>
        tpu.vector_store %arg17[%swap3A_1315, %swap3A_1316], %swap3A_1319 {strides = array<i32>} : memref<16x768xf32, #tpu.memory_space<vmem>>, vector<1x16xf32>,
        %get3A_1320 = arith.index_cast %scan3A_38 : i32 to index
        %get3A_1321 = arith.constant 304 : index
        %get3A_1322 = tpu.vector_load %arg17[%get3A_1320, %get3A_1321] {strides = array<i32>} : memref<16x768xf32, #tpu.memory_space<vmem>>, vector<1x16xf32>,
        %get3A_1323 = vector.shape_cast %get3A_1322 : vector<1x16xf32> to vector<16xf32>
        %sub3A_1324 = arith.subf %get3A_1323, %mul3A_896 : vector<16xf32>
        %mul3A_1325 = arith.mulf %sub3A_1324, %mul3A_958 : vector<16xf32>
        %get3A_1326 = arith.constant 304 : index
        %get3A_1327 = tpu.vector_load %arg14[%get3A_1326] {strides = array<i32>} : memref<768xf32, #tpu.memory_space<vmem>>, vector<16xf32>,
        %get3A_1328 = vector.shape_cast %get3A_1327 : vector<16xf32> to vector<16xf32>
        %mul3A_1329 = arith.mulf %mul3A_1325, %get3A_1328 : vector<16xf32>
        %get3A_1330 = arith.constant 304 : index
        %get3A_1331 = tpu.vector_load %arg15[%get3A_1330] {strides = array<i32>} : memref<768xf32, #tpu.memory_space<vmem>>, vector<16xf32>,
        %get3A_1332 = vector.shape_cast %get3A_1331 : vector<16xf32> to vector<16xf32>
        %add3A_1333 = arith.addf %mul3A_1329, %get3A_1332 : vector<16xf32>
        %swap3A_1334 = arith.index_cast %scan3A_38 : i32 to index
        %swap3A_1335 = arith.constant 304 : index
        %swap3A_1336 = tpu.vector_load %arg17[%swap3A_1334, %swap3A_1335] {strides = array<i32>} : memref<16x768xf32, #tpu.memory_space<vmem>>, vector<1x16xf32>,
        %swap3A_1337 = vector.shape_cast %swap3A_1336 : vector<1x16xf32> to vector<16xf32>
        %swap3A_1338 = vector.shape_cast %add3A_1333 : vector<16xf32> to vector<1x16xf32>
        tpu.vector_store %arg17[%swap3A_1334, %swap3A_1335], %swap3A_1338 {strides = array<i32>} : memref<16x768xf32, #tpu.memory_space<vmem>>, vector<1x16xf32>,
        %get3A_1339 = arith.index_cast %scan3A_38 : i32 to index
        %get3A_1340 = arith.constant 320 : index
        %get3A_1341 = tpu.vector_load %arg17[%get3A_1339, %get3A_1340] {strides = array<i32>} : memref<16x768xf32, #tpu.memory_space<vmem>>, vector<1x16xf32>,
        %get3A_1342 = vector.shape_cast %get3A_1341 : vector<1x16xf32> to vector<16xf32>
        %sub3A_1343 = arith.subf %get3A_1342, %mul3A_896 : vector<16xf32>
        %mul3A_1344 = arith.mulf %sub3A_1343, %mul3A_958 : vector<16xf32>
        %get3A_1345 = arith.constant 320 : index
        %get3A_1346 = tpu.vector_load %arg14[%get3A_1345] {strides = array<i32>} : memref<768xf32, #tpu.memory_space<vmem>>, vector<16xf32>,
        %get3A_1347 = vector.shape_cast %get3A_1346 : vector<16xf32> to vector<16xf32>
        %mul3A_1348 = arith.mulf %mul3A_1344, %get3A_1347 : vector<16xf32>
        %get3A_1349 = arith.constant 320 : index
        %get3A_1350 = tpu.vector_load %arg15[%get3A_1349] {strides = array<i32>} : memref<768xf32, #tpu.memory_space<vmem>>, vector<16xf32>,
        %get3A_1351 = vector.shape_cast %get3A_1350 : vector<16xf32> to vector<16xf32>
        %add3A_1352 = arith.addf %mul3A_1348, %get3A_1351 : vector<16xf32>
        %swap3A_1353 = arith.index_cast %scan3A_38 : i32 to index
        %swap3A_1354 = arith.constant 320 : index
        %swap3A_1355 = tpu.vector_load %arg17[%swap3A_1353, %swap3A_1354] {strides = array<i32>} : memref<16x768xf32, #tpu.memory_space<vmem>>, vector<1x16xf32>,
        %swap3A_1356 = vector.shape_cast %swap3A_1355 : vector<1x16xf32> to vector<16xf32>
        %swap3A_1357 = vector.shape_cast %add3A_1352 : vector<16xf32> to vector<1x16xf32>
        tpu.vector_store %arg17[%swap3A_1353, %swap3A_1354], %swap3A_1357 {strides = array<i32>} : memref<16x768xf32, #tpu.memory_space<vmem>>, vector<1x16xf32>,
        %get3A_1358 = arith.index_cast %scan3A_38 : i32 to index
        %get3A_1359 = arith.constant 336 : index
        %get3A_1360 = tpu.vector_load %arg17[%get3A_1358, %get3A_1359] {strides = array<i32>} : memref<16x768xf32, #tpu.memory_space<vmem>>, vector<1x16xf32>,
        %get3A_1361 = vector.shape_cast %get3A_1360 : vector<1x16xf32> to vector<16xf32>
        %sub3A_1362 = arith.subf %get3A_1361, %mul3A_896 : vector<16xf32>
        %mul3A_1363 = arith.mulf %sub3A_1362, %mul3A_958 : vector<16xf32>
        %get3A_1364 = arith.constant 336 : index
        %get3A_1365 = tpu.vector_load %arg14[%get3A_1364] {strides = array<i32>} : memref<768xf32, #tpu.memory_space<vmem>>, vector<16xf32>,
        %get3A_1366 = vector.shape_cast %get3A_1365 : vector<16xf32> to vector<16xf32>
        %mul3A_1367 = arith.mulf %mul3A_1363, %get3A_1366 : vector<16xf32>
        %get3A_1368 = arith.constant 336 : index
        %get3A_1369 = tpu.vector_load %arg15[%get3A_1368] {strides = array<i32>} : memref<768xf32, #tpu.memory_space<vmem>>, vector<16xf32>,
        %get3A_1370 = vector.shape_cast %get3A_1369 : vector<16xf32> to vector<16xf32>
        %add3A_1371 = arith.addf %mul3A_1367, %get3A_1370 : vector<16xf32>
        %swap3A_1372 = arith.index_cast %scan3A_38 : i32 to index
        %swap3A_1373 = arith.constant 336 : index
        %swap3A_1374 = tpu.vector_load %arg17[%swap3A_1372, %swap3A_1373] {strides = array<i32>} : memref<16x768xf32, #tpu.memory_space<vmem>>, vector<1x16xf32>,
        %swap3A_1375 = vector.shape_cast %swap3A_1374 : vector<1x16xf32> to vector<16xf32>
        %swap3A_1376 = vector.shape_cast %add3A_1371 : vector<16xf32> to vector<1x16xf32>
        tpu.vector_store %arg17[%swap3A_1372, %swap3A_1373], %swap3A_1376 {strides = array<i32>} : memref<16x768xf32, #tpu.memory_space<vmem>>, vector<1x16xf32>,
        %get3A_1377 = arith.index_cast %scan3A_38 : i32 to index
        %get3A_1378 = arith.constant 352 : index
        %get3A_1379 = tpu.vector_load %arg17[%get3A_1377, %get3A_1378] {strides = array<i32>} : memref<16x768xf32, #tpu.memory_space<vmem>>, vector<1x16xf32>,
        %get3A_1380 = vector.shape_cast %get3A_1379 : vector<1x16xf32> to vector<16xf32>
        %sub3A_1381 = arith.subf %get3A_1380, %mul3A_896 : vector<16xf32>
        %mul3A_1382 = arith.mulf %sub3A_1381, %mul3A_958 : vector<16xf32>
        %get3A_1383 = arith.constant 352 : index
        %get3A_1384 = tpu.vector_load %arg14[%get3A_1383] {strides = array<i32>} : memref<768xf32, #tpu.memory_space<vmem>>, vector<16xf32>,
        %get3A_1385 = vector.shape_cast %get3A_1384 : vector<16xf32> to vector<16xf32>
        %mul3A_1386 = arith.mulf %mul3A_1382, %get3A_1385 : vector<16xf32>
        %get3A_1387 = arith.constant 352 : index
        %get3A_1388 = tpu.vector_load %arg15[%get3A_1387] {strides = array<i32>} : memref<768xf32, #tpu.memory_space<vmem>>, vector<16xf32>,
        %get3A_1389 = vector.shape_cast %get3A_1388 : vector<16xf32> to vector<16xf32>
        %add3A_1390 = arith.addf %mul3A_1386, %get3A_1389 : vector<16xf32>
        %swap3A_1391 = arith.index_cast %scan3A_38 : i32 to index
        %swap3A_1392 = arith.constant 352 : index
        %swap3A_1393 = tpu.vector_load %arg17[%swap3A_1391, %swap3A_1392] {strides = array<i32>} : memref<16x768xf32, #tpu.memory_space<vmem>>, vector<1x16xf32>,
        %swap3A_1394 = vector.shape_cast %swap3A_1393 : vector<1x16xf32> to vector<16xf32>
        %swap3A_1395 = vector.shape_cast %add3A_1390 : vector<16xf32> to vector<1x16xf32>
        tpu.vector_store %arg17[%swap3A_1391, %swap3A_1392], %swap3A_1395 {strides = array<i32>} : memref<16x768xf32, #tpu.memory_space<vmem>>, vector<1x16xf32>,
        %get3A_1396 = arith.index_cast %scan3A_38 : i32 to index
        %get3A_1397 = arith.constant 368 : index
        %get3A_1398 = tpu.vector_load %arg17[%get3A_1396, %get3A_1397] {strides = array<i32>} : memref<16x768xf32, #tpu.memory_space<vmem>>, vector<1x16xf32>,
        %get3A_1399 = vector.shape_cast %get3A_1398 : vector<1x16xf32> to vector<16xf32>
        %sub3A_1400 = arith.subf %get3A_1399, %mul3A_896 : vector<16xf32>
        %mul3A_1401 = arith.mulf %sub3A_1400, %mul3A_958 : vector<16xf32>
        %get3A_1402 = arith.constant 368 : index
        %get3A_1403 = tpu.vector_load %arg14[%get3A_1402] {strides = array<i32>} : memref<768xf32, #tpu.memory_space<vmem>>, vector<16xf32>,
        %get3A_1404 = vector.shape_cast %get3A_1403 : vector<16xf32> to vector<16xf32>
        %mul3A_1405 = arith.mulf %mul3A_1401, %get3A_1404 : vector<16xf32>
        %get3A_1406 = arith.constant 368 : index
        %get3A_1407 = tpu.vector_load %arg15[%get3A_1406] {strides = array<i32>} : memref<768xf32, #tpu.memory_space<vmem>>, vector<16xf32>,
        %get3A_1408 = vector.shape_cast %get3A_1407 : vector<16xf32> to vector<16xf32>
        %add3A_1409 = arith.addf %mul3A_1405, %get3A_1408 : vector<16xf32>
        %swap3A_1410 = arith.index_cast %scan3A_38 : i32 to index
        %swap3A_1411 = arith.constant 368 : index
        %swap3A_1412 = tpu.vector_load %arg17[%swap3A_1410, %swap3A_1411] {strides = array<i32>} : memref<16x768xf32, #tpu.memory_space<vmem>>, vector<1x16xf32>,
        %swap3A_1413 = vector.shape_cast %swap3A_1412 : vector<1x16xf32> to vector<16xf32>
        %swap3A_1414 = vector.shape_cast %add3A_1409 : vector<16xf32> to vector<1x16xf32>
        tpu.vector_store %arg17[%swap3A_1410, %swap3A_1411], %swap3A_1414 {strides = array<i32>} : memref<16x768xf32, #tpu.memory_space<vmem>>, vector<1x16xf32>,
        %get3A_1415 = arith.index_cast %scan3A_38 : i32 to index
        %get3A_1416 = arith.constant 384 : index
        %get3A_1417 = tpu.vector_load %arg17[%get3A_1415, %get3A_1416] {strides = array<i32>} : memref<16x768xf32, #tpu.memory_space<vmem>>, vector<1x16xf32>,
        %get3A_1418 = vector.shape_cast %get3A_1417 : vector<1x16xf32> to vector<16xf32>
        %sub3A_1419 = arith.subf %get3A_1418, %mul3A_896 : vector<16xf32>
        %mul3A_1420 = arith.mulf %sub3A_1419, %mul3A_958 : vector<16xf32>
        %get3A_1421 = arith.constant 384 : index
        %get3A_1422 = tpu.vector_load %arg14[%get3A_1421] {strides = array<i32>} : memref<768xf32, #tpu.memory_space<vmem>>, vector<16xf32>,
        %get3A_1423 = vector.shape_cast %get3A_1422 : vector<16xf32> to vector<16xf32>
        %mul3A_1424 = arith.mulf %mul3A_1420, %get3A_1423 : vector<16xf32>
        %get3A_1425 = arith.constant 384 : index
        %get3A_1426 = tpu.vector_load %arg15[%get3A_1425] {strides = array<i32>} : memref<768xf32, #tpu.memory_space<vmem>>, vector<16xf32>,
        %get3A_1427 = vector.shape_cast %get3A_1426 : vector<16xf32> to vector<16xf32>
        %add3A_1428 = arith.addf %mul3A_1424, %get3A_1427 : vector<16xf32>
        %swap3A_1429 = arith.index_cast %scan3A_38 : i32 to index
        %swap3A_1430 = arith.constant 384 : index
        %swap3A_1431 = tpu.vector_load %arg17[%swap3A_1429, %swap3A_1430] {strides = array<i32>} : memref<16x768xf32, #tpu.memory_space<vmem>>, vector<1x16xf32>,
        %swap3A_1432 = vector.shape_cast %swap3A_1431 : vector<1x16xf32> to vector<16xf32>
        %swap3A_1433 = vector.shape_cast %add3A_1428 : vector<16xf32> to vector<1x16xf32>
        tpu.vector_store %arg17[%swap3A_1429, %swap3A_1430], %swap3A_1433 {strides = array<i32>} : memref<16x768xf32, #tpu.memory_space<vmem>>, vector<1x16xf32>,
        %get3A_1434 = arith.index_cast %scan3A_38 : i32 to index
        %get3A_1435 = arith.constant 400 : index
        %get3A_1436 = tpu.vector_load %arg17[%get3A_1434, %get3A_1435] {strides = array<i32>} : memref<16x768xf32, #tpu.memory_space<vmem>>, vector<1x16xf32>,
        %get3A_1437 = vector.shape_cast %get3A_1436 : vector<1x16xf32> to vector<16xf32>
        %sub3A_1438 = arith.subf %get3A_1437, %mul3A_896 : vector<16xf32>
        %mul3A_1439 = arith.mulf %sub3A_1438, %mul3A_958 : vector<16xf32>
        %get3A_1440 = arith.constant 400 : index
        %get3A_1441 = tpu.vector_load %arg14[%get3A_1440] {strides = array<i32>} : memref<768xf32, #tpu.memory_space<vmem>>, vector<16xf32>,
        %get3A_1442 = vector.shape_cast %get3A_1441 : vector<16xf32> to vector<16xf32>
        %mul3A_1443 = arith.mulf %mul3A_1439, %get3A_1442 : vector<16xf32>
        %get3A_1444 = arith.constant 400 : index
        %get3A_1445 = tpu.vector_load %arg15[%get3A_1444] {strides = array<i32>} : memref<768xf32, #tpu.memory_space<vmem>>, vector<16xf32>,
        %get3A_1446 = vector.shape_cast %get3A_1445 : vector<16xf32> to vector<16xf32>
        %add3A_1447 = arith.addf %mul3A_1443, %get3A_1446 : vector<16xf32>
        %swap3A_1448 = arith.index_cast %scan3A_38 : i32 to index
        %swap3A_1449 = arith.constant 400 : index
        %swap3A_1450 = tpu.vector_load %arg17[%swap3A_1448, %swap3A_1449] {strides = array<i32>} : memref<16x768xf32, #tpu.memory_space<vmem>>, vector<1x16xf32>,
        %swap3A_1451 = vector.shape_cast %swap3A_1450 : vector<1x16xf32> to vector<16xf32>
        %swap3A_1452 = vector.shape_cast %add3A_1447 : vector<16xf32> to vector<1x16xf32>
        tpu.vector_store %arg17[%swap3A_1448, %swap3A_1449], %swap3A_1452 {strides = array<i32>} : memref<16x768xf32, #tpu.memory_space<vmem>>, vector<1x16xf32>,
        %get3A_1453 = arith.index_cast %scan3A_38 : i32 to index
        %get3A_1454 = arith.constant 416 : index
        %get3A_1455 = tpu.vector_load %arg17[%get3A_1453, %get3A_1454] {strides = array<i32>} : memref<16x768xf32, #tpu.memory_space<vmem>>, vector<1x16xf32>,
        %get3A_1456 = vector.shape_cast %get3A_1455 : vector<1x16xf32> to vector<16xf32>
        %sub3A_1457 = arith.subf %get3A_1456, %mul3A_896 : vector<16xf32>
        %mul3A_1458 = arith.mulf %sub3A_1457, %mul3A_958 : vector<16xf32>
        %get3A_1459 = arith.constant 416 : index
        %get3A_1460 = tpu.vector_load %arg14[%get3A_1459] {strides = array<i32>} : memref<768xf32, #tpu.memory_space<vmem>>, vector<16xf32>,
        %get3A_1461 = vector.shape_cast %get3A_1460 : vector<16xf32> to vector<16xf32>
        %mul3A_1462 = arith.mulf %mul3A_1458, %get3A_1461 : vector<16xf32>
        %get3A_1463 = arith.constant 416 : index
        %get3A_1464 = tpu.vector_load %arg15[%get3A_1463] {strides = array<i32>} : memref<768xf32, #tpu.memory_space<vmem>>, vector<16xf32>,
        %get3A_1465 = vector.shape_cast %get3A_1464 : vector<16xf32> to vector<16xf32>
        %add3A_1466 = arith.addf %mul3A_1462, %get3A_1465 : vector<16xf32>
        %swap3A_1467 = arith.index_cast %scan3A_38 : i32 to index
        %swap3A_1468 = arith.constant 416 : index
        %swap3A_1469 = tpu.vector_load %arg17[%swap3A_1467, %swap3A_1468] {strides = array<i32>} : memref<16x768xf32, #tpu.memory_space<vmem>>, vector<1x16xf32>,
        %swap3A_1470 = vector.shape_cast %swap3A_1469 : vector<1x16xf32> to vector<16xf32>
        %swap3A_1471 = vector.shape_cast %add3A_1466 : vector<16xf32> to vector<1x16xf32>
        tpu.vector_store %arg17[%swap3A_1467, %swap3A_1468], %swap3A_1471 {strides = array<i32>} : memref<16x768xf32, #tpu.memory_space<vmem>>, vector<1x16xf32>,
        %get3A_1472 = arith.index_cast %scan3A_38 : i32 to index
        %get3A_1473 = arith.constant 432 : index
        %get3A_1474 = tpu.vector_load %arg17[%get3A_1472, %get3A_1473] {strides = array<i32>} : memref<16x768xf32, #tpu.memory_space<vmem>>, vector<1x16xf32>,
        %get3A_1475 = vector.shape_cast %get3A_1474 : vector<1x16xf32> to vector<16xf32>
        %sub3A_1476 = arith.subf %get3A_1475, %mul3A_896 : vector<16xf32>
        %mul3A_1477 = arith.mulf %sub3A_1476, %mul3A_958 : vector<16xf32>
        %get3A_1478 = arith.constant 432 : index
        %get3A_1479 = tpu.vector_load %arg14[%get3A_1478] {strides = array<i32>} : memref<768xf32, #tpu.memory_space<vmem>>, vector<16xf32>,
        %get3A_1480 = vector.shape_cast %get3A_1479 : vector<16xf32> to vector<16xf32>
        %mul3A_1481 = arith.mulf %mul3A_1477, %get3A_1480 : vector<16xf32>
        %get3A_1482 = arith.constant 432 : index
        %get3A_1483 = tpu.vector_load %arg15[%get3A_1482] {strides = array<i32>} : memref<768xf32, #tpu.memory_space<vmem>>, vector<16xf32>,
        %get3A_1484 = vector.shape_cast %get3A_1483 : vector<16xf32> to vector<16xf32>
        %add3A_1485 = arith.addf %mul3A_1481, %get3A_1484 : vector<16xf32>
        %swap3A_1486 = arith.index_cast %scan3A_38 : i32 to index
        %swap3A_1487 = arith.constant 432 : index
        %swap3A_1488 = tpu.vector_load %arg17[%swap3A_1486, %swap3A_1487] {strides = array<i32>} : memref<16x768xf32, #tpu.memory_space<vmem>>, vector<1x16xf32>,
        %swap3A_1489 = vector.shape_cast %swap3A_1488 : vector<1x16xf32> to vector<16xf32>
        %swap3A_1490 = vector.shape_cast %add3A_1485 : vector<16xf32> to vector<1x16xf32>
        tpu.vector_store %arg17[%swap3A_1486, %swap3A_1487], %swap3A_1490 {strides = array<i32>} : memref<16x768xf32, #tpu.memory_space<vmem>>, vector<1x16xf32>,
        %get3A_1491 = arith.index_cast %scan3A_38 : i32 to index
        %get3A_1492 = arith.constant 448 : index
        %get3A_1493 = tpu.vector_load %arg17[%get3A_1491, %get3A_1492] {strides = array<i32>} : memref<16x768xf32, #tpu.memory_space<vmem>>, vector<1x16xf32>,
        %get3A_1494 = vector.shape_cast %get3A_1493 : vector<1x16xf32> to vector<16xf32>
        %sub3A_1495 = arith.subf %get3A_1494, %mul3A_896 : vector<16xf32>
        %mul3A_1496 = arith.mulf %sub3A_1495, %mul3A_958 : vector<16xf32>
        %get3A_1497 = arith.constant 448 : index
        %get3A_1498 = tpu.vector_load %arg14[%get3A_1497] {strides = array<i32>} : memref<768xf32, #tpu.memory_space<vmem>>, vector<16xf32>,
        %get3A_1499 = vector.shape_cast %get3A_1498 : vector<16xf32> to vector<16xf32>
        %mul3A_1500 = arith.mulf %mul3A_1496, %get3A_1499 : vector<16xf32>
        %get3A_1501 = arith.constant 448 : index
        %get3A_1502 = tpu.vector_load %arg15[%get3A_1501] {strides = array<i32>} : memref<768xf32, #tpu.memory_space<vmem>>, vector<16xf32>,
        %get3A_1503 = vector.shape_cast %get3A_1502 : vector<16xf32> to vector<16xf32>
        %add3A_1504 = arith.addf %mul3A_1500, %get3A_1503 : vector<16xf32>
        %swap3A_1505 = arith.index_cast %scan3A_38 : i32 to index
        %swap3A_1506 = arith.constant 448 : index
        %swap3A_1507 = tpu.vector_load %arg17[%swap3A_1505, %swap3A_1506] {strides = array<i32>} : memref<16x768xf32, #tpu.memory_space<vmem>>, vector<1x16xf32>,
        %swap3A_1508 = vector.shape_cast %swap3A_1507 : vector<1x16xf32> to vector<16xf32>
        %swap3A_1509 = vector.shape_cast %add3A_1504 : vector<16xf32> to vector<1x16xf32>
        tpu.vector_store %arg17[%swap3A_1505, %swap3A_1506], %swap3A_1509 {strides = array<i32>} : memref<16x768xf32, #tpu.memory_space<vmem>>, vector<1x16xf32>,
        %get3A_1510 = arith.index_cast %scan3A_38 : i32 to index
        %get3A_1511 = arith.constant 464 : index
        %get3A_1512 = tpu.vector_load %arg17[%get3A_1510, %get3A_1511] {strides = array<i32>} : memref<16x768xf32, #tpu.memory_space<vmem>>, vector<1x16xf32>,
        %get3A_1513 = vector.shape_cast %get3A_1512 : vector<1x16xf32> to vector<16xf32>
        %sub3A_1514 = arith.subf %get3A_1513, %mul3A_896 : vector<16xf32>
        %mul3A_1515 = arith.mulf %sub3A_1514, %mul3A_958 : vector<16xf32>
        %get3A_1516 = arith.constant 464 : index
        %get3A_1517 = tpu.vector_load %arg14[%get3A_1516] {strides = array<i32>} : memref<768xf32, #tpu.memory_space<vmem>>, vector<16xf32>,
        %get3A_1518 = vector.shape_cast %get3A_1517 : vector<16xf32> to vector<16xf32>
        %mul3A_1519 = arith.mulf %mul3A_1515, %get3A_1518 : vector<16xf32>
        %get3A_1520 = arith.constant 464 : index
        %get3A_1521 = tpu.vector_load %arg15[%get3A_1520] {strides = array<i32>} : memref<768xf32, #tpu.memory_space<vmem>>, vector<16xf32>,
        %get3A_1522 = vector.shape_cast %get3A_1521 : vector<16xf32> to vector<16xf32>
        %add3A_1523 = arith.addf %mul3A_1519, %get3A_1522 : vector<16xf32>
        %swap3A_1524 = arith.index_cast %scan3A_38 : i32 to index
        %swap3A_1525 = arith.constant 464 : index
        %swap3A_1526 = tpu.vector_load %arg17[%swap3A_1524, %swap3A_1525] {strides = array<i32>} : memref<16x768xf32, #tpu.memory_space<vmem>>, vector<1x16xf32>,
        %swap3A_1527 = vector.shape_cast %swap3A_1526 : vector<1x16xf32> to vector<16xf32>
        %swap3A_1528 = vector.shape_cast %add3A_1523 : vector<16xf32> to vector<1x16xf32>
        tpu.vector_store %arg17[%swap3A_1524, %swap3A_1525], %swap3A_1528 {strides = array<i32>} : memref<16x768xf32, #tpu.memory_space<vmem>>, vector<1x16xf32>,
        %get3A_1529 = arith.index_cast %scan3A_38 : i32 to index
        %get3A_1530 = arith.constant 480 : index
        %get3A_1531 = tpu.vector_load %arg17[%get3A_1529, %get3A_1530] {strides = array<i32>} : memref<16x768xf32, #tpu.memory_space<vmem>>, vector<1x16xf32>,
        %get3A_1532 = vector.shape_cast %get3A_1531 : vector<1x16xf32> to vector<16xf32>
        %sub3A_1533 = arith.subf %get3A_1532, %mul3A_896 : vector<16xf32>
        %mul3A_1534 = arith.mulf %sub3A_1533, %mul3A_958 : vector<16xf32>
        %get3A_1535 = arith.constant 480 : index
        %get3A_1536 = tpu.vector_load %arg14[%get3A_1535] {strides = array<i32>} : memref<768xf32, #tpu.memory_space<vmem>>, vector<16xf32>,
        %get3A_1537 = vector.shape_cast %get3A_1536 : vector<16xf32> to vector<16xf32>
        %mul3A_1538 = arith.mulf %mul3A_1534, %get3A_1537 : vector<16xf32>
        %get3A_1539 = arith.constant 480 : index
        %get3A_1540 = tpu.vector_load %arg15[%get3A_1539] {strides = array<i32>} : memref<768xf32, #tpu.memory_space<vmem>>, vector<16xf32>,
        %get3A_1541 = vector.shape_cast %get3A_1540 : vector<16xf32> to vector<16xf32>
        %add3A_1542 = arith.addf %mul3A_1538, %get3A_1541 : vector<16xf32>
        %swap3A_1543 = arith.index_cast %scan3A_38 : i32 to index
        %swap3A_1544 = arith.constant 480 : index
        %swap3A_1545 = tpu.vector_load %arg17[%swap3A_1543, %swap3A_1544] {strides = array<i32>} : memref<16x768xf32, #tpu.memory_space<vmem>>, vector<1x16xf32>,
        %swap3A_1546 = vector.shape_cast %swap3A_1545 : vector<1x16xf32> to vector<16xf32>
        %swap3A_1547 = vector.shape_cast %add3A_1542 : vector<16xf32> to vector<1x16xf32>
        tpu.vector_store %arg17[%swap3A_1543, %swap3A_1544], %swap3A_1547 {strides = array<i32>} : memref<16x768xf32, #tpu.memory_space<vmem>>, vector<1x16xf32>,
        %get3A_1548 = arith.index_cast %scan3A_38 : i32 to index
        %get3A_1549 = arith.constant 496 : index
        %get3A_1550 = tpu.vector_load %arg17[%get3A_1548, %get3A_1549] {strides = array<i32>} : memref<16x768xf32, #tpu.memory_space<vmem>>, vector<1x16xf32>,
        %get3A_1551 = vector.shape_cast %get3A_1550 : vector<1x16xf32> to vector<16xf32>
        %sub3A_1552 = arith.subf %get3A_1551, %mul3A_896 : vector<16xf32>
        %mul3A_1553 = arith.mulf %sub3A_1552, %mul3A_958 : vector<16xf32>
        %get3A_1554 = arith.constant 496 : index
        %get3A_1555 = tpu.vector_load %arg14[%get3A_1554] {strides = array<i32>} : memref<768xf32, #tpu.memory_space<vmem>>, vector<16xf32>,
        %get3A_1556 = vector.shape_cast %get3A_1555 : vector<16xf32> to vector<16xf32>
        %mul3A_1557 = arith.mulf %mul3A_1553, %get3A_1556 : vector<16xf32>
        %get3A_1558 = arith.constant 496 : index
        %get3A_1559 = tpu.vector_load %arg15[%get3A_1558] {strides = array<i32>} : memref<768xf32, #tpu.memory_space<vmem>>, vector<16xf32>,
        %get3A_1560 = vector.shape_cast %get3A_1559 : vector<16xf32> to vector<16xf32>
        %add3A_1561 = arith.addf %mul3A_1557, %get3A_1560 : vector<16xf32>
        %swap3A_1562 = arith.index_cast %scan3A_38 : i32 to index
        %swap3A_1563 = arith.constant 496 : index
        %swap3A_1564 = tpu.vector_load %arg17[%swap3A_1562, %swap3A_1563] {strides = array<i32>} : memref<16x768xf32, #tpu.memory_space<vmem>>, vector<1x16xf32>,
        %swap3A_1565 = vector.shape_cast %swap3A_1564 : vector<1x16xf32> to vector<16xf32>
        %swap3A_1566 = vector.shape_cast %add3A_1561 : vector<16xf32> to vector<1x16xf32>
        tpu.vector_store %arg17[%swap3A_1562, %swap3A_1563], %swap3A_1566 {strides = array<i32>} : memref<16x768xf32, #tpu.memory_space<vmem>>, vector<1x16xf32>,
        %get3A_1567 = arith.index_cast %scan3A_38 : i32 to index
        %get3A_1568 = arith.constant 512 : index
        %get3A_1569 = tpu.vector_load %arg17[%get3A_1567, %get3A_1568] {strides = array<i32>} : memref<16x768xf32, #tpu.memory_space<vmem>>, vector<1x16xf32>,
        %get3A_1570 = vector.shape_cast %get3A_1569 : vector<1x16xf32> to vector<16xf32>
        %sub3A_1571 = arith.subf %get3A_1570, %mul3A_896 : vector<16xf32>
        %mul3A_1572 = arith.mulf %sub3A_1571, %mul3A_958 : vector<16xf32>
        %get3A_1573 = arith.constant 512 : index
        %get3A_1574 = tpu.vector_load %arg14[%get3A_1573] {strides = array<i32>} : memref<768xf32, #tpu.memory_space<vmem>>, vector<16xf32>,
        %get3A_1575 = vector.shape_cast %get3A_1574 : vector<16xf32> to vector<16xf32>
        %mul3A_1576 = arith.mulf %mul3A_1572, %get3A_1575 : vector<16xf32>
        %get3A_1577 = arith.constant 512 : index
        %get3A_1578 = tpu.vector_load %arg15[%get3A_1577] {strides = array<i32>} : memref<768xf32, #tpu.memory_space<vmem>>, vector<16xf32>,
        %get3A_1579 = vector.shape_cast %get3A_1578 : vector<16xf32> to vector<16xf32>
        %add3A_1580 = arith.addf %mul3A_1576, %get3A_1579 : vector<16xf32>
        %swap3A_1581 = arith.index_cast %scan3A_38 : i32 to index
        %swap3A_1582 = arith.constant 512 : index
        %swap3A_1583 = tpu.vector_load %arg17[%swap3A_1581, %swap3A_1582] {strides = array<i32>} : memref<16x768xf32, #tpu.memory_space<vmem>>, vector<1x16xf32>,
        %swap3A_1584 = vector.shape_cast %swap3A_1583 : vector<1x16xf32> to vector<16xf32>
        %swap3A_1585 = vector.shape_cast %add3A_1580 : vector<16xf32> to vector<1x16xf32>
        tpu.vector_store %arg17[%swap3A_1581, %swap3A_1582], %swap3A_1585 {strides = array<i32>} : memref<16x768xf32, #tpu.memory_space<vmem>>, vector<1x16xf32>,
        %get3A_1586 = arith.index_cast %scan3A_38 : i32 to index
        %get3A_1587 = arith.constant 528 : index
        %get3A_1588 = tpu.vector_load %arg17[%get3A_1586, %get3A_1587] {strides = array<i32>} : memref<16x768xf32, #tpu.memory_space<vmem>>, vector<1x16xf32>,
        %get3A_1589 = vector.shape_cast %get3A_1588 : vector<1x16xf32> to vector<16xf32>
        %sub3A_1590 = arith.subf %get3A_1589, %mul3A_896 : vector<16xf32>
        %mul3A_1591 = arith.mulf %sub3A_1590, %mul3A_958 : vector<16xf32>
        %get3A_1592 = arith.constant 528 : index
        %get3A_1593 = tpu.vector_load %arg14[%get3A_1592] {strides = array<i32>} : memref<768xf32, #tpu.memory_space<vmem>>, vector<16xf32>,
        %get3A_1594 = vector.shape_cast %get3A_1593 : vector<16xf32> to vector<16xf32>
        %mul3A_1595 = arith.mulf %mul3A_1591, %get3A_1594 : vector<16xf32>
        %get3A_1596 = arith.constant 528 : index
        %get3A_1597 = tpu.vector_load %arg15[%get3A_1596] {strides = array<i32>} : memref<768xf32, #tpu.memory_space<vmem>>, vector<16xf32>,
        %get3A_1598 = vector.shape_cast %get3A_1597 : vector<16xf32> to vector<16xf32>
        %add3A_1599 = arith.addf %mul3A_1595, %get3A_1598 : vector<16xf32>
        %swap3A_1600 = arith.index_cast %scan3A_38 : i32 to index
        %swap3A_1601 = arith.constant 528 : index
        %swap3A_1602 = tpu.vector_load %arg17[%swap3A_1600, %swap3A_1601] {strides = array<i32>} : memref<16x768xf32, #tpu.memory_space<vmem>>, vector<1x16xf32>,
        %swap3A_1603 = vector.shape_cast %swap3A_1602 : vector<1x16xf32> to vector<16xf32>
        %swap3A_1604 = vector.shape_cast %add3A_1599 : vector<16xf32> to vector<1x16xf32>
        tpu.vector_store %arg17[%swap3A_1600, %swap3A_1601], %swap3A_1604 {strides = array<i32>} : memref<16x768xf32, #tpu.memory_space<vmem>>, vector<1x16xf32>,
        %get3A_1605 = arith.index_cast %scan3A_38 : i32 to index
        %get3A_1606 = arith.constant 544 : index
        %get3A_1607 = tpu.vector_load %arg17[%get3A_1605, %get3A_1606] {strides = array<i32>} : memref<16x768xf32, #tpu.memory_space<vmem>>, vector<1x16xf32>,
        %get3A_1608 = vector.shape_cast %get3A_1607 : vector<1x16xf32> to vector<16xf32>
        %sub3A_1609 = arith.subf %get3A_1608, %mul3A_896 : vector<16xf32>
        %mul3A_1610 = arith.mulf %sub3A_1609, %mul3A_958 : vector<16xf32>
        %get3A_1611 = arith.constant 544 : index
        %get3A_1612 = tpu.vector_load %arg14[%get3A_1611] {strides = array<i32>} : memref<768xf32, #tpu.memory_space<vmem>>, vector<16xf32>,
        %get3A_1613 = vector.shape_cast %get3A_1612 : vector<16xf32> to vector<16xf32>
        %mul3A_1614 = arith.mulf %mul3A_1610, %get3A_1613 : vector<16xf32>
        %get3A_1615 = arith.constant 544 : index
        %get3A_1616 = tpu.vector_load %arg15[%get3A_1615] {strides = array<i32>} : memref<768xf32, #tpu.memory_space<vmem>>, vector<16xf32>,
        %get3A_1617 = vector.shape_cast %get3A_1616 : vector<16xf32> to vector<16xf32>
        %add3A_1618 = arith.addf %mul3A_1614, %get3A_1617 : vector<16xf32>
        %swap3A_1619 = arith.index_cast %scan3A_38 : i32 to index
        %swap3A_1620 = arith.constant 544 : index
        %swap3A_1621 = tpu.vector_load %arg17[%swap3A_1619, %swap3A_1620] {strides = array<i32>} : memref<16x768xf32, #tpu.memory_space<vmem>>, vector<1x16xf32>,
        %swap3A_1622 = vector.shape_cast %swap3A_1621 : vector<1x16xf32> to vector<16xf32>
        %swap3A_1623 = vector.shape_cast %add3A_1618 : vector<16xf32> to vector<1x16xf32>
        tpu.vector_store %arg17[%swap3A_1619, %swap3A_1620], %swap3A_1623 {strides = array<i32>} : memref<16x768xf32, #tpu.memory_space<vmem>>, vector<1x16xf32>,
        %get3A_1624 = arith.index_cast %scan3A_38 : i32 to index
        %get3A_1625 = arith.constant 560 : index
        %get3A_1626 = tpu.vector_load %arg17[%get3A_1624, %get3A_1625] {strides = array<i32>} : memref<16x768xf32, #tpu.memory_space<vmem>>, vector<1x16xf32>,
        %get3A_1627 = vector.shape_cast %get3A_1626 : vector<1x16xf32> to vector<16xf32>
        %sub3A_1628 = arith.subf %get3A_1627, %mul3A_896 : vector<16xf32>
        %mul3A_1629 = arith.mulf %sub3A_1628, %mul3A_958 : vector<16xf32>
        %get3A_1630 = arith.constant 560 : index
        %get3A_1631 = tpu.vector_load %arg14[%get3A_1630] {strides = array<i32>} : memref<768xf32, #tpu.memory_space<vmem>>, vector<16xf32>,
        %get3A_1632 = vector.shape_cast %get3A_1631 : vector<16xf32> to vector<16xf32>
        %mul3A_1633 = arith.mulf %mul3A_1629, %get3A_1632 : vector<16xf32>
        %get3A_1634 = arith.constant 560 : index
        %get3A_1635 = tpu.vector_load %arg15[%get3A_1634] {strides = array<i32>} : memref<768xf32, #tpu.memory_space<vmem>>, vector<16xf32>,
        %get3A_1636 = vector.shape_cast %get3A_1635 : vector<16xf32> to vector<16xf32>
        %add3A_1637 = arith.addf %mul3A_1633, %get3A_1636 : vector<16xf32>
        %swap3A_1638 = arith.index_cast %scan3A_38 : i32 to index
        %swap3A_1639 = arith.constant 560 : index
        %swap3A_1640 = tpu.vector_load %arg17[%swap3A_1638, %swap3A_1639] {strides = array<i32>} : memref<16x768xf32, #tpu.memory_space<vmem>>, vector<1x16xf32>,
        %swap3A_1641 = vector.shape_cast %swap3A_1640 : vector<1x16xf32> to vector<16xf32>
        %swap3A_1642 = vector.shape_cast %add3A_1637 : vector<16xf32> to vector<1x16xf32>
        tpu.vector_store %arg17[%swap3A_1638, %swap3A_1639], %swap3A_1642 {strides = array<i32>} : memref<16x768xf32, #tpu.memory_space<vmem>>, vector<1x16xf32>,
        %get3A_1643 = arith.index_cast %scan3A_38 : i32 to index
        %get3A_1644 = arith.constant 576 : index
        %get3A_1645 = tpu.vector_load %arg17[%get3A_1643, %get3A_1644] {strides = array<i32>} : memref<16x768xf32, #tpu.memory_space<vmem>>, vector<1x16xf32>,
        %get3A_1646 = vector.shape_cast %get3A_1645 : vector<1x16xf32> to vector<16xf32>
        %sub3A_1647 = arith.subf %get3A_1646, %mul3A_896 : vector<16xf32>
        %mul3A_1648 = arith.mulf %sub3A_1647, %mul3A_958 : vector<16xf32>
        %get3A_1649 = arith.constant 576 : index
        %get3A_1650 = tpu.vector_load %arg14[%get3A_1649] {strides = array<i32>} : memref<768xf32, #tpu.memory_space<vmem>>, vector<16xf32>,
        %get3A_1651 = vector.shape_cast %get3A_1650 : vector<16xf32> to vector<16xf32>
        %mul3A_1652 = arith.mulf %mul3A_1648, %get3A_1651 : vector<16xf32>
        %get3A_1653 = arith.constant 576 : index
        %get3A_1654 = tpu.vector_load %arg15[%get3A_1653] {strides = array<i32>} : memref<768xf32, #tpu.memory_space<vmem>>, vector<16xf32>,
        %get3A_1655 = vector.shape_cast %get3A_1654 : vector<16xf32> to vector<16xf32>
        %add3A_1656 = arith.addf %mul3A_1652, %get3A_1655 : vector<16xf32>
        %swap3A_1657 = arith.index_cast %scan3A_38 : i32 to index
        %swap3A_1658 = arith.constant 576 : index
        %swap3A_1659 = tpu.vector_load %arg17[%swap3A_1657, %swap3A_1658] {strides = array<i32>} : memref<16x768xf32, #tpu.memory_space<vmem>>, vector<1x16xf32>,
        %swap3A_1660 = vector.shape_cast %swap3A_1659 : vector<1x16xf32> to vector<16xf32>
        %swap3A_1661 = vector.shape_cast %add3A_1656 : vector<16xf32> to vector<1x16xf32>
        tpu.vector_store %arg17[%swap3A_1657, %swap3A_1658], %swap3A_1661 {strides = array<i32>} : memref<16x768xf32, #tpu.memory_space<vmem>>, vector<1x16xf32>,
        %get3A_1662 = arith.index_cast %scan3A_38 : i32 to index
        %get3A_1663 = arith.constant 592 : index
        %get3A_1664 = tpu.vector_load %arg17[%get3A_1662, %get3A_1663] {strides = array<i32>} : memref<16x768xf32, #tpu.memory_space<vmem>>, vector<1x16xf32>,
        %get3A_1665 = vector.shape_cast %get3A_1664 : vector<1x16xf32> to vector<16xf32>
        %sub3A_1666 = arith.subf %get3A_1665, %mul3A_896 : vector<16xf32>
        %mul3A_1667 = arith.mulf %sub3A_1666, %mul3A_958 : vector<16xf32>
        %get3A_1668 = arith.constant 592 : index
        %get3A_1669 = tpu.vector_load %arg14[%get3A_1668] {strides = array<i32>} : memref<768xf32, #tpu.memory_space<vmem>>, vector<16xf32>,
        %get3A_1670 = vector.shape_cast %get3A_1669 : vector<16xf32> to vector<16xf32>
        %mul3A_1671 = arith.mulf %mul3A_1667, %get3A_1670 : vector<16xf32>
        %get3A_1672 = arith.constant 592 : index
        %get3A_1673 = tpu.vector_load %arg15[%get3A_1672] {strides = array<i32>} : memref<768xf32, #tpu.memory_space<vmem>>, vector<16xf32>,
        %get3A_1674 = vector.shape_cast %get3A_1673 : vector<16xf32> to vector<16xf32>
        %add3A_1675 = arith.addf %mul3A_1671, %get3A_1674 : vector<16xf32>
        %swap3A_1676 = arith.index_cast %scan3A_38 : i32 to index
        %swap3A_1677 = arith.constant 592 : index
        %swap3A_1678 = tpu.vector_load %arg17[%swap3A_1676, %swap3A_1677] {strides = array<i32>} : memref<16x768xf32, #tpu.memory_space<vmem>>, vector<1x16xf32>,
        %swap3A_1679 = vector.shape_cast %swap3A_1678 : vector<1x16xf32> to vector<16xf32>
        %swap3A_1680 = vector.shape_cast %add3A_1675 : vector<16xf32> to vector<1x16xf32>
        tpu.vector_store %arg17[%swap3A_1676, %swap3A_1677], %swap3A_1680 {strides = array<i32>} : memref<16x768xf32, #tpu.memory_space<vmem>>, vector<1x16xf32>,
        %get3A_1681 = arith.index_cast %scan3A_38 : i32 to index
        %get3A_1682 = arith.constant 608 : index
        %get3A_1683 = tpu.vector_load %arg17[%get3A_1681, %get3A_1682] {strides = array<i32>} : memref<16x768xf32, #tpu.memory_space<vmem>>, vector<1x16xf32>,
        %get3A_1684 = vector.shape_cast %get3A_1683 : vector<1x16xf32> to vector<16xf32>
        %sub3A_1685 = arith.subf %get3A_1684, %mul3A_896 : vector<16xf32>
        %mul3A_1686 = arith.mulf %sub3A_1685, %mul3A_958 : vector<16xf32>
        %get3A_1687 = arith.constant 608 : index
        %get3A_1688 = tpu.vector_load %arg14[%get3A_1687] {strides = array<i32>} : memref<768xf32, #tpu.memory_space<vmem>>, vector<16xf32>,
        %get3A_1689 = vector.shape_cast %get3A_1688 : vector<16xf32> to vector<16xf32>
        %mul3A_1690 = arith.mulf %mul3A_1686, %get3A_1689 : vector<16xf32>
        %get3A_1691 = arith.constant 608 : index
        %get3A_1692 = tpu.vector_load %arg15[%get3A_1691] {strides = array<i32>} : memref<768xf32, #tpu.memory_space<vmem>>, vector<16xf32>,
        %get3A_1693 = vector.shape_cast %get3A_1692 : vector<16xf32> to vector<16xf32>
        %add3A_1694 = arith.addf %mul3A_1690, %get3A_1693 : vector<16xf32>
        %swap3A_1695 = arith.index_cast %scan3A_38 : i32 to index
        %swap3A_1696 = arith.constant 608 : index
        %swap3A_1697 = tpu.vector_load %arg17[%swap3A_1695, %swap3A_1696] {strides = array<i32>} : memref<16x768xf32, #tpu.memory_space<vmem>>, vector<1x16xf32>,
        %swap3A_1698 = vector.shape_cast %swap3A_1697 : vector<1x16xf32> to vector<16xf32>
        %swap3A_1699 = vector.shape_cast %add3A_1694 : vector<16xf32> to vector<1x16xf32>
        tpu.vector_store %arg17[%swap3A_1695, %swap3A_1696], %swap3A_1699 {strides = array<i32>} : memref<16x768xf32, #tpu.memory_space<vmem>>, vector<1x16xf32>,
        %get3A_1700 = arith.index_cast %scan3A_38 : i32 to index
        %get3A_1701 = arith.constant 624 : index
        %get3A_1702 = tpu.vector_load %arg17[%get3A_1700, %get3A_1701] {strides = array<i32>} : memref<16x768xf32, #tpu.memory_space<vmem>>, vector<1x16xf32>,
        %get3A_1703 = vector.shape_cast %get3A_1702 : vector<1x16xf32> to vector<16xf32>
        %sub3A_1704 = arith.subf %get3A_1703, %mul3A_896 : vector<16xf32>
        %mul3A_1705 = arith.mulf %sub3A_1704, %mul3A_958 : vector<16xf32>
        %get3A_1706 = arith.constant 624 : index
        %get3A_1707 = tpu.vector_load %arg14[%get3A_1706] {strides = array<i32>} : memref<768xf32, #tpu.memory_space<vmem>>, vector<16xf32>,
        %get3A_1708 = vector.shape_cast %get3A_1707 : vector<16xf32> to vector<16xf32>
        %mul3A_1709 = arith.mulf %mul3A_1705, %get3A_1708 : vector<16xf32>
        %get3A_1710 = arith.constant 624 : index
        %get3A_1711 = tpu.vector_load %arg15[%get3A_1710] {strides = array<i32>} : memref<768xf32, #tpu.memory_space<vmem>>, vector<16xf32>,
        %get3A_1712 = vector.shape_cast %get3A_1711 : vector<16xf32> to vector<16xf32>
        %add3A_1713 = arith.addf %mul3A_1709, %get3A_1712 : vector<16xf32>
        %swap3A_1714 = arith.index_cast %scan3A_38 : i32 to index
        %swap3A_1715 = arith.constant 624 : index
        %swap3A_1716 = tpu.vector_load %arg17[%swap3A_1714, %swap3A_1715] {strides = array<i32>} : memref<16x768xf32, #tpu.memory_space<vmem>>, vector<1x16xf32>,
        %swap3A_1717 = vector.shape_cast %swap3A_1716 : vector<1x16xf32> to vector<16xf32>
        %swap3A_1718 = vector.shape_cast %add3A_1713 : vector<16xf32> to vector<1x16xf32>
        tpu.vector_store %arg17[%swap3A_1714, %swap3A_1715], %swap3A_1718 {strides = array<i32>} : memref<16x768xf32, #tpu.memory_space<vmem>>, vector<1x16xf32>,
        %get3A_1719 = arith.index_cast %scan3A_38 : i32 to index
        %get3A_1720 = arith.constant 640 : index
        %get3A_1721 = tpu.vector_load %arg17[%get3A_1719, %get3A_1720] {strides = array<i32>} : memref<16x768xf32, #tpu.memory_space<vmem>>, vector<1x16xf32>,
        %get3A_1722 = vector.shape_cast %get3A_1721 : vector<1x16xf32> to vector<16xf32>
        %sub3A_1723 = arith.subf %get3A_1722, %mul3A_896 : vector<16xf32>
        %mul3A_1724 = arith.mulf %sub3A_1723, %mul3A_958 : vector<16xf32>
        %get3A_1725 = arith.constant 640 : index
        %get3A_1726 = tpu.vector_load %arg14[%get3A_1725] {strides = array<i32>} : memref<768xf32, #tpu.memory_space<vmem>>, vector<16xf32>,
        %get3A_1727 = vector.shape_cast %get3A_1726 : vector<16xf32> to vector<16xf32>
        %mul3A_1728 = arith.mulf %mul3A_1724, %get3A_1727 : vector<16xf32>
        %get3A_1729 = arith.constant 640 : index
        %get3A_1730 = tpu.vector_load %arg15[%get3A_1729] {strides = array<i32>} : memref<768xf32, #tpu.memory_space<vmem>>, vector<16xf32>,
        %get3A_1731 = vector.shape_cast %get3A_1730 : vector<16xf32> to vector<16xf32>
        %add3A_1732 = arith.addf %mul3A_1728, %get3A_1731 : vector<16xf32>
        %swap3A_1733 = arith.index_cast %scan3A_38 : i32 to index
        %swap3A_1734 = arith.constant 640 : index
        %swap3A_1735 = tpu.vector_load %arg17[%swap3A_1733, %swap3A_1734] {strides = array<i32>} : memref<16x768xf32, #tpu.memory_space<vmem>>, vector<1x16xf32>,
        %swap3A_1736 = vector.shape_cast %swap3A_1735 : vector<1x16xf32> to vector<16xf32>
        %swap3A_1737 = vector.shape_cast %add3A_1732 : vector<16xf32> to vector<1x16xf32>
        tpu.vector_store %arg17[%swap3A_1733, %swap3A_1734], %swap3A_1737 {strides = array<i32>} : memref<16x768xf32, #tpu.memory_space<vmem>>, vector<1x16xf32>,
        %get3A_1738 = arith.index_cast %scan3A_38 : i32 to index
        %get3A_1739 = arith.constant 656 : index
        %get3A_1740 = tpu.vector_load %arg17[%get3A_1738, %get3A_1739] {strides = array<i32>} : memref<16x768xf32, #tpu.memory_space<vmem>>, vector<1x16xf32>,
        %get3A_1741 = vector.shape_cast %get3A_1740 : vector<1x16xf32> to vector<16xf32>
        %sub3A_1742 = arith.subf %get3A_1741, %mul3A_896 : vector<16xf32>
        %mul3A_1743 = arith.mulf %sub3A_1742, %mul3A_958 : vector<16xf32>
        %get3A_1744 = arith.constant 656 : index
        %get3A_1745 = tpu.vector_load %arg14[%get3A_1744] {strides = array<i32>} : memref<768xf32, #tpu.memory_space<vmem>>, vector<16xf32>,
        %get3A_1746 = vector.shape_cast %get3A_1745 : vector<16xf32> to vector<16xf32>
        %mul3A_1747 = arith.mulf %mul3A_1743, %get3A_1746 : vector<16xf32>
        %get3A_1748 = arith.constant 656 : index
        %get3A_1749 = tpu.vector_load %arg15[%get3A_1748] {strides = array<i32>} : memref<768xf32, #tpu.memory_space<vmem>>, vector<16xf32>,
        %get3A_1750 = vector.shape_cast %get3A_1749 : vector<16xf32> to vector<16xf32>
        %add3A_1751 = arith.addf %mul3A_1747, %get3A_1750 : vector<16xf32>
        %swap3A_1752 = arith.index_cast %scan3A_38 : i32 to index
        %swap3A_1753 = arith.constant 656 : index
        %swap3A_1754 = tpu.vector_load %arg17[%swap3A_1752, %swap3A_1753] {strides = array<i32>} : memref<16x768xf32, #tpu.memory_space<vmem>>, vector<1x16xf32>,
        %swap3A_1755 = vector.shape_cast %swap3A_1754 : vector<1x16xf32> to vector<16xf32>
        %swap3A_1756 = vector.shape_cast %add3A_1751 : vector<16xf32> to vector<1x16xf32>
        tpu.vector_store %arg17[%swap3A_1752, %swap3A_1753], %swap3A_1756 {strides = array<i32>} : memref<16x768xf32, #tpu.memory_space<vmem>>, vector<1x16xf32>,
        %get3A_1757 = arith.index_cast %scan3A_38 : i32 to index
        %get3A_1758 = arith.constant 672 : index
        %get3A_1759 = tpu.vector_load %arg17[%get3A_1757, %get3A_1758] {strides = array<i32>} : memref<16x768xf32, #tpu.memory_space<vmem>>, vector<1x16xf32>,
        %get3A_1760 = vector.shape_cast %get3A_1759 : vector<1x16xf32> to vector<16xf32>
        %sub3A_1761 = arith.subf %get3A_1760, %mul3A_896 : vector<16xf32>
        %mul3A_1762 = arith.mulf %sub3A_1761, %mul3A_958 : vector<16xf32>
        %get3A_1763 = arith.constant 672 : index
        %get3A_1764 = tpu.vector_load %arg14[%get3A_1763] {strides = array<i32>} : memref<768xf32, #tpu.memory_space<vmem>>, vector<16xf32>,
        %get3A_1765 = vector.shape_cast %get3A_1764 : vector<16xf32> to vector<16xf32>
        %mul3A_1766 = arith.mulf %mul3A_1762, %get3A_1765 : vector<16xf32>
        %get3A_1767 = arith.constant 672 : index
        %get3A_1768 = tpu.vector_load %arg15[%get3A_1767] {strides = array<i32>} : memref<768xf32, #tpu.memory_space<vmem>>, vector<16xf32>,
        %get3A_1769 = vector.shape_cast %get3A_1768 : vector<16xf32> to vector<16xf32>
        %add3A_1770 = arith.addf %mul3A_1766, %get3A_1769 : vector<16xf32>
        %swap3A_1771 = arith.index_cast %scan3A_38 : i32 to index
        %swap3A_1772 = arith.constant 672 : index
        %swap3A_1773 = tpu.vector_load %arg17[%swap3A_1771, %swap3A_1772] {strides = array<i32>} : memref<16x768xf32, #tpu.memory_space<vmem>>, vector<1x16xf32>,
        %swap3A_1774 = vector.shape_cast %swap3A_1773 : vector<1x16xf32> to vector<16xf32>
        %swap3A_1775 = vector.shape_cast %add3A_1770 : vector<16xf32> to vector<1x16xf32>
        tpu.vector_store %arg17[%swap3A_1771, %swap3A_1772], %swap3A_1775 {strides = array<i32>} : memref<16x768xf32, #tpu.memory_space<vmem>>, vector<1x16xf32>,
        %get3A_1776 = arith.index_cast %scan3A_38 : i32 to index
        %get3A_1777 = arith.constant 688 : index
        %get3A_1778 = tpu.vector_load %arg17[%get3A_1776, %get3A_1777] {strides = array<i32>} : memref<16x768xf32, #tpu.memory_space<vmem>>, vector<1x16xf32>,
        %get3A_1779 = vector.shape_cast %get3A_1778 : vector<1x16xf32> to vector<16xf32>
        %sub3A_1780 = arith.subf %get3A_1779, %mul3A_896 : vector<16xf32>
        %mul3A_1781 = arith.mulf %sub3A_1780, %mul3A_958 : vector<16xf32>
        %get3A_1782 = arith.constant 688 : index
        %get3A_1783 = tpu.vector_load %arg14[%get3A_1782] {strides = array<i32>} : memref<768xf32, #tpu.memory_space<vmem>>, vector<16xf32>,
        %get3A_1784 = vector.shape_cast %get3A_1783 : vector<16xf32> to vector<16xf32>
        %mul3A_1785 = arith.mulf %mul3A_1781, %get3A_1784 : vector<16xf32>
        %get3A_1786 = arith.constant 688 : index
        %get3A_1787 = tpu.vector_load %arg15[%get3A_1786] {strides = array<i32>} : memref<768xf32, #tpu.memory_space<vmem>>, vector<16xf32>,
        %get3A_1788 = vector.shape_cast %get3A_1787 : vector<16xf32> to vector<16xf32>
        %add3A_1789 = arith.addf %mul3A_1785, %get3A_1788 : vector<16xf32>
        %swap3A_1790 = arith.index_cast %scan3A_38 : i32 to index
        %swap3A_1791 = arith.constant 688 : index
        %swap3A_1792 = tpu.vector_load %arg17[%swap3A_1790, %swap3A_1791] {strides = array<i32>} : memref<16x768xf32, #tpu.memory_space<vmem>>, vector<1x16xf32>,
        %swap3A_1793 = vector.shape_cast %swap3A_1792 : vector<1x16xf32> to vector<16xf32>
        %swap3A_1794 = vector.shape_cast %add3A_1789 : vector<16xf32> to vector<1x16xf32>
        tpu.vector_store %arg17[%swap3A_1790, %swap3A_1791], %swap3A_1794 {strides = array<i32>} : memref<16x768xf32, #tpu.memory_space<vmem>>, vector<1x16xf32>,
        %get3A_1795 = arith.index_cast %scan3A_38 : i32 to index
        %get3A_1796 = arith.constant 704 : index
        %get3A_1797 = tpu.vector_load %arg17[%get3A_1795, %get3A_1796] {strides = array<i32>} : memref<16x768xf32, #tpu.memory_space<vmem>>, vector<1x16xf32>,
        %get3A_1798 = vector.shape_cast %get3A_1797 : vector<1x16xf32> to vector<16xf32>
        %sub3A_1799 = arith.subf %get3A_1798, %mul3A_896 : vector<16xf32>
        %mul3A_1800 = arith.mulf %sub3A_1799, %mul3A_958 : vector<16xf32>
        %get3A_1801 = arith.constant 704 : index
        %get3A_1802 = tpu.vector_load %arg14[%get3A_1801] {strides = array<i32>} : memref<768xf32, #tpu.memory_space<vmem>>, vector<16xf32>,
        %get3A_1803 = vector.shape_cast %get3A_1802 : vector<16xf32> to vector<16xf32>
        %mul3A_1804 = arith.mulf %mul3A_1800, %get3A_1803 : vector<16xf32>
        %get3A_1805 = arith.constant 704 : index
        %get3A_1806 = tpu.vector_load %arg15[%get3A_1805] {strides = array<i32>} : memref<768xf32, #tpu.memory_space<vmem>>, vector<16xf32>,
        %get3A_1807 = vector.shape_cast %get3A_1806 : vector<16xf32> to vector<16xf32>
        %add3A_1808 = arith.addf %mul3A_1804, %get3A_1807 : vector<16xf32>
        %swap3A_1809 = arith.index_cast %scan3A_38 : i32 to index
        %swap3A_1810 = arith.constant 704 : index
        %swap3A_1811 = tpu.vector_load %arg17[%swap3A_1809, %swap3A_1810] {strides = array<i32>} : memref<16x768xf32, #tpu.memory_space<vmem>>, vector<1x16xf32>,
        %swap3A_1812 = vector.shape_cast %swap3A_1811 : vector<1x16xf32> to vector<16xf32>
        %swap3A_1813 = vector.shape_cast %add3A_1808 : vector<16xf32> to vector<1x16xf32>
        tpu.vector_store %arg17[%swap3A_1809, %swap3A_1810], %swap3A_1813 {strides = array<i32>} : memref<16x768xf32, #tpu.memory_space<vmem>>, vector<1x16xf32>,
        %get3A_1814 = arith.index_cast %scan3A_38 : i32 to index
        %get3A_1815 = arith.constant 720 : index
        %get3A_1816 = tpu.vector_load %arg17[%get3A_1814, %get3A_1815] {strides = array<i32>} : memref<16x768xf32, #tpu.memory_space<vmem>>, vector<1x16xf32>,
        %get3A_1817 = vector.shape_cast %get3A_1816 : vector<1x16xf32> to vector<16xf32>
        %sub3A_1818 = arith.subf %get3A_1817, %mul3A_896 : vector<16xf32>
        %mul3A_1819 = arith.mulf %sub3A_1818, %mul3A_958 : vector<16xf32>
        %get3A_1820 = arith.constant 720 : index
        %get3A_1821 = tpu.vector_load %arg14[%get3A_1820] {strides = array<i32>} : memref<768xf32, #tpu.memory_space<vmem>>, vector<16xf32>,
        %get3A_1822 = vector.shape_cast %get3A_1821 : vector<16xf32> to vector<16xf32>
        %mul3A_1823 = arith.mulf %mul3A_1819, %get3A_1822 : vector<16xf32>
        %get3A_1824 = arith.constant 720 : index
        %get3A_1825 = tpu.vector_load %arg15[%get3A_1824] {strides = array<i32>} : memref<768xf32, #tpu.memory_space<vmem>>, vector<16xf32>,
        %get3A_1826 = vector.shape_cast %get3A_1825 : vector<16xf32> to vector<16xf32>
        %add3A_1827 = arith.addf %mul3A_1823, %get3A_1826 : vector<16xf32>
        %swap3A_1828 = arith.index_cast %scan3A_38 : i32 to index
        %swap3A_1829 = arith.constant 720 : index
        %swap3A_1830 = tpu.vector_load %arg17[%swap3A_1828, %swap3A_1829] {strides = array<i32>} : memref<16x768xf32, #tpu.memory_space<vmem>>, vector<1x16xf32>,
        %swap3A_1831 = vector.shape_cast %swap3A_1830 : vector<1x16xf32> to vector<16xf32>
        %swap3A_1832 = vector.shape_cast %add3A_1827 : vector<16xf32> to vector<1x16xf32>
        tpu.vector_store %arg17[%swap3A_1828, %swap3A_1829], %swap3A_1832 {strides = array<i32>} : memref<16x768xf32, #tpu.memory_space<vmem>>, vector<1x16xf32>,
        %get3A_1833 = arith.index_cast %scan3A_38 : i32 to index
        %get3A_1834 = arith.constant 736 : index
        %get3A_1835 = tpu.vector_load %arg17[%get3A_1833, %get3A_1834] {strides = array<i32>} : memref<16x768xf32, #tpu.memory_space<vmem>>, vector<1x16xf32>,
        %get3A_1836 = vector.shape_cast %get3A_1835 : vector<1x16xf32> to vector<16xf32>
        %sub3A_1837 = arith.subf %get3A_1836, %mul3A_896 : vector<16xf32>
        %mul3A_1838 = arith.mulf %sub3A_1837, %mul3A_958 : vector<16xf32>
        %get3A_1839 = arith.constant 736 : index
        %get3A_1840 = tpu.vector_load %arg14[%get3A_1839] {strides = array<i32>} : memref<768xf32, #tpu.memory_space<vmem>>, vector<16xf32>,
        %get3A_1841 = vector.shape_cast %get3A_1840 : vector<16xf32> to vector<16xf32>
        %mul3A_1842 = arith.mulf %mul3A_1838, %get3A_1841 : vector<16xf32>
        %get3A_1843 = arith.constant 736 : index
        %get3A_1844 = tpu.vector_load %arg15[%get3A_1843] {strides = array<i32>} : memref<768xf32, #tpu.memory_space<vmem>>, vector<16xf32>,
        %get3A_1845 = vector.shape_cast %get3A_1844 : vector<16xf32> to vector<16xf32>
        %add3A_1846 = arith.addf %mul3A_1842, %get3A_1845 : vector<16xf32>
        %swap3A_1847 = arith.index_cast %scan3A_38 : i32 to index
        %swap3A_1848 = arith.constant 736 : index
        %swap3A_1849 = tpu.vector_load %arg17[%swap3A_1847, %swap3A_1848] {strides = array<i32>} : memref<16x768xf32, #tpu.memory_space<vmem>>, vector<1x16xf32>,
        %swap3A_1850 = vector.shape_cast %swap3A_1849 : vector<1x16xf32> to vector<16xf32>
        %swap3A_1851 = vector.shape_cast %add3A_1846 : vector<16xf32> to vector<1x16xf32>
        tpu.vector_store %arg17[%swap3A_1847, %swap3A_1848], %swap3A_1851 {strides = array<i32>} : memref<16x768xf32, #tpu.memory_space<vmem>>, vector<1x16xf32>,
        %get3A_1852 = arith.index_cast %scan3A_38 : i32 to index
        %get3A_1853 = arith.constant 752 : index
        %get3A_1854 = tpu.vector_load %arg17[%get3A_1852, %get3A_1853] {strides = array<i32>} : memref<16x768xf32, #tpu.memory_space<vmem>>, vector<1x16xf32>,
        %get3A_1855 = vector.shape_cast %get3A_1854 : vector<1x16xf32> to vector<16xf32>
        %sub3A_1856 = arith.subf %get3A_1855, %mul3A_896 : vector<16xf32>
        %mul3A_1857 = arith.mulf %sub3A_1856, %mul3A_958 : vector<16xf32>
        %get3A_1858 = arith.constant 752 : index
        %get3A_1859 = tpu.vector_load %arg14[%get3A_1858] {strides = array<i32>} : memref<768xf32, #tpu.memory_space<vmem>>, vector<16xf32>,
        %get3A_1860 = vector.shape_cast %get3A_1859 : vector<16xf32> to vector<16xf32>
        %mul3A_1861 = arith.mulf %mul3A_1857, %get3A_1860 : vector<16xf32>
        %get3A_1862 = arith.constant 752 : index
        %get3A_1863 = tpu.vector_load %arg15[%get3A_1862] {strides = array<i32>} : memref<768xf32, #tpu.memory_space<vmem>>, vector<16xf32>,
        %get3A_1864 = vector.shape_cast %get3A_1863 : vector<16xf32> to vector<16xf32>
        %add3A_1865 = arith.addf %mul3A_1861, %get3A_1864 : vector<16xf32>
        %swap3A_1866 = arith.index_cast %scan3A_38 : i32 to index
        %swap3A_1867 = arith.constant 752 : index
        %swap3A_1868 = tpu.vector_load %arg17[%swap3A_1866, %swap3A_1867] {strides = array<i32>} : memref<16x768xf32, #tpu.memory_space<vmem>>, vector<1x16xf32>,
        %swap3A_1869 = vector.shape_cast %swap3A_1868 : vector<1x16xf32> to vector<16xf32>
        %swap3A_1870 = vector.shape_cast %add3A_1865 : vector<16xf32> to vector<1x16xf32>
        tpu.vector_store %arg17[%swap3A_1866, %swap3A_1867], %swap3A_1870 {strides = array<i32>} : memref<16x768xf32, #tpu.memory_space<vmem>>, vector<1x16xf32>,
        %scan3A_1871 = arith.constant 0 : i32
        scf.yield %scan3A_1871 : i32
      }
      %scan3A_36 = arith.constant 16 : i32
      "tpu.region"() ({
        %run_scoped3A = tpu.sem_alloc : memref<!tpu.dma_semaphore, #tpu.memory_space<semaphore_mem>>
        %dma_start3A_38 = arith.constant 0 : i32
        %dma_start3A_39 = tpu.memref_slice %arg9[%scan3A_16, %mul3A_2, %dma_start3A_38] : memref<64x512x768xf32, #tpu.memory_space<hbm>> -> memref<1x16x768xf32, #tpu.memory_space<hbm>>
        %dma_start3A_40 = tpu.memref_squeeze %dma_start3A_39 : memref<1x16x768xf32, #tpu.memory_space<hbm>> -> memref<16x768xf32, #tpu.memory_space<hbm>>
        %dma_start3A_41 = arith.constant 0 : i32
        %dma_start3A_42 = tpu.memref_slice %arg9[%scan3A_16, %mul3A_2, %dma_start3A_41] : memref<64x512x768xf32, #tpu.memory_space<hbm>> -> memref<1x16x768xf32, #tpu.memory_space<hbm>>
        %dma_start3A_43 = tpu.memref_squeeze %dma_start3A_42 : memref<1x16x768xf32, #tpu.memory_space<hbm>> -> memref<16x768xf32, #tpu.memory_space<hbm>>
        tpu.enqueue_dma source(%arg17 : memref<16x768xf32, #tpu.memory_space<vmem>>) target(%dma_start3A_43 : memref<16x768xf32, #tpu.memory_space<hbm>>) target_semaphore(%run_scoped3A : memref<!tpu.dma_semaphore, #tpu.memory_space<semaphore_mem>>)
        %dma_wait3A_44 = arith.constant 0 : i32
        %dma_wait3A_45 = tpu.memref_slice %arg9[%scan3A_16, %mul3A_2, %dma_wait3A_44] : memref<64x512x768xf32, #tpu.memory_space<hbm>> -> memref<1x16x768xf32, #tpu.memory_space<hbm>>
        %dma_wait3A_46 = tpu.memref_squeeze %dma_wait3A_45 : memref<1x16x768xf32, #tpu.memory_space<hbm>> -> memref<16x768xf32, #tpu.memory_space<hbm>>
        %dma_wait3A_47 = arith.constant 0 : i32
        %dma_wait3A_48 = tpu.memref_slice %arg9[%scan3A_16, %mul3A_2, %dma_wait3A_47] : memref<64x512x768xf32, #tpu.memory_space<hbm>> -> memref<1x16x768xf32, #tpu.memory_space<hbm>>
        %dma_wait3A_49 = tpu.memref_squeeze %dma_wait3A_48 : memref<1x16x768xf32, #tpu.memory_space<hbm>> -> memref<16x768xf32, #tpu.memory_space<hbm>>
        tpu.wait_dma2 semaphore(%run_scoped3A : memref<!tpu.dma_semaphore, #tpu.memory_space<semaphore_mem>>) src(%arg17 : memref<16x768xf32, #tpu.memory_space<vmem>>) dst(%dma_wait3A_49 : memref<16x768xf32, #tpu.memory_space<hbm>>)
        tpu.yield
      }) : () -> ()
      %scan3A_37 = arith.constant 0 : i32
      scf.yield %scan3A_37 : i32
    }
    %scan3A_15 = arith.constant 64 : i32
    return
  }
}

</mosaic_0001>

<sc_bundles>
// kernel: _run.3.cloned.1.call-start
scs
__scs_entry_jumppad:
0x0: {  	(pc) =	sbr.rel $0x88, $3  }
0x1: {  	(tag) =	ssettag $0x0;
	lr =	simm.s32 $0x1  }
0x2: {  	[smem:$0x3F9A] =	sst lr;
	_ =	strace $0xD0000000  }
0x3: {  	_ = 	snop  }
0x4: {  	_ = 	snop  }
0x5: {  	_ = 	snop  }
0x6: {  	_ = 	snop  }
0x7: {  	_ = 	snop  }
__scs_overlays_trampoline_lowered:
0x8: {  	[smem:$0x3FA9] =	sst s0  }
0x9: {  	[smem:$0x3FAA] =	sst s1  }
0xa: {  	[smem:$0x3FAB] =	sst s2  }
0xb: {  	[smem:$0x3FAC] =	sst s3  }
0xc: {  	[smem:$0x3FAD] =	sst s4  }
0xd: {  	[smem:$0x3FAE] =	sst s5  }
0xe: {  	[smem:$0x3FAF] =	sst s6  }
0xf: {  	[smem:$0x3FB0] =	sst s7  }
0x10: {  	[smem:$0x3FB1] =	sst s8  }
0x11: {  	[smem:$0x3FB2] =	sst s9;
	s0 =	simm.s32 @!p0 $0x0  }
0x12: {  	s1 =	sld [smem:$0x3F98];
	s0 =	simm.s32 @p0 $0x1  }
0x13: {  	[smem:$0x3FB3] =	sst s0;
	s0 =	simm.s32 @!p1 $0x0  }
0x14: {  	s2 =	sld [smem:$0x3F97];
	s0 =	simm.s32 @p1 $0x1  }
0x15: {  	[smem:$0x3FB4] =	sst s0;
	s0 =	simm.s32 @!p2 $0x0  }
0x16: {  	s3 =	sld [smem:$0x3FDB];
	s0 =	simm.s32 @p2 $0x1  }
0x17: {  	s4 =	simm.s32 $0x1BF5;
	[smem:$0x3FB6] =	sst s0  }
0x18: {  	s0 =	sld [smem:$0x3F99];
	_ =	swait.ge [sflag:s4], $0x0  }
0x19: {  	s7 =	sld [smem:$0x3F9A]  }
0x1a: {  	s8 =	sadd.s32 $0xFFFFE003, lr  }
0x1b: {  	s9 =	sadd.s32 $0xFFFFFEF7, lr;
	s5 =	simm.s32 $0xFFFFFFFF;
	p2 =	slt.u32 s8, $0xFFFFF086  }
0x1c: {  	p1 =	slt.u32 s9, $0xF7A;
	s5 =	simm.s32 @!p2 $0x0  }
0x1d: {  	s5 =	simm.s32 @p1 $0x1;
	p0 =	seq.s32 s7, s2  }
0x1e: {  	s7 =	smul.u32 @!p0 $0xF7A, s2;
	p2 =	seq.s32 @!p0 s5, $0x0  }
0x1f: {  	s9 =	smul.u32 $0xF7A, s1;
	s8 =	simm.s32 @!p0 $0x1BF5;
	p2 =	por !p2, p0  }
0x20: {  	[sflag:s8] =	ssyncset.s32 @!p0 $0xFFFFF086;
	s6 =	sadd.s32 @!p0 s3, s7;
	s7 =	simm.s32 @!p0 $0x108  }
0x21: {  	s3 =	sadd.s32 s3, s9;
	s6 =	sadd.s32 @!p0 $0x88, s6;
	s7 =	simm.s32 @p2 $0x1082  }
0x22: {  	[simem:s7], [sflag:s8] =	dma.local @!p0 [hbm:s6], $0xF7A  }
0x23: {  	s9 =	sor.u32 $0xD0000000, s2;
	s6 =	simm.s32 $0x108;
	_ =	swait.ge @!p0 [sflag:s8], $0x0  }
0x24: {  	s3 =	sadd.s32 $0x88, s3;
	s6 =	simm.s32 @!p1 $0x1082;
	[sflag:s4] =	ssyncset.s32 $0xFFFFF086  }
0x25: {  	[simem:s6], [sflag:s4] =	dma.local [hbm:s3], $0xF7A  }
0x26: {  	[smem:$0x3F9A] =	sst s1;
	(tag) =	ssettag s2;
	_ =	strace s9  }
0x27: {  	s1 =	sld [smem:$0x3FAA]  }
0x28: {  	s2 =	sld [smem:$0x3FAB]  }
0x29: {  	s4 =	sld [smem:$0x3FAD]  }
0x2a: {  	p0 =	seq.s32 s5, $0x0;
	s5 =	sld [smem:$0x3FAE]  }
0x2b: {  	s6 =	sld [smem:$0x3FAF]  }
0x2c: {  	s7 =	sld [smem:$0x3FB0]  }
0x2d: {  	s3 =	simm.s32 $0x108;
	s8 =	sld [smem:$0x3FB1]  }
0x2e: {  	s3 =	simm.s32 @!p0 $0x1082;
	s9 =	sld [smem:$0x3FB2]  }
0x2f: {  	lr =	sadd.s32 s0, s3;
	s0 =	sld [smem:$0x3FA9]  }
0x30: {  	s3 =	sld [smem:$0x3FAC]  }
0x31: {  	[smem:$0x3FB5] =	sst s10  }
0x32: {  	s10 =	sld [smem:$0x3FB3];
	_ =	sdelay $0x3  }
0x33: {  	p0 =	seq.s32 s10, $0x1;
	s10 =	sld [smem:$0x3FB5];
	_ =	sdelay $0x3  }
0x34: {  	[smem:$0x3FB5] =	sst s10  }
0x35: {  	s10 =	sld [smem:$0x3FB4];
	_ =	sdelay $0x3  }
0x36: {  	p1 =	seq.s32 s10, $0x1;
	s10 =	sld [smem:$0x3FB5];
	_ =	sdelay $0x3  }
0x37: {  	[smem:$0x3FB5] =	sst s10  }
0x38: {  	s10 =	sld [smem:$0x3FB6]  }
0x39: {  	_ = 	snop;
	(pc) =	sbr.ind lr, $3  }
0x3a: {  	_ = 	snop  }
0x3b: {  	_ = 	snop  }
0x3c: {  	p2 =	seq.s32 s10, $0x1;
	s10 =	sld [smem:$0x3FB5]  }
0x3d: {  	_ =	shalt  }
0x3e: {  	_ =	shalt  }
0x3f: {  	_ =	shalt  }
0x40: {  	_ =	shalt  }
0x41: {  	_ =	shalt  }
0x42: {  	_ =	shalt  }
0x43: {  	_ =	shalt  }
0x44: {  	_ =	shalt  }
0x45: {  	_ =	shalt  }
0x46: {  	_ =	shalt  }
0x47: {  	_ =	shalt  }
0x48: {  	_ =	shalt  }
0x49: {  	_ =	shalt  }
0x4a: {  	_ =	shalt  }
0x4b: {  	_ =	shalt  }
0x4c: {  	_ =	shalt  }
0x4d: {  	_ =	shalt  }
0x4e: {  	_ =	shalt  }
0x4f: {  	_ =	shalt  }
0x50: {  	_ =	shalt  }
0x51: {  	_ =	shalt  }
0x52: {  	_ =	shalt  }
0x53: {  	_ =	shalt  }
0x54: {  	_ =	shalt  }
0x55: {  	_ =	shalt  }
0x56: {  	_ =	shalt  }
0x57: {  	_ =	shalt  }
0x58: {  	_ =	shalt  }
0x59: {  	_ =	shalt  }
0x5a: {  	_ =	shalt  }
0x5b: {  	_ =	shalt  }
0x5c: {  	_ =	shalt  }
0x5d: {  	_ =	shalt  }
0x5e: {  	_ =	shalt  }
0x5f: {  	_ =	shalt  }
0x60: {  	_ =	shalt  }
0x61: {  	_ =	shalt  }
0x62: {  	_ =	shalt  }
0x63: {  	_ =	shalt  }
0x64: {  	_ =	shalt  }
0x65: {  	_ =	shalt  }
0x66: {  	_ =	shalt  }
0x67: {  	_ =	shalt  }
0x68: {  	_ =	shalt  }
0x69: {  	_ =	shalt  }
0x6a: {  	_ =	shalt  }
0x6b: {  	_ =	shalt  }
0x6c: {  	_ =	shalt  }
0x6d: {  	_ =	shalt  }
0x6e: {  	_ =	shalt  }
0x6f: {  	_ =	shalt  }
0x70: {  	_ =	shalt  }
0x71: {  	_ =	shalt  }
0x72: {  	_ =	shalt  }
0x73: {  	_ =	shalt  }
0x74: {  	_ =	shalt  }
0x75: {  	_ =	shalt  }
0x76: {  	_ =	shalt  }
0x77: {  	_ =	shalt  }
0x78: {  	_ =	shalt  }
0x79: {  	_ =	shalt  }
0x7a: {  	_ =	shalt  }
0x7b: {  	_ =	shalt  }
0x7c: {  	_ =	shalt  }
0x7d: {  	_ =	shalt  }
0x7e: {  	_ =	shalt  }
0x7f: {  	_ =	shalt  }
0x80: {  	_ =	shalt  }
0x81: {  	_ =	shalt  }
0x82: {  	_ =	shalt  }
0x83: {  	_ =	shalt  }
0x84: {  	_ =	shalt  }
0x85: {  	_ =	shalt  }
0x86: {  	_ =	shalt  }
0x87: {  	_ =	shalt  }
.Lfunc_end0:
.L_simem_size_0:
called_computation_lowered:
.L_overlay_start_0:
0x88: {  	s2 =	sld [smem:$0x3FD9]  }
0x89: {  	s3 =	sld [smem:$0x3FFE];
	_ =	sdelay $0x1  }
0x8a: {  	s1 =	srdreg.scid  }
0x8b: {  	s0 =	sand.u32 $0x1, s1  }
0x8c: {  	s18 =	sshll.u32 s0, $0xA;
	s2 =	sadd.s32 s3, s2  }
0x8d: {  	s2 =	sadd.s32 s2, s18  }
0x8e: {  	[smem:$0x3FC1] =	sst s2  }
0x8f: {  	_ = 	snop  }
0x90: {  	s2 =	sld [smem:$0x3FC9]  }
0x91: {  	s19 =	sld [smem:$0x3FC8]  }
0x92: {  	s4 =	sld [smem:$0x3FC7]  }
0x93: {  	s5 =	sld [smem:$0x3FC6]  }
0x94: {  	s6 =	sld [smem:$0x3FC5]  }
0x95: {  	s7 =	sld [smem:$0x3FC4]  }
0x96: {  	s8 =	sld [smem:$0x3FC3]  }
0x97: {  	s9 =	sld [smem:$0x3FD0];
	(tm) =	ssettm $0x1  }
0x98: {  	s10 =	sld [smem:$0x3FFB];
	_ =	sdelay $0x3  }
0x99: {  	_ =	strace s10  }
0x9a: {  	s10 =	sld [smem:$0x3FFC];
	_ =	sdelay $0x3  }
0x9b: {  	_ =	strace s10  }
0x9c: {  	s10 =	sld [smem:$0x3FFD];
	_ =	sdelay $0x3  }
0x9d: {  	_ =	strace s10  }
0x9e: {  	_ =	strace $0x8FFFFFFF  }
0x9f: {  	s20 =	sld [smem:$0x3FDB];
	_ =	sdelay $0x1  }
0xa0: {  	s11 =	simm.s32 $_scs_section_size  }
0xa1: {  	s12 =	simm.s32 $_size__tile_overlayer_lowered;
	s13 =	simm.s32 $_tile_overlayer_lowered  }
0xa2: {  	s23 =	simm.s32 $0x1BFF;
	s22 =	sshll.u32 s13, $0x1;
	s10 =	sadd.s32 s11, s20  }
0xa3: {  	s14 =	simm.s32 $0x0;
	s21 =	sshll.u32 s12, $0x1;
	s12 =	sadd.s32 s22, s10  }
0xa4: {  	[timem:s14], [sflag:s23] =	dma.local [hbm:s12], s21  }
0xa5: {  	_ =	swait.ge [sflag:s23], s21  }
0xa6: {  	s11 =	ssub.s32 $0x0, s21;
	[sflag:s23] =	ssyncset.done $0x0  }
0xa7: {  	[sflag:s23] =	ssyncadd.s32 s11;
	_ =	sdelay $0x1  }
0xa8: {  	s24 =	simm.s32 $0x1B8B  }
0xa9: {  	_ =	swait.ge [sflag:s24], $0x1  }
0xaa: {  	[sflag:s24] =	ssyncset.done $0x0  }
0xab: {  	s25 =	simm.s32 $0x1B8E;
	[sflag:s24] =	ssyncadd.s32 $0xFFFFFFFF  }
0xac: {  	s26 =	simm.s32 $execute0_lowered;
	[smem:$0x3FD2] =	sst s25  }
0xad: {  	s11 =	sshll.u32 s26, $0x1;
	_ =	strace $0x80000046;
	[dreg:$0x1] =	wrdreg $0xFFFFFFFF  }
0xae: {  	s28 =	simm.s32 $_size_execute0_lowered;
	s10 =	sadd.s32 s10, s11;
	[dreg:$0x0] =	wrdreg $0x0  }
0xaf: {  	s11 =	sshll.u32 s28, $0x1;
	[dreg:$0x2] =	wrdreg s10  }
0xb0: {  	[dreg:$0x3] =	wrdreg s11  }
0xb1: {  	[dreg:$0x4] =	wrdreg $0xC0  }
0xb2: {  	_ =	task [dreg:s14], $0x5FFFF  }
0xb3: {  	[dreg:$0x1] =	wrdreg $0xFFFFFFFF  }
0xb4: {  	[dreg:$0x0] =	wrdreg $0x60  }
0xb5: {  	[dreg:$0x2] =	wrdreg s2  }
0xb6: {  	[dreg:$0x3] =	wrdreg s19  }
0xb7: {  	[dreg:$0x4] =	wrdreg s4  }
0xb8: {  	[dreg:$0x5] =	wrdreg s5  }
0xb9: {  	[dreg:$0x6] =	wrdreg s6  }
0xba: {  	[dreg:$0x7] =	wrdreg s7  }
0xbb: {  	[dreg:$0x8] =	wrdreg s8  }
0xbc: {  	[dreg:$0x9] =	wrdreg s9  }
0xbd: {  	[dreg:$0xa] =	wrdreg $0x9  }
0xbe: {  	_ =	task.clear_ibuf [dreg:s14], $0xBFFFF;
	_ =	strace $0x90000046  }
0xbf: {  	s29 =	simm.s32 $0x9;
	_ =	strace $0x80000048  }
0xc0: {  	_ =	swait.ge [sflag:s29], $0x1  }
0xc1: {  	[sflag:s29] =	ssyncadd.s32 $0xFFFFFFFF  }
0xc2: {  	_ =	strace $0x90000048  }
0xc3: {  	_ =	sfence  }
0xc4: {  	s30 =	sld [smem:$0x0];
	_ =	sdelay $0x2  }
0xc5: {  	s31 =	sshll.u32 s1, $0xD;
	s1 =	sshrl.u32 s1, $0x2  }
0xc6: {  	s3 =	sand.u32 $0x4000, s31;
	s1 =	sadd.s32 s1, s30  }
0xc7: {  	s0 =	sor.u32 s3, s0;
	s1 =	sshll.u32 s1, $0x11  }
0xc8: {  	s0 =	sor.u32 s1, s0  }
0xc9: {  	s0 =	sadd.s32 $0x8F2B, s0  }
0xca: {  	[sflag:s0] =	ssyncadd.remote.s32 $0x1  }
0xcb: {  	_ =	sfence.sel $0xFFFF  }
0xcc: {  	[dreg:$0x0] =	wrdreg $0xFFFFFFFF;
	(pc) =	sbr.abs _section_cstart, $3  }
0xcd: {  	[dreg:$0x1] =	wrdreg $0xFFFFFFFF  }
0xce: {  	_ =	task.clear_ibuf [dreg:s14], $0x2FFFF;
	_ =	strace $0x9FFFFFFF  }
0xcf: {  	(tm) =	ssettm $0x7FFFFFFF  }
tec
execute0_lowered:
.L_overlay_start_1:
0x0: {  	(tag) =	ssettag $0x1  }
0x1: {  	s0 =	rddreg [dreg:$0x0]  }
0x2: {  	s1 =	rddreg [dreg:$0x1];
	v0 =	vimm.s32 $0xBA98FEDC;
	v1 =	vimm.s32 $0x32107654  }
0x3: {  	s2 =	rddreg [dreg:$0x2];
	v2 =	vunpack.c.l.s4.s8 v0;
	v3 =	vunpack.c.l.s4.s8 v1  }
0x4: {  	s3 =	rddreg [dreg:$0x3];
	v5 =	vimm.s32 $0xFEDCBA98;
	v8 =	vimm.s32 $0x67452301  }
0x5: {  	s4 =	srdreg.scid;
	s5 =	stileid.u32;
	v5 =	vunpack.c.l.s4.s8 v5;
	v2 =	vunpack.c.0.s8.s32 v2;
	v3 =	vunpack.c.0.s8.s32 v3  }
0x6: {  	s8 =	rddreg [dreg:$0x7];
	v4 =	vimm.s32 $0x76543210;
	v6 =	vimm.s32 $0xDCFE98BA;
	s10 =	simm.s32 $0x0;
	s17 =	simm.s32 $0x2;
	v8 =	vunpack.c.l.s4.s8 v8  }
0x7: {  	s21 =	simm.s32 $0x80;
	s22 =	simm.s32 $0xD300;
	s4 =	sand.u32 $0x1, s4;
	v4 =	vunpack.c.l.s4.s8 v4;
	v5 =	vunpack.c.0.s8.s32 v5;
	v7 =	vcombine.low v3, v2  }
0x8: {  	s23 =	simm.s32 $0xDB00;
	s5 =	sshll.u32 s5, $0x5;
	s6 =	sshll.u32 s4, $0x4;
	v2 =	vunpack.c.l.s4.s8 v6;
	v3 =	vimm.s32 $0x54761032;
	v6 =	vimm.s32 $0xEFCDAB89  }
0x9: {  	s24 =	simm.s32 $0xE300;
	s28 =	simm.s32 $0xFB00;
	s9 =	sor.u32 s6, s5;
	v3 =	vunpack.c.l.s4.s8 v3;
	v6 =	vunpack.c.l.s4.s8 v6  }
0xa: {  	s29 =	simm.s32 $0x1;
	s4 =	ssub.s32 $0x2, s4;
	v8 =	vunpack.c.0.s8.s32 v8;
	v4 =	vunpack.c.0.s8.s32 v4;
	s5 =	sshrl.u32 s9, $0x3;
	v5 =	vand.u32 $0xF, v5  }
0xb: {  	s30 =	simm.s32 $0x0;
	s25 =	sshrl.u32 s4, $0x1;
	s11 =	smul.u32 $0x1800, s5;
	v2 =	vunpack.c.0.s8.s32 v2;
	v3 =	vunpack.c.0.s8.s32 v3;
	v6 =	vunpack.c.0.s8.s32 v6  }
0xc: {  	vm0 =	vmmov $0xffff;
	v0 =	vlaneseq.u32;
	[smem:$0x7FF] =	sst s10;
	s13 =	sadd.s32 $0x100, s2;
	s4 =	ssub.s32 s4, s25;
	v4 =	vcombine.low v5, v4  }
0xd: {  	s14 =	sadd.s32 $0x200, s2;
	v1 =	vand.u32 $0x7, v0;
	s31 =	smax.u32 s4, $0x1;
	s26 =	sshrl.u32 s11, $0x3;
	v9 =	vcombine.low v3, v2;
	v8 =	vcombine.low v8, v6  }
0xe: {  	_ =	strace $0x80000047;
	[dreg:$0xa] =	wrdreg s31;
	v5 =	vand.u32 $0xF, v7;
	s3 =	sadd.s32 s3, s26;
	v2 =	vshrl.u32 v0, $0x3;
	v3 =	vor.u32 $0x8, v0  }
0xf: {  	s25 =	simm.s32 $0xEB00;
	s26 =	simm.s32 $0xF300;
	[dreg:$0x9] =	wrdreg s3;
	v2 =	vmul.u32 $0x8, v2;
	v6 =	vand.u32 $0xF, v9;
	v7 =	vand.u32 $0xF, v8  }
.LBB2_1:
0x10: {  	s3 =	rddreg [dreg:$0x9];
	s4 =	simm.s32 $0x100  }
0x11: {  	[tilespmem:s4], [sflag:$0x2] =	stream.linear.gather [hbm4b:s3+s10], $0x3000, $0x38;
	[tilespmem:$0x10300] =	vst v63  }
0x12: {  	_ =	swait.ge [sflag:s17], $0x3000  }
0x13: {  	[sflag:s17] =	ssyncset.done $0x0  }
0x14: {  	[sflag:s17] =	ssyncadd.s32 $0xFFFFD000  }
0x15: {  	s16 =	simm.s32 $0x3100;
	s15 =	rddreg [dreg:$0x4]  }
0x16: {  	[tilespmem:s16], [sflag:$0x2] =	stream.linear.gather [hbm4b:s15+s10], $0xC00, $0x38;
	[tilespmem:$0x10300] =	vst v63  }
0x17: {  	_ =	swait.ge [sflag:s17], $0xC00  }
0x18: {  	[sflag:s17] =	ssyncset.done $0x0  }
0x19: {  	[sflag:s17] =	ssyncadd.s32 $0xFFFFF400  }
0x1a: {  	s19 =	simm.s32 $0x3D00;
	s18 =	rddreg [dreg:$0x5]  }
0x1b: {  	[tilespmem:s19], [sflag:$0x2] =	stream.linear.gather [hbm4b:s18+s10], $0x300, $0x38;
	[tilespmem:$0x10300] =	vst v63  }
0x1c: {  	_ =	swait.ge [sflag:s17], $0x300  }
0x1d: {  	[sflag:s17] =	ssyncset.done $0x0  }
0x1e: {  	[sflag:s17] =	ssyncadd.s32 $0xFFFFFD00  }
0x1f: {  	s31 =	simm.s32 $0x4000;
	s20 =	rddreg [dreg:$0x6]  }
0x20: {  	[tilespmem:s31], [sflag:$0x2] =	stream.linear.gather [hbm4b:s20+s10], $0x300, $0x38;
	[tilespmem:$0x10300] =	vst v63  }
0x21: {  	_ =	swait.ge [sflag:s17], $0x300  }
0x22: {  	[sflag:s17] =	ssyncset.done $0x0  }
0x23: {  	s3 =	simm.s32 $0x0;
	[sflag:s17] =	ssyncadd.s32 $0xFFFFFD00  }
.LBB2_2:
0x24: {  	s5 =	sshrl.u32 s3, $0x3;
	s6 =	sshll.u32 s3, $0x7  }
0x25: {  	s7 =	simm.s32 $0x0;
	s12 =	simm.s32 $0x0;
	s4 =	smul.u32 $0x1800, s5  }
0x26: {  	s16 =	simm.s32 $0x0;
	s6 =	sand.u32 $0x380, s6;
	s7 =	sand.u32 $0x70, s7  }
0x27: {  	s16 =	sand.u32 $0x3FFFFE00, s16;
	s12 =	sand.u32 $0xFFFFFC00, s12;
	s4 =	sor.u32 s6, s4  }
0x28: {  	s16 =	sor.u32 s7, s16;
	s18 =	sadd.s32 s4, s12  }
0x29: {  	v8 =	vld [tilespmem:s16+$0x3100];
	s18 =	sor.u32 s7, s18  }
0x2a: {  	v9 =	vld [tilespmem:s18+$0x100];
	_ =	sdelay $0x4  }
0x2b: {  	v8 =	vadd.f32 v8, v9;
	_ =	sdelay $0x1  }
0x2c: {  	[tilespmem:s18+$0x4300] =	vst v8  }
0x2d: {  	s5 =	smul.u32 $0x6000, s5;
	v8 =	vld [tilespmem:s16+$0x3180];
	_ =	sdelay $0x1  }
0x2e: {  	s5 =	sshra.s32 s5, $0x2  }
0x2f: {  	s6 =	sor.u32 s6, s5  }
0x30: {  	s5 =	sadd.s32 $0x7300, s6  }
0x31: {  	s15 =	sadd.s32 s12, s5;
	v8 =	vadd.f32 v8, v9  }
0x32: {  	s18 =	sadd.s32 s7, s15  }
0x33: {  	[tilespmem:s18+$0x0] =	vst v8  }
0x34: {  	v8 =	vld [tilespmem:s16+$0x3200];
	_ =	sdelay $0x2  }
0x35: {  	s31 =	simm.s32 $0x10;
	s19 =	simm.s32 $0x40  }
0x36: {  	s20 =	simm.s32 $0x80;
	s19 =	sand.u32 $0x3FFFFE00, s19;
	s6 =	sadd.s32 $0xA300, s6  }
0x37: {  	s12 =	sadd.s32 s12, s6;
	s18 =	sand.u32 $0x70, s31;
	s16 =	simm.s32 $0x2;
	v8 =	vadd.f32 v8, v9  }
.LBB2_3:
0x38: {  	p0 =	sne.s32 s16, $0x2F;
	s15 =	sand.u32 $0xFFFFFC00, s20;
	s7 =	sadd.s32 s7, s12  }
0x39: {  	s19 =	sor.u32 s18, s19;
	s12 =	sadd.s32 s4, s15;
	[tilespmem:s7+$0x0] =	vst v8;
	s7 =	smov.u32 s18  }
0x3a: {  	s12 =	sor.u32 s7, s12;
	v8 =	vld [tilespmem:s19+$0x3100]  }
0x3b: {  	v9 =	vld [tilespmem:s12+$0x100];
	_ =	sdelay $0x4  }
0x3c: {  	v8 =	vadd.f32 v8, v9;
	_ =	sdelay $0x1  }
0x3d: {  	[tilespmem:s12+$0x4300] =	vst v8  }
0x3e: {  	v8 =	vld [tilespmem:s19+$0x3180];
	_ =	sdelay $0x4  }
0x3f: {  	s12 =	sadd.s32 s15, s5;
	v8 =	vadd.f32 v8, v9  }
0x40: {  	s12 =	sadd.s32 s7, s12  }
0x41: {  	[tilespmem:s12+$0x0] =	vst v8  }
0x42: {  	v8 =	vld [tilespmem:s19+$0x3200]  }
.Ltmp0:
0x43: {  	(pc) =	sbr.rel @p0 .LBB2_3-.Ltmp0, $4  }
0x44: {  	_ = 	snop  }
0x45: {  	s31 =	sadd.s32 $0x10, s31  }
0x46: {  	s20 =	sshll.u32 s16, $0x7;
	s18 =	sand.u32 $0x70, s31;
	s12 =	sshll.u32 s16, $0x6  }
0x47: {  	s16 =	sadd.s32 $0x1, s16;
	s19 =	sand.u32 $0x3FFFFE00, s12;
	s12 =	sadd.s32 s15, s6;
	v8 =	vadd.f32 v8, v9  }
0x48: {  	s15 =	sand.u32 $0xFFFFFC00, s20;
	s7 =	sadd.s32 s7, s12  }
0x49: {  	s16 =	sor.u32 s18, s19;
	s4 =	sadd.s32 s4, s15;
	[tilespmem:s7+$0x0] =	vst v8  }
0x4a: {  	s4 =	sor.u32 s18, s4;
	v8 =	vld [tilespmem:s16+$0x3100]  }
0x4b: {  	v9 =	vld [tilespmem:s4+$0x100];
	_ =	sdelay $0x4  }
0x4c: {  	v8 =	vadd.f32 v8, v9;
	_ =	sdelay $0x1  }
0x4d: {  	[tilespmem:s4+$0x4300] =	vst v8  }
0x4e: {  	v8 =	vld [tilespmem:s16+$0x3180];
	_ =	sdelay $0x4  }
0x4f: {  	s19 =	sadd.s32 s15, s5;
	v8 =	vadd.f32 v8, v9  }
0x50: {  	s4 =	sadd.s32 s18, s19  }
0x51: {  	[tilespmem:s4+$0x0] =	vst v8  }
0x52: {  	v8 =	vld [tilespmem:s16+$0x3200]  }
0x53: {  	s3 =	sadd.s32 $0x1, s3  }
0x54: {  	p0 =	sne.s32 s3, $0x10  }
.Ltmp1:
0x55: {  	_ = 	snop;
	(pc) =	sbr.rel @p0 .LBB2_2-.Ltmp1, $4  }
0x56: {  	_ = 	snop  }
0x57: {  	s20 =	sadd.s32 s15, s6;
	v8 =	vadd.f32 v8, v9  }
0x58: {  	s4 =	sadd.s32 s18, s20  }
0x59: {  	s31 =	simm.s32 $0x0;
	[tilespmem:s4+$0x0] =	vst v8  }
0x5a: {  	s7 =	simm.s32 $0x0  }
.LBB2_6:
0x5b: {  	s3 =	sshll.u32 s7, $0x9  }
0x5c: {  	s3 =	sor.u32 s9, s3  }
0x5d: {  	s3 =	sshrl.u32 s3, $0x3  }
0x5e: {  	s4 =	sadd.s32 s0, s3  }
0x5f: {  	[tilespmem:s31], [sflag:$0x2] =	stream.linear.gather [hbm4b:s4+s31], $0x10, $0x38;
	[tilespmem:$0x10300] =	vst v63  }
0x60: {  	_ =	swait.ge [sflag:s17], $0x10  }
0x61: {  	[sflag:s17] =	ssyncset.done $0x0  }
0x62: {  	s3 =	sadd.s32 s1, s3;
	[sflag:s17] =	ssyncadd.s32 $0xFFFFFFF0  }
0x63: {  	[tilespmem:s21], [sflag:$0x2] =	stream.linear.gather [hbm4b:s3+s31], $0x10, $0x38;
	[tilespmem:$0x10300] =	vst v63  }
0x64: {  	_ =	swait.ge [sflag:s17], $0x10  }
0x65: {  	[sflag:s17] =	ssyncset.done $0x0  }
0x66: {  	[sflag:s17] =	ssyncadd.s32 $0xFFFFFFF0  }
0x67: {  	v8 =	vld [tilespmem:$0x0];
	_ =	sdelay $0x4  }
0x68: {  	v9 =	vshrl.u32 v8, $0x3  }
0x69: {  	v9 =	vmul.u32 $0x30, v9  }
0x6a: {  	v8 =	vand.u32 $0x7, v8  }
0x6b: {  	v8 =	vor.u32 v8, v9  }
0x6c: {  	v9 =	vperm.xlane v8, v1;
	_ =	sdelay $0x1  }
0x6d: {  	v9 =	vadd.s32 v2, v9;
	_ =	sdelay $0x3  }
0x6e: {  	v8 =	vperm.xlane v8, v3  }
0x6f: {  	[tilespmem:s22], [sflag:$0x1] =	stream.indirect_vreg.gather [hbm4b:s2+s31], $0x80, v9, vm0, $0xb8;
	[tilespmem:$0x10300] =	vst v63  }
0x70: {  	v8 =	vadd.s32 v2, v8  }
0x71: {  	[tilespmem:s23], [sflag:$0x1] =	stream.indirect_vreg.gather [hbm4b:s13+s31], $0x80, v9, vm0, $0xb8;
	[tilespmem:$0x10300] =	vst v63  }
0x72: {  	_ = 	snop  }
0x73: {  	[tilespmem:s24], [sflag:$0x1] =	stream.indirect_vreg.gather [hbm4b:s14+s31], $0x80, v9, vm0, $0xb8;
	[tilespmem:$0x10300] =	vst v63  }
0x74: {  	_ = 	snop  }
0x75: {  	[tilespmem:s25], [sflag:$0x1] =	stream.indirect_vreg.gather [hbm4b:s2+s31], $0x80, v8, vm0, $0xb8;
	[tilespmem:$0x10300] =	vst v63  }
0x76: {  	_ = 	snop  }
0x77: {  	[tilespmem:s26], [sflag:$0x1] =	stream.indirect_vreg.gather [hbm4b:s13+s31], $0x80, v8, vm0, $0xb8;
	[tilespmem:$0x10300] =	vst v63  }
0x78: {  	_ = 	snop  }
0x79: {  	[tilespmem:s28], [sflag:$0x1] =	stream.indirect_vreg.gather [hbm4b:s14+s31], $0x80, v8, vm0, $0xb8;
	[tilespmem:$0x10300] =	vst v63  }
0x7a: {  	_ =	swait.ge [sflag:s29], $0x3000  }
0x7b: {  	[sflag:s29] =	ssyncset.done $0x0  }
0x7c: {  	[sflag:s29] =	ssyncadd.s32 $0xFFFFD000  }
0x7d: {  	v8 =	vld [tilespmem:$0x80];
	_ =	sdelay $0x2  }
0x7e: {  	s4 =	simm.s32 $0x0;
	s3 =	simm.s32 $0x0  }
.LBB2_7:
0x7f: {  	v9 =	vadd.s32 s3, v0  }
0x80: {  	v9 =	vperm.xlane v8, v9;
	_ =	sdelay $0x1  }
0x81: {  	(v2sf) =	vpush v9, $0x0;
	_ =	sdelay $0xe  }
0x82: {  	s5 =	spop (v2sf)  }
0x83: {  	s5 =	sshll.u32 s5, $0x4  }
0x84: {  	s6 =	sshrl.u32 s3, $0x3;
	s5 =	sadd.s32 s5, s3  }
0x85: {  	s6 =	smul.u32 $0x6000, s6;
	s5 =	sshrl.u32 s5, $0x3  }
0x86: {  	s12 =	smul.u32 $0x6000, s5  }
0x87: {  	s15 =	sand.u32 $0x380, s4;
	s19 =	sshra.s32 s6, $0x2  }
0x88: {  	s5 =	sor.u32 s15, s19;
	s20 =	sshra.s32 s12, $0x2  }
0x89: {  	v9 =	vld [tilespmem:s5+$0xD300];
	s6 =	sor.u32 s15, s20  }
0x8a: {  	v10 =	vld [tilespmem:s6+$0x4300];
	_ =	sdelay $0x4  }
0x8b: {  	v9 =	vadd.f32 v10, v9;
	_ =	sdelay $0x1  }
0x8c: {  	v10 =	vld [tilespmem:s5+$0xD310];
	[tilespmem:s5+$0xD300] =	vst v9  }
0x8d: {  	v11 =	vld [tilespmem:s6+$0x4310];
	_ =	sdelay $0x4  }
0x8e: {  	v18 =	vadd.f32 v11, v10;
	_ =	sdelay $0x1  }
0x8f: {  	v10 =	vld [tilespmem:s5+$0xD320];
	[tilespmem:s5+$0xD310] =	vst v18  }
0x90: {  	v11 =	vld [tilespmem:s6+$0x4320];
	_ =	sdelay $0x4  }
0x91: {  	v27 =	vadd.f32 v11, v10;
	_ =	sdelay $0x1  }
0x92: {  	v10 =	vld [tilespmem:s5+$0xD330];
	[tilespmem:s5+$0xD320] =	vst v27  }
0x93: {  	v11 =	vld [tilespmem:s6+$0x4330];
	_ =	sdelay $0x4  }
0x94: {  	v28 =	vadd.f32 v11, v10;
	_ =	sdelay $0x1  }
0x95: {  	v10 =	vld [tilespmem:s5+$0xD340];
	[tilespmem:s5+$0xD330] =	vst v28  }
0x96: {  	v11 =	vld [tilespmem:s6+$0x4340];
	_ =	sdelay $0x4  }
0x97: {  	v10 =	vadd.f32 v11, v10;
	_ =	sdelay $0x1  }
0x98: {  	v11 =	vld [tilespmem:s5+$0xD350];
	[tilespmem:s5+$0xD340] =	vst v10  }
0x99: {  	v12 =	vld [tilespmem:s6+$0x4350];
	_ =	sdelay $0x4  }
0x9a: {  	v19 =	vadd.f32 v12, v11;
	_ =	sdelay $0x1  }
0x9b: {  	v11 =	vld [tilespmem:s5+$0xD360];
	[tilespmem:s5+$0xD350] =	vst v19  }
0x9c: {  	v45 =	vld [tilespmem:s6+$0x4360];
	_ =	sdelay $0x4  }
0x9d: {  	v29 =	vadd.f32 v45, v11;
	_ =	sdelay $0x1  }
0x9e: {  	v11 =	vld [tilespmem:s5+$0xD370];
	[tilespmem:s5+$0xD360] =	vst v29  }
0x9f: {  	v46 =	vld [tilespmem:s6+$0x4370];
	_ =	sdelay $0x4  }
0xa0: {  	v30 =	vadd.f32 v46, v11;
	_ =	sdelay $0x1  }
0xa1: {  	v11 =	vld [tilespmem:s5+$0xD700];
	[tilespmem:s5+$0xD370] =	vst v30  }
0xa2: {  	v47 =	vld [tilespmem:s6+$0x4700];
	_ =	sdelay $0x4  }
0xa3: {  	v11 =	vadd.f32 v47, v11;
	_ =	sdelay $0x1  }
0xa4: {  	v48 =	vld [tilespmem:s5+$0xD710];
	[tilespmem:s5+$0xD700] =	vst v11  }
0xa5: {  	v13 =	vld [tilespmem:s6+$0x4710];
	_ =	sdelay $0x4  }
0xa6: {  	v20 =	vadd.f32 v13, v48;
	_ =	sdelay $0x1  }
0xa7: {  	v49 =	vld [tilespmem:s5+$0xD720];
	[tilespmem:s5+$0xD710] =	vst v20  }
0xa8: {  	v50 =	vld [tilespmem:s6+$0x4720];
	_ =	sdelay $0x4  }
0xa9: {  	v31 =	vadd.f32 v50, v49;
	_ =	sdelay $0x1  }
0xaa: {  	v51 =	vld [tilespmem:s5+$0xD730];
	[tilespmem:s5+$0xD720] =	vst v31  }
0xab: {  	v52 =	vld [tilespmem:s6+$0x4730];
	_ =	sdelay $0x4  }
0xac: {  	v32 =	vadd.f32 v52, v51;
	_ =	sdelay $0x1  }
0xad: {  	v53 =	vld [tilespmem:s5+$0xD740];
	[tilespmem:s5+$0xD730] =	vst v32  }
0xae: {  	v54 =	vld [tilespmem:s6+$0x4740];
	_ =	sdelay $0x4  }
0xaf: {  	v12 =	vadd.f32 v54, v53;
	_ =	sdelay $0x1  }
0xb0: {  	v55 =	vld [tilespmem:s5+$0xD750];
	[tilespmem:s5+$0xD740] =	vst v12  }
0xb1: {  	v14 =	vld [tilespmem:s6+$0x4750];
	_ =	sdelay $0x4  }
0xb2: {  	v21 =	vadd.f32 v14, v55;
	_ =	sdelay $0x1  }
0xb3: {  	v56 =	vld [tilespmem:s5+$0xD760];
	[tilespmem:s5+$0xD750] =	vst v21  }
0xb4: {  	v57 =	vld [tilespmem:s6+$0x4760];
	_ =	sdelay $0x4  }
0xb5: {  	v33 =	vadd.f32 v57, v56;
	_ =	sdelay $0x1  }
0xb6: {  	v58 =	vld [tilespmem:s5+$0xD770];
	[tilespmem:s5+$0xD760] =	vst v33  }
0xb7: {  	v59 =	vld [tilespmem:s6+$0x4770];
	_ =	sdelay $0x4  }
0xb8: {  	v34 =	vadd.f32 v59, v58;
	_ =	sdelay $0x1  }
0xb9: {  	v60 =	vld [tilespmem:s5+$0xDB00];
	[tilespmem:s5+$0xD770] =	vst v34  }
0xba: {  	v61 =	vld [tilespmem:s6+$0x4B00];
	_ =	sdelay $0x4  }
0xbb: {  	v13 =	vadd.f32 v61, v60;
	_ =	sdelay $0x1  }
0xbc: {  	v62 =	vld [tilespmem:s5+$0xDB10];
	[tilespmem:s5+$0xDB00] =	vst v13  }
0xbd: {  	v15 =	vld [tilespmem:s6+$0x4B10];
	_ =	sdelay $0x4  }
0xbe: {  	v22 =	vadd.f32 v15, v62;
	_ =	sdelay $0x1  }
0xbf: {  	v63 =	vld [tilespmem:s5+$0xDB20];
	[tilespmem:s5+$0xDB10] =	vst v22  }
0xc0: {  	v23 =	vld [tilespmem:s6+$0x4B20];
	_ =	sdelay $0x4  }
0xc1: {  	v35 =	vadd.f32 v23, v63;
	_ =	sdelay $0x1  }
0xc2: {  	v24 =	vld [tilespmem:s5+$0xDB30];
	[tilespmem:s5+$0xDB20] =	vst v35  }
0xc3: {  	v25 =	vld [tilespmem:s6+$0x4B30];
	_ =	sdelay $0x4  }
0xc4: {  	v36 =	vadd.f32 v25, v24;
	_ =	sdelay $0x1  }
0xc5: {  	v26 =	vld [tilespmem:s5+$0xDB40];
	[tilespmem:s5+$0xDB30] =	vst v36  }
0xc6: {  	v37 =	vld [tilespmem:s6+$0x4B40];
	_ =	sdelay $0x4  }
0xc7: {  	v14 =	vadd.f32 v37, v26;
	_ =	sdelay $0x1  }
0xc8: {  	v38 =	vld [tilespmem:s5+$0xDB50];
	[tilespmem:s5+$0xDB40] =	vst v14  }
0xc9: {  	v16 =	vld [tilespmem:s6+$0x4B50];
	_ =	sdelay $0x4  }
0xca: {  	v23 =	vadd.f32 v16, v38;
	_ =	sdelay $0x1  }
0xcb: {  	v39 =	vld [tilespmem:s5+$0xDB60];
	[tilespmem:s5+$0xDB50] =	vst v23  }
0xcc: {  	v40 =	vld [tilespmem:s6+$0x4B60];
	_ =	sdelay $0x4  }
0xcd: {  	v37 =	vadd.f32 v40, v39;
	_ =	sdelay $0x1  }
0xce: {  	v41 =	vld [tilespmem:s5+$0xDB70];
	[tilespmem:s5+$0xDB60] =	vst v37  }
0xcf: {  	v42 =	vld [tilespmem:s6+$0x4B70];
	_ =	sdelay $0x4  }
0xd0: {  	v38 =	vadd.f32 v42, v41;
	_ =	sdelay $0x1  }
0xd1: {  	v43 =	vld [tilespmem:s5+$0xDF00];
	[tilespmem:s5+$0xDB70] =	vst v38  }
0xd2: {  	v44 =	vld [tilespmem:s6+$0x4F00];
	_ =	sdelay $0x4  }
0xd3: {  	v15 =	vadd.f32 v44, v43;
	_ =	sdelay $0x1  }
0xd4: {  	v45 =	vld [tilespmem:s5+$0xDF10];
	[tilespmem:s5+$0xDF00] =	vst v15  }
0xd5: {  	v17 =	vld [tilespmem:s6+$0x4F10];
	_ =	sdelay $0x4  }
0xd6: {  	v24 =	vadd.f32 v17, v45;
	_ =	sdelay $0x1  }
0xd7: {  	v46 =	vld [tilespmem:s5+$0xDF20];
	[tilespmem:s5+$0xDF10] =	vst v24  }
0xd8: {  	v47 =	vld [tilespmem:s6+$0x4F20];
	_ =	sdelay $0x4  }
0xd9: {  	v39 =	vadd.f32 v47, v46;
	_ =	sdelay $0x1  }
0xda: {  	v48 =	vld [tilespmem:s5+$0xDF30];
	[tilespmem:s5+$0xDF20] =	vst v39  }
0xdb: {  	v49 =	vld [tilespmem:s6+$0x4F30];
	_ =	sdelay $0x4  }
0xdc: {  	v40 =	vadd.f32 v49, v48;
	_ =	sdelay $0x1  }
0xdd: {  	v50 =	vld [tilespmem:s5+$0xDF40];
	[tilespmem:s5+$0xDF30] =	vst v40  }
0xde: {  	v51 =	vld [tilespmem:s6+$0x4F40];
	_ =	sdelay $0x4  }
0xdf: {  	v16 =	vadd.f32 v51, v50;
	_ =	sdelay $0x1  }
0xe0: {  	v52 =	vld [tilespmem:s5+$0xDF50];
	[tilespmem:s5+$0xDF40] =	vst v16  }
0xe1: {  	v25 =	vld [tilespmem:s6+$0x4F50];
	_ =	sdelay $0x4  }
0xe2: {  	v25 =	vadd.f32 v25, v52;
	_ =	sdelay $0x1  }
0xe3: {  	v53 =	vld [tilespmem:s5+$0xDF60];
	[tilespmem:s5+$0xDF50] =	vst v25  }
0xe4: {  	v26 =	vld [tilespmem:s6+$0x4F60];
	_ =	sdelay $0x4  }
0xe5: {  	v41 =	vadd.f32 v26, v53;
	_ =	sdelay $0x1  }
0xe6: {  	v54 =	vld [tilespmem:s5+$0xDF70];
	[tilespmem:s5+$0xDF60] =	vst v41  }
0xe7: {  	v55 =	vld [tilespmem:s6+$0x4F70];
	_ =	sdelay $0x4  }
0xe8: {  	v42 =	vadd.f32 v55, v54;
	_ =	sdelay $0x1  }
0xe9: {  	v56 =	vld [tilespmem:s5+$0xE300];
	[tilespmem:s5+$0xDF70] =	vst v42  }
0xea: {  	v57 =	vld [tilespmem:s6+$0x5300];
	_ =	sdelay $0x4  }
0xeb: {  	v17 =	vadd.f32 v57, v56;
	_ =	sdelay $0x1  }
0xec: {  	v58 =	vld [tilespmem:s5+$0xE310];
	[tilespmem:s5+$0xE300] =	vst v17  }
0xed: {  	v43 =	vld [tilespmem:s6+$0x5310];
	_ =	sdelay $0x4  }
0xee: {  	v26 =	vadd.f32 v43, v58;
	_ =	sdelay $0x1  }
0xef: {  	v59 =	vld [tilespmem:s5+$0xE320];
	[tilespmem:s5+$0xE310] =	vst v26  }
0xf0: {  	v44 =	vld [tilespmem:s6+$0x5320];
	_ =	sdelay $0x4  }
0xf1: {  	v43 =	vadd.f32 v44, v59;
	_ =	sdelay $0x1  }
0xf2: {  	v60 =	vld [tilespmem:s5+$0xE330];
	[tilespmem:s5+$0xE320] =	vst v43  }
0xf3: {  	v45 =	vld [tilespmem:s6+$0x5330];
	_ =	sdelay $0x4  }
0xf4: {  	v44 =	vadd.f32 v45, v60;
	_ =	sdelay $0x1  }
0xf5: {  	v61 =	vld [tilespmem:s5+$0xE340];
	[tilespmem:s5+$0xE330] =	vst v44  }
0xf6: {  	v46 =	vld [tilespmem:s6+$0x5340]  }
0xf7: {  	v47 =	vadd.f32 $0.0e+00, v9  }
0xf8: {  	v9 =	vmul.f32 v9, v9;
	v48 =	vmul.f32 v18, v18  }
0xf9: {  	v18 =	vadd.f32 v18, v47  }
0xfa: {  	v63 =	vmul.f32 v27, v27;
	v62 =	vadd.f32 v48, v9  }
0xfb: {  	v18 =	vadd.f32 v27, v18;
	v9 =	vadd.f32 v46, v61  }
0xfc: {  	v51 =	vadd.f32 v63, v62;
	v52 =	vmul.f32 v28, v28  }
0xfd: {  	v18 =	vadd.f32 v28, v18;
	v53 =	vld [tilespmem:s5+$0xE350];
	[tilespmem:s5+$0xE340] =	vst v9  }
0xfe: {  	v27 =	vadd.f32 v52, v51;
	v54 =	vmul.f32 v10, v10;
	v55 =	vld [tilespmem:s6+$0x5350]  }
0xff: {  	v10 =	vadd.f32 v10, v18  }
0x100: {  	v56 =	vadd.f32 v54, v27;
	v57 =	vmul.f32 v19, v19  }
0x101: {  	v10 =	vadd.f32 v19, v10  }
0x102: {  	v18 =	vadd.f32 v57, v56;
	v58 =	vmul.f32 v29, v29  }
0x103: {  	v10 =	vadd.f32 v29, v10;
	v27 =	vadd.f32 v55, v53  }
0x104: {  	v18 =	vadd.f32 v58, v18;
	v59 =	vmul.f32 v30, v30  }
0x105: {  	v10 =	vadd.f32 v30, v10;
	v60 =	vld [tilespmem:s5+$0xE360];
	[tilespmem:s5+$0xE350] =	vst v27  }
0x106: {  	v18 =	vadd.f32 v59, v18;
	v61 =	vmul.f32 v11, v11;
	v62 =	vld [tilespmem:s6+$0x5360]  }
0x107: {  	v10 =	vadd.f32 v11, v10  }
0x108: {  	v63 =	vmul.f32 v20, v20;
	v11 =	vadd.f32 v61, v18  }
0x109: {  	v10 =	vadd.f32 v20, v10  }
0x10a: {  	v30 =	vmul.f32 v31, v31;
	v11 =	vadd.f32 v63, v11  }
0x10b: {  	v10 =	vadd.f32 v31, v10;
	v19 =	vadd.f32 v62, v60  }
0x10c: {  	v31 =	vmul.f32 v32, v32;
	v11 =	vadd.f32 v30, v11  }
0x10d: {  	v10 =	vadd.f32 v32, v10;
	v45 =	vld [tilespmem:s5+$0xE370];
	[tilespmem:s5+$0xE360] =	vst v19  }
0x10e: {  	v46 =	vmul.f32 v12, v12;
	v11 =	vadd.f32 v31, v11;
	v47 =	vld [tilespmem:s6+$0x5370]  }
0x10f: {  	v10 =	vadd.f32 v12, v10  }
0x110: {  	v48 =	vmul.f32 v21, v21;
	v11 =	vadd.f32 v46, v11  }
0x111: {  	v10 =	vadd.f32 v21, v10  }
0x112: {  	v49 =	vmul.f32 v33, v33;
	v11 =	vadd.f32 v48, v11  }
0x113: {  	v10 =	vadd.f32 v33, v10;
	v18 =	vadd.f32 v47, v45  }
0x114: {  	v50 =	vmul.f32 v34, v34;
	v11 =	vadd.f32 v49, v11  }
0x115: {  	v51 =	vld [tilespmem:s5+$0xE700];
	v10 =	vadd.f32 v34, v10;
	[tilespmem:s5+$0xE370] =	vst v18  }
0x116: {  	v52 =	vmul.f32 v13, v13;
	v11 =	vadd.f32 v50, v11;
	v53 =	vld [tilespmem:s6+$0x5700]  }
0x117: {  	v10 =	vadd.f32 v13, v10  }
0x118: {  	v54 =	vmul.f32 v22, v22;
	v11 =	vadd.f32 v52, v11  }
0x119: {  	v10 =	vadd.f32 v22, v10  }
0x11a: {  	v55 =	vmul.f32 v35, v35;
	v11 =	vadd.f32 v54, v11  }
0x11b: {  	v10 =	vadd.f32 v35, v10;
	v13 =	vadd.f32 v53, v51  }
0x11c: {  	v56 =	vmul.f32 v36, v36;
	v11 =	vadd.f32 v55, v11  }
0x11d: {  	v57 =	vld [tilespmem:s5+$0xE710];
	v10 =	vadd.f32 v36, v10;
	[tilespmem:s5+$0xE700] =	vst v13  }
0x11e: {  	v58 =	vmul.f32 v14, v14;
	v11 =	vadd.f32 v56, v11;
	v59 =	vld [tilespmem:s6+$0x5710]  }
0x11f: {  	v10 =	vadd.f32 v14, v10  }
0x120: {  	v60 =	vmul.f32 v23, v23;
	v11 =	vadd.f32 v58, v11  }
0x121: {  	v10 =	vadd.f32 v23, v10  }
0x122: {  	v61 =	vmul.f32 v37, v37;
	v11 =	vadd.f32 v60, v11  }
0x123: {  	v10 =	vadd.f32 v37, v10;
	v62 =	vadd.f32 v59, v57  }
0x124: {  	v63 =	vmul.f32 v38, v38;
	v11 =	vadd.f32 v61, v11  }
0x125: {  	v28 =	vld [tilespmem:s5+$0xE720];
	v10 =	vadd.f32 v38, v10;
	[tilespmem:s5+$0xE710] =	vst v62  }
0x126: {  	v29 =	vmul.f32 v15, v15;
	v11 =	vadd.f32 v63, v11;
	v30 =	vld [tilespmem:s6+$0x5720]  }
0x127: {  	v10 =	vadd.f32 v15, v10  }
0x128: {  	v31 =	vmul.f32 v24, v24;
	v11 =	vadd.f32 v29, v11  }
0x129: {  	v10 =	vadd.f32 v24, v10  }
0x12a: {  	v32 =	vmul.f32 v39, v39;
	v11 =	vadd.f32 v31, v11  }
0x12b: {  	v10 =	vadd.f32 v39, v10;
	v33 =	vadd.f32 v30, v28  }
0x12c: {  	v34 =	vmul.f32 v40, v40;
	v11 =	vadd.f32 v32, v11  }
0x12d: {  	v10 =	vadd.f32 v40, v10;
	v35 =	vld [tilespmem:s5+$0xE730];
	[tilespmem:s5+$0xE720] =	vst v33  }
0x12e: {  	v36 =	vmul.f32 v16, v16;
	v11 =	vadd.f32 v34, v11;
	v37 =	vld [tilespmem:s6+$0x5730]  }
0x12f: {  	v10 =	vadd.f32 v16, v10  }
0x130: {  	v38 =	vmul.f32 v25, v25;
	v11 =	vadd.f32 v36, v11  }
0x131: {  	v10 =	vadd.f32 v25, v10  }
0x132: {  	v39 =	vmul.f32 v41, v41;
	v11 =	vadd.f32 v38, v11  }
0x133: {  	v10 =	vadd.f32 v41, v10;
	v40 =	vadd.f32 v37, v35  }
0x134: {  	v41 =	vmul.f32 v42, v42;
	v11 =	vadd.f32 v39, v11  }
0x135: {  	v10 =	vadd.f32 v42, v10;
	v45 =	vld [tilespmem:s5+$0xE740];
	[tilespmem:s5+$0xE730] =	vst v40  }
0x136: {  	v46 =	vmul.f32 v17, v17;
	v11 =	vadd.f32 v41, v11;
	v47 =	vld [tilespmem:s6+$0x5740]  }
0x137: {  	v10 =	vadd.f32 v17, v10  }
0x138: {  	v48 =	vmul.f32 v26, v26;
	v11 =	vadd.f32 v46, v11  }
0x139: {  	v10 =	vadd.f32 v26, v10  }
0x13a: {  	v49 =	vmul.f32 v43, v43;
	v11 =	vadd.f32 v48, v11  }
0x13b: {  	v10 =	vadd.f32 v43, v10;
	v50 =	vadd.f32 v47, v45  }
0x13c: {  	v51 =	vmul.f32 v44, v44;
	v11 =	vadd.f32 v49, v11  }
0x13d: {  	v52 =	vld [tilespmem:s5+$0xE750];
	v10 =	vadd.f32 v44, v10;
	[tilespmem:s5+$0xE740] =	vst v50  }
0x13e: {  	v53 =	vmul.f32 v9, v9;
	v11 =	vadd.f32 v51, v11;
	v54 =	vld [tilespmem:s6+$0x5750]  }
0x13f: {  	v9 =	vadd.f32 v9, v10  }
0x140: {  	v10 =	vadd.f32 v53, v11;
	v11 =	vmul.f32 v27, v27  }
0x141: {  	v9 =	vadd.f32 v27, v9  }
0x142: {  	v10 =	vadd.f32 v11, v10;
	v11 =	vmul.f32 v19, v19  }
0x143: {  	v9 =	vadd.f32 v19, v9;
	v55 =	vadd.f32 v54, v52  }
0x144: {  	v10 =	vadd.f32 v11, v10;
	v11 =	vmul.f32 v18, v18  }
0x145: {  	v56 =	vld [tilespmem:s5+$0xE760];
	v9 =	vadd.f32 v18, v9;
	[tilespmem:s5+$0xE750] =	vst v55  }
0x146: {  	v10 =	vadd.f32 v11, v10;
	v11 =	vmul.f32 v13, v13;
	v57 =	vld [tilespmem:s6+$0x5760]  }
0x147: {  	v9 =	vadd.f32 v13, v9  }
0x148: {  	v10 =	vadd.f32 v11, v10;
	v11 =	vmul.f32 v62, v62  }
0x149: {  	v9 =	vadd.f32 v62, v9  }
0x14a: {  	v10 =	vadd.f32 v11, v10;
	v11 =	vmul.f32 v33, v33  }
0x14b: {  	v9 =	vadd.f32 v33, v9;
	v58 =	vadd.f32 v57, v56  }
0x14c: {  	v10 =	vadd.f32 v11, v10;
	v11 =	vmul.f32 v40, v40  }
0x14d: {  	v59 =	vld [tilespmem:s5+$0xE770];
	v9 =	vadd.f32 v40, v9;
	[tilespmem:s5+$0xE760] =	vst v58  }
0x14e: {  	v10 =	vadd.f32 v11, v10;
	v11 =	vmul.f32 v50, v50;
	v60 =	vld [tilespmem:s6+$0x5770]  }
0x14f: {  	v9 =	vadd.f32 v50, v9  }
0x150: {  	v10 =	vadd.f32 v11, v10;
	v11 =	vmul.f32 v55, v55  }
0x151: {  	v9 =	vadd.f32 v55, v9  }
0x152: {  	v10 =	vadd.f32 v11, v10  }
0x153: {  	v9 =	vadd.f32 v58, v9;
	v11 =	vmul.f32 v58, v58;
	v61 =	vadd.f32 v60, v59;
	_ =	sdelay $0x1  }
0x154: {  	v10 =	vadd.f32 v11, v10;
	v9 =	vadd.f32 v61, v9;
	v11 =	vmul.f32 v61, v61;
	_ =	sdelay $0x1  }
0x155: {  	v10 =	vadd.f32 v11, v10;
	v11 =	vperm.xlane v9, v4;
	_ =	sdelay $0x1  }
0x156: {  	v9 =	vadd.f32 v11, v9;
	v11 =	vperm.xlane v10, v4;
	_ =	sdelay $0x1  }
0x157: {  	v62 =	vperm.xlane v9, v5;
	v10 =	vadd.f32 v11, v10;
	_ =	sdelay $0x1  }
0x158: {  	v9 =	vadd.f32 v62, v9;
	v11 =	vperm.xlane v10, v5;
	_ =	sdelay $0x1  }
0x159: {  	v13 =	vperm.xlane v9, v6;
	v10 =	vadd.f32 v11, v10;
	_ =	sdelay $0x1  }
0x15a: {  	v9 =	vadd.f32 v13, v9;
	v11 =	vperm.xlane v10, v6;
	_ =	sdelay $0x1  }
0x15b: {  	v13 =	vperm.xlane v9, v7;
	v10 =	vadd.f32 v11, v10;
	_ =	sdelay $0x1  }
0x15c: {  	v9 =	vadd.f32 v13, v9;
	v11 =	vperm.xlane v10, v7;
	_ =	sdelay $0x1  }
0x15d: {  	v9 =	vmul.f32 $1.302083370e-03, v9;
	v10 =	vadd.f32 v11, v10;
	_ =	sdelay $0x1  }
0x15e: {  	v10 =	vmul.f32 $1.302083370e-03, v10;
	v11 =	vmul.f32 v9, v9;
	_ =	sdelay $0x1  }
0x15f: {  	v10 =	vsub.f32 v10, v11;
	_ =	sdelay $0x1  }
0x160: {  	v10 =	vadd.f32 $9.999999740e-06, v10;
	_ =	sdelay $0x1  }
0x161: {  	v11 =	vshra.s32 v10, $0x1;
	v10 =	vmul.f32 $5.000000000e-01, v10  }
0x162: {  	v11 =	vsub.s32 $0x5F3759DF, v11  }
0x163: {  	v63 =	vmul.f32 v11, v10;
	_ =	sdelay $0x1  }
0x164: {  	v13 =	vmul.f32 v11, v63;
	_ =	sdelay $0x1  }
0x165: {  	v13 =	vsub.f32 $1.500000000e+00, v13;
	_ =	sdelay $0x1  }
0x166: {  	v11 =	vmul.f32 v11, v13;
	_ =	sdelay $0x1  }
0x167: {  	v13 =	vmul.f32 v11, v10;
	_ =	sdelay $0x1  }
0x168: {  	v13 =	vmul.f32 v13, v11;
	_ =	sdelay $0x1  }
0x169: {  	v13 =	vsub.f32 $1.500000000e+00, v13;
	_ =	sdelay $0x1  }
0x16a: {  	v11 =	vmul.f32 v13, v11;
	_ =	sdelay $0x1  }
0x16b: {  	v10 =	vmul.f32 v11, v10  }
0x16c: {  	v16 =	vld [tilespmem:s5+$0xD300]  }
0x16d: {  	v10 =	vmul.f32 v10, v11;
	_ =	sdelay $0x1  }
0x16e: {  	[tilespmem:s5+$0xE770] =	vst v61;
	v10 =	vsub.f32 $1.500000000e+00, v10  }
0x16f: {  	v12 =	vld [tilespmem:$0x3D00]  }
0x170: {  	v10 =	vmul.f32 v10, v11;
	v11 =	vsub.f32 v16, v9  }
0x171: {  	v17 =	vld [tilespmem:$0x4000]  }
0x172: {  	v11 =	vmul.f32 v10, v11;
	_ =	sdelay $0x1  }
0x173: {  	v11 =	vmul.f32 v11, v12  }
0x174: {  	v18 =	vld [tilespmem:s5+$0xD310]  }
0x175: {  	v11 =	vadd.f32 v11, v17;
	_ =	sdelay $0x1  }
0x176: {  	[tilespmem:s5+$0xD300] =	vst v11  }
0x177: {  	v11 =	vld [tilespmem:$0x3D10]  }
0x178: {  	v12 =	vsub.f32 v18, v9  }
0x179: {  	v19 =	vld [tilespmem:$0x4010]  }
0x17a: {  	v12 =	vmul.f32 v10, v12;
	_ =	sdelay $0x1  }
0x17b: {  	v11 =	vmul.f32 v12, v11  }
0x17c: {  	v20 =	vld [tilespmem:s5+$0xD320]  }
0x17d: {  	v11 =	vadd.f32 v11, v19;
	_ =	sdelay $0x1  }
0x17e: {  	[tilespmem:s5+$0xD310] =	vst v11  }
0x17f: {  	v11 =	vld [tilespmem:$0x3D20]  }
0x180: {  	v12 =	vsub.f32 v20, v9  }
0x181: {  	v21 =	vld [tilespmem:$0x4020]  }
0x182: {  	v12 =	vmul.f32 v10, v12;
	_ =	sdelay $0x1  }
0x183: {  	v11 =	vmul.f32 v12, v11  }
0x184: {  	v22 =	vld [tilespmem:s5+$0xD330]  }
0x185: {  	v11 =	vadd.f32 v11, v21;
	_ =	sdelay $0x1  }
0x186: {  	[tilespmem:s5+$0xD320] =	vst v11  }
0x187: {  	v11 =	vld [tilespmem:$0x3D30]  }
0x188: {  	v12 =	vsub.f32 v22, v9  }
0x189: {  	v23 =	vld [tilespmem:$0x4030]  }
0x18a: {  	v12 =	vmul.f32 v10, v12;
	_ =	sdelay $0x1  }
0x18b: {  	v11 =	vmul.f32 v12, v11  }
0x18c: {  	v24 =	vld [tilespmem:s5+$0xD340]  }
0x18d: {  	v11 =	vadd.f32 v11, v23;
	_ =	sdelay $0x1  }
0x18e: {  	[tilespmem:s5+$0xD330] =	vst v11  }
0x18f: {  	v11 =	vld [tilespmem:$0x3D40]  }
0x190: {  	v12 =	vsub.f32 v24, v9  }
0x191: {  	v25 =	vld [tilespmem:$0x4040]  }
0x192: {  	v12 =	vmul.f32 v10, v12;
	_ =	sdelay $0x1  }
0x193: {  	v11 =	vmul.f32 v12, v11  }
0x194: {  	v26 =	vld [tilespmem:s5+$0xD350]  }
0x195: {  	v11 =	vadd.f32 v11, v25;
	_ =	sdelay $0x1  }
0x196: {  	[tilespmem:s5+$0xD340] =	vst v11  }
0x197: {  	v11 =	vld [tilespmem:$0x3D50]  }
0x198: {  	v12 =	vsub.f32 v26, v9  }
0x199: {  	v27 =	vld [tilespmem:$0x4050]  }
0x19a: {  	v12 =	vmul.f32 v12, v10;
	_ =	sdelay $0x1  }
0x19b: {  	v11 =	vmul.f32 v12, v11  }
0x19c: {  	v28 =	vld [tilespmem:s5+$0xD360]  }
0x19d: {  	v11 =	vadd.f32 v11, v27;
	_ =	sdelay $0x1  }
0x19e: {  	[tilespmem:s5+$0xD350] =	vst v11  }
0x19f: {  	v11 =	vld [tilespmem:$0x3D60]  }
0x1a0: {  	v12 =	vsub.f32 v28, v9  }
0x1a1: {  	v29 =	vld [tilespmem:$0x4060]  }
0x1a2: {  	v12 =	vmul.f32 v12, v10;
	_ =	sdelay $0x1  }
0x1a3: {  	v11 =	vmul.f32 v12, v11  }
0x1a4: {  	v30 =	vld [tilespmem:s5+$0xD370]  }
0x1a5: {  	v11 =	vadd.f32 v11, v29;
	_ =	sdelay $0x1  }
0x1a6: {  	[tilespmem:s5+$0xD360] =	vst v11  }
0x1a7: {  	v11 =	vld [tilespmem:$0x3D70]  }
0x1a8: {  	v12 =	vsub.f32 v30, v9  }
0x1a9: {  	v31 =	vld [tilespmem:$0x4070]  }
0x1aa: {  	v12 =	vmul.f32 v12, v10;
	_ =	sdelay $0x1  }
0x1ab: {  	v11 =	vmul.f32 v12, v11  }
0x1ac: {  	v32 =	vld [tilespmem:s5+$0xD700]  }
0x1ad: {  	v11 =	vadd.f32 v11, v31;
	_ =	sdelay $0x1  }
0x1ae: {  	[tilespmem:s5+$0xD370] =	vst v11  }
0x1af: {  	v11 =	vld [tilespmem:$0x3D80]  }
0x1b0: {  	v12 =	vsub.f32 v32, v9  }
0x1b1: {  	v33 =	vld [tilespmem:$0x4080]  }
0x1b2: {  	v12 =	vmul.f32 v12, v10;
	_ =	sdelay $0x1  }
0x1b3: {  	v11 =	vmul.f32 v12, v11  }
0x1b4: {  	v34 =	vld [tilespmem:s5+$0xD710]  }
0x1b5: {  	v11 =	vadd.f32 v11, v33;
	_ =	sdelay $0x1  }
0x1b6: {  	[tilespmem:s5+$0xD700] =	vst v11  }
0x1b7: {  	v11 =	vld [tilespmem:$0x3D90]  }
0x1b8: {  	v12 =	vsub.f32 v34, v9  }
0x1b9: {  	v35 =	vld [tilespmem:$0x4090]  }
0x1ba: {  	v12 =	vmul.f32 v12, v10;
	_ =	sdelay $0x1  }
0x1bb: {  	v11 =	vmul.f32 v12, v11  }
0x1bc: {  	v36 =	vld [tilespmem:s5+$0xD720]  }
0x1bd: {  	v11 =	vadd.f32 v11, v35;
	_ =	sdelay $0x1  }
0x1be: {  	[tilespmem:s5+$0xD710] =	vst v11  }
0x1bf: {  	v11 =	vld [tilespmem:$0x3DA0]  }
0x1c0: {  	v12 =	vsub.f32 v36, v9  }
0x1c1: {  	v37 =	vld [tilespmem:$0x40A0]  }
0x1c2: {  	v12 =	vmul.f32 v12, v10;
	_ =	sdelay $0x1  }
0x1c3: {  	v11 =	vmul.f32 v12, v11  }
0x1c4: {  	v38 =	vld [tilespmem:s5+$0xD730]  }
0x1c5: {  	v11 =	vadd.f32 v11, v37;
	_ =	sdelay $0x1  }
0x1c6: {  	[tilespmem:s5+$0xD720] =	vst v11  }
0x1c7: {  	v11 =	vld [tilespmem:$0x3DB0]  }
0x1c8: {  	v12 =	vsub.f32 v38, v9  }
0x1c9: {  	v39 =	vld [tilespmem:$0x40B0]  }
0x1ca: {  	v12 =	vmul.f32 v12, v10;
	_ =	sdelay $0x1  }
0x1cb: {  	v11 =	vmul.f32 v12, v11  }
0x1cc: {  	v40 =	vld [tilespmem:s5+$0xD740]  }
0x1cd: {  	v11 =	vadd.f32 v11, v39;
	_ =	sdelay $0x1  }
0x1ce: {  	[tilespmem:s5+$0xD730] =	vst v11  }
0x1cf: {  	v11 =	vld [tilespmem:$0x3DC0]  }
0x1d0: {  	v12 =	vsub.f32 v40, v9  }
0x1d1: {  	v41 =	vld [tilespmem:$0x40C0]  }
0x1d2: {  	v12 =	vmul.f32 v12, v10;
	_ =	sdelay $0x1  }
0x1d3: {  	v11 =	vmul.f32 v12, v11  }
0x1d4: {  	v42 =	vld [tilespmem:s5+$0xD750]  }
0x1d5: {  	v11 =	vadd.f32 v11, v41;
	_ =	sdelay $0x1  }
0x1d6: {  	[tilespmem:s5+$0xD740] =	vst v11  }
0x1d7: {  	v11 =	vld [tilespmem:$0x3DD0]  }
0x1d8: {  	v12 =	vsub.f32 v42, v9  }
0x1d9: {  	v43 =	vld [tilespmem:$0x40D0]  }
0x1da: {  	v12 =	vmul.f32 v12, v10;
	_ =	sdelay $0x1  }
0x1db: {  	v11 =	vmul.f32 v12, v11  }
0x1dc: {  	v44 =	vld [tilespmem:s5+$0xD760]  }
0x1dd: {  	v11 =	vadd.f32 v11, v43;
	_ =	sdelay $0x1  }
0x1de: {  	[tilespmem:s5+$0xD750] =	vst v11  }
0x1df: {  	v11 =	vld [tilespmem:$0x3DE0]  }
0x1e0: {  	v12 =	vsub.f32 v44, v9  }
0x1e1: {  	v45 =	vld [tilespmem:$0x40E0]  }
0x1e2: {  	v12 =	vmul.f32 v12, v10;
	_ =	sdelay $0x1  }
0x1e3: {  	v11 =	vmul.f32 v12, v11  }
0x1e4: {  	v46 =	vld [tilespmem:s5+$0xD770]  }
0x1e5: {  	v11 =	vadd.f32 v11, v45;
	_ =	sdelay $0x1  }
0x1e6: {  	[tilespmem:s5+$0xD760] =	vst v11  }
0x1e7: {  	v11 =	vld [tilespmem:$0x3DF0]  }
0x1e8: {  	v12 =	vsub.f32 v46, v9  }
0x1e9: {  	v47 =	vld [tilespmem:$0x40F0]  }
0x1ea: {  	v12 =	vmul.f32 v12, v10;
	_ =	sdelay $0x1  }
0x1eb: {  	v11 =	vmul.f32 v12, v11  }
0x1ec: {  	v48 =	vld [tilespmem:s5+$0xDB00]  }
0x1ed: {  	v11 =	vadd.f32 v11, v47;
	_ =	sdelay $0x1  }
0x1ee: {  	[tilespmem:s5+$0xD770] =	vst v11  }
0x1ef: {  	v11 =	vld [tilespmem:$0x3E00]  }
0x1f0: {  	v12 =	vsub.f32 v48, v9  }
0x1f1: {  	v49 =	vld [tilespmem:$0x4100]  }
0x1f2: {  	v12 =	vmul.f32 v12, v10;
	_ =	sdelay $0x1  }
0x1f3: {  	v11 =	vmul.f32 v12, v11  }
0x1f4: {  	v50 =	vld [tilespmem:s5+$0xDB10]  }
0x1f5: {  	v11 =	vadd.f32 v11, v49;
	_ =	sdelay $0x1  }
0x1f6: {  	[tilespmem:s5+$0xDB00] =	vst v11  }
0x1f7: {  	v11 =	vld [tilespmem:$0x3E10]  }
0x1f8: {  	v12 =	vsub.f32 v50, v9  }
0x1f9: {  	v51 =	vld [tilespmem:$0x4110]  }
0x1fa: {  	v12 =	vmul.f32 v12, v10;
	_ =	sdelay $0x1  }
0x1fb: {  	v11 =	vmul.f32 v12, v11  }
0x1fc: {  	v52 =	vld [tilespmem:s5+$0xDB20]  }
0x1fd: {  	v11 =	vadd.f32 v11, v51;
	_ =	sdelay $0x1  }
0x1fe: {  	[tilespmem:s5+$0xDB10] =	vst v11  }
0x1ff: {  	v11 =	vld [tilespmem:$0x3E20]  }
0x200: {  	v12 =	vsub.f32 v52, v9  }
0x201: {  	v53 =	vld [tilespmem:$0x4120]  }
0x202: {  	v12 =	vmul.f32 v12, v10;
	_ =	sdelay $0x1  }
0x203: {  	v11 =	vmul.f32 v12, v11  }
0x204: {  	v54 =	vld [tilespmem:s5+$0xDB30]  }
0x205: {  	v11 =	vadd.f32 v11, v53;
	_ =	sdelay $0x1  }
0x206: {  	[tilespmem:s5+$0xDB20] =	vst v11  }
0x207: {  	v11 =	vld [tilespmem:$0x3E30]  }
0x208: {  	v12 =	vsub.f32 v54, v9  }
0x209: {  	v55 =	vld [tilespmem:$0x4130]  }
0x20a: {  	v12 =	vmul.f32 v12, v10;
	_ =	sdelay $0x1  }
0x20b: {  	v11 =	vmul.f32 v12, v11  }
0x20c: {  	v56 =	vld [tilespmem:s5+$0xDB40]  }
0x20d: {  	v11 =	vadd.f32 v11, v55;
	_ =	sdelay $0x1  }
0x20e: {  	[tilespmem:s5+$0xDB30] =	vst v11  }
0x20f: {  	v11 =	vld [tilespmem:$0x3E40]  }
0x210: {  	v12 =	vsub.f32 v56, v9  }
0x211: {  	v57 =	vld [tilespmem:$0x4140]  }
0x212: {  	v12 =	vmul.f32 v12, v10;
	_ =	sdelay $0x1  }
0x213: {  	v11 =	vmul.f32 v12, v11  }
0x214: {  	v58 =	vld [tilespmem:s5+$0xDB50]  }
0x215: {  	v11 =	vadd.f32 v11, v57;
	_ =	sdelay $0x1  }
0x216: {  	[tilespmem:s5+$0xDB40] =	vst v11  }
0x217: {  	v11 =	vld [tilespmem:$0x3E50]  }
0x218: {  	v12 =	vsub.f32 v58, v9  }
0x219: {  	v59 =	vld [tilespmem:$0x4150]  }
0x21a: {  	v12 =	vmul.f32 v12, v10;
	_ =	sdelay $0x1  }
0x21b: {  	v11 =	vmul.f32 v12, v11  }
0x21c: {  	v60 =	vld [tilespmem:s5+$0xDB60]  }
0x21d: {  	v11 =	vadd.f32 v11, v59;
	_ =	sdelay $0x1  }
0x21e: {  	[tilespmem:s5+$0xDB50] =	vst v11  }
0x21f: {  	v11 =	vld [tilespmem:$0x3E60]  }
0x220: {  	v12 =	vsub.f32 v60, v9  }
0x221: {  	v61 =	vld [tilespmem:$0x4160]  }
0x222: {  	v12 =	vmul.f32 v12, v10;
	_ =	sdelay $0x1  }
0x223: {  	v11 =	vmul.f32 v12, v11  }
0x224: {  	v62 =	vld [tilespmem:s5+$0xDB70]  }
0x225: {  	v11 =	vadd.f32 v11, v61;
	_ =	sdelay $0x1  }
0x226: {  	[tilespmem:s5+$0xDB60] =	vst v11  }
0x227: {  	v11 =	vld [tilespmem:$0x3E70]  }
0x228: {  	v12 =	vsub.f32 v62, v9  }
0x229: {  	v63 =	vld [tilespmem:$0x4170]  }
0x22a: {  	v12 =	vmul.f32 v12, v10;
	_ =	sdelay $0x1  }
0x22b: {  	v11 =	vmul.f32 v12, v11  }
0x22c: {  	v16 =	vld [tilespmem:s5+$0xDF00]  }
0x22d: {  	v11 =	vadd.f32 v11, v63;
	_ =	sdelay $0x1  }
0x22e: {  	[tilespmem:s5+$0xDB70] =	vst v11  }
0x22f: {  	v11 =	vld [tilespmem:$0x3E80]  }
0x230: {  	v12 =	vsub.f32 v16, v9  }
0x231: {  	v17 =	vld [tilespmem:$0x4180]  }
0x232: {  	v12 =	vmul.f32 v12, v10;
	_ =	sdelay $0x1  }
0x233: {  	v11 =	vmul.f32 v12, v11  }
0x234: {  	v18 =	vld [tilespmem:s5+$0xDF10]  }
0x235: {  	v11 =	vadd.f32 v11, v17;
	_ =	sdelay $0x1  }
0x236: {  	[tilespmem:s5+$0xDF00] =	vst v11  }
0x237: {  	v11 =	vld [tilespmem:$0x3E90]  }
0x238: {  	v12 =	vsub.f32 v18, v9  }
0x239: {  	v19 =	vld [tilespmem:$0x4190]  }
0x23a: {  	v12 =	vmul.f32 v12, v10;
	_ =	sdelay $0x1  }
0x23b: {  	v11 =	vmul.f32 v12, v11  }
0x23c: {  	v20 =	vld [tilespmem:s5+$0xDF20]  }
0x23d: {  	v11 =	vadd.f32 v11, v19;
	_ =	sdelay $0x1  }
0x23e: {  	[tilespmem:s5+$0xDF10] =	vst v11  }
0x23f: {  	v11 =	vld [tilespmem:$0x3EA0]  }
0x240: {  	v12 =	vsub.f32 v20, v9  }
0x241: {  	v21 =	vld [tilespmem:$0x41A0]  }
0x242: {  	v12 =	vmul.f32 v12, v10;
	_ =	sdelay $0x1  }
0x243: {  	v11 =	vmul.f32 v12, v11  }
0x244: {  	v22 =	vld [tilespmem:s5+$0xDF30]  }
0x245: {  	v11 =	vadd.f32 v11, v21;
	_ =	sdelay $0x1  }
0x246: {  	[tilespmem:s5+$0xDF20] =	vst v11  }
0x247: {  	v11 =	vld [tilespmem:$0x3EB0]  }
0x248: {  	v12 =	vsub.f32 v22, v9  }
0x249: {  	v23 =	vld [tilespmem:$0x41B0]  }
0x24a: {  	v12 =	vmul.f32 v12, v10;
	_ =	sdelay $0x1  }
0x24b: {  	v11 =	vmul.f32 v12, v11  }
0x24c: {  	v24 =	vld [tilespmem:s5+$0xDF40]  }
0x24d: {  	v11 =	vadd.f32 v11, v23;
	_ =	sdelay $0x1  }
0x24e: {  	[tilespmem:s5+$0xDF30] =	vst v11  }
0x24f: {  	v11 =	vld [tilespmem:$0x3EC0]  }
0x250: {  	v12 =	vsub.f32 v24, v9  }
0x251: {  	v25 =	vld [tilespmem:$0x41C0]  }
0x252: {  	v12 =	vmul.f32 v12, v10;
	_ =	sdelay $0x1  }
0x253: {  	v11 =	vmul.f32 v12, v11  }
0x254: {  	v26 =	vld [tilespmem:s5+$0xDF50]  }
0x255: {  	v11 =	vadd.f32 v11, v25;
	_ =	sdelay $0x1  }
0x256: {  	[tilespmem:s5+$0xDF40] =	vst v11  }
0x257: {  	v11 =	vld [tilespmem:$0x3ED0]  }
0x258: {  	v12 =	vsub.f32 v26, v9  }
0x259: {  	v27 =	vld [tilespmem:$0x41D0]  }
0x25a: {  	v12 =	vmul.f32 v12, v10;
	_ =	sdelay $0x1  }
0x25b: {  	v11 =	vmul.f32 v12, v11  }
0x25c: {  	v28 =	vld [tilespmem:s5+$0xDF60]  }
0x25d: {  	v11 =	vadd.f32 v11, v27;
	_ =	sdelay $0x1  }
0x25e: {  	[tilespmem:s5+$0xDF50] =	vst v11  }
0x25f: {  	v11 =	vld [tilespmem:$0x3EE0]  }
0x260: {  	v12 =	vsub.f32 v28, v9  }
0x261: {  	v29 =	vld [tilespmem:$0x41E0]  }
0x262: {  	v12 =	vmul.f32 v12, v10;
	_ =	sdelay $0x1  }
0x263: {  	v11 =	vmul.f32 v12, v11  }
0x264: {  	v30 =	vld [tilespmem:s5+$0xDF70]  }
0x265: {  	v11 =	vadd.f32 v11, v29;
	_ =	sdelay $0x1  }
0x266: {  	[tilespmem:s5+$0xDF60] =	vst v11  }
0x267: {  	v11 =	vld [tilespmem:$0x3EF0]  }
0x268: {  	v12 =	vsub.f32 v30, v9  }
0x269: {  	v31 =	vld [tilespmem:$0x41F0]  }
0x26a: {  	v12 =	vmul.f32 v12, v10;
	_ =	sdelay $0x1  }
0x26b: {  	v11 =	vmul.f32 v12, v11  }
0x26c: {  	v32 =	vld [tilespmem:s5+$0xE300]  }
0x26d: {  	v11 =	vadd.f32 v11, v31;
	_ =	sdelay $0x1  }
0x26e: {  	[tilespmem:s5+$0xDF70] =	vst v11  }
0x26f: {  	v11 =	vld [tilespmem:$0x3F00]  }
0x270: {  	v12 =	vsub.f32 v32, v9  }
0x271: {  	v33 =	vld [tilespmem:$0x4200]  }
0x272: {  	v12 =	vmul.f32 v12, v10;
	_ =	sdelay $0x1  }
0x273: {  	v11 =	vmul.f32 v12, v11  }
0x274: {  	v34 =	vld [tilespmem:s5+$0xE310]  }
0x275: {  	v11 =	vadd.f32 v11, v33;
	_ =	sdelay $0x1  }
0x276: {  	[tilespmem:s5+$0xE300] =	vst v11  }
0x277: {  	v11 =	vld [tilespmem:$0x3F10]  }
0x278: {  	v12 =	vsub.f32 v34, v9  }
0x279: {  	v35 =	vld [tilespmem:$0x4210]  }
0x27a: {  	v12 =	vmul.f32 v12, v10;
	_ =	sdelay $0x1  }
0x27b: {  	v11 =	vmul.f32 v12, v11  }
0x27c: {  	v36 =	vld [tilespmem:s5+$0xE320]  }
0x27d: {  	v11 =	vadd.f32 v11, v35;
	_ =	sdelay $0x1  }
0x27e: {  	[tilespmem:s5+$0xE310] =	vst v11  }
0x27f: {  	v11 =	vld [tilespmem:$0x3F20]  }
0x280: {  	v12 =	vsub.f32 v36, v9  }
0x281: {  	v37 =	vld [tilespmem:$0x4220]  }
0x282: {  	v12 =	vmul.f32 v12, v10;
	_ =	sdelay $0x1  }
0x283: {  	v11 =	vmul.f32 v12, v11  }
0x284: {  	v38 =	vld [tilespmem:s5+$0xE330]  }
0x285: {  	v11 =	vadd.f32 v11, v37;
	_ =	sdelay $0x1  }
0x286: {  	[tilespmem:s5+$0xE320] =	vst v11  }
0x287: {  	v11 =	vld [tilespmem:$0x3F30]  }
0x288: {  	v12 =	vsub.f32 v38, v9  }
0x289: {  	v39 =	vld [tilespmem:$0x4230]  }
0x28a: {  	v12 =	vmul.f32 v12, v10;
	_ =	sdelay $0x1  }
0x28b: {  	v11 =	vmul.f32 v12, v11  }
0x28c: {  	v40 =	vld [tilespmem:s5+$0xE340]  }
0x28d: {  	v11 =	vadd.f32 v11, v39;
	_ =	sdelay $0x1  }
0x28e: {  	[tilespmem:s5+$0xE330] =	vst v11  }
0x28f: {  	v11 =	vld [tilespmem:$0x3F40]  }
0x290: {  	v12 =	vsub.f32 v40, v9  }
0x291: {  	v41 =	vld [tilespmem:$0x4240]  }
0x292: {  	v12 =	vmul.f32 v12, v10;
	_ =	sdelay $0x1  }
0x293: {  	v11 =	vmul.f32 v12, v11  }
0x294: {  	v42 =	vld [tilespmem:s5+$0xE350]  }
0x295: {  	v11 =	vadd.f32 v11, v41;
	_ =	sdelay $0x1  }
0x296: {  	[tilespmem:s5+$0xE340] =	vst v11  }
0x297: {  	v11 =	vld [tilespmem:$0x3F50]  }
0x298: {  	v12 =	vsub.f32 v42, v9  }
0x299: {  	v43 =	vld [tilespmem:$0x4250]  }
0x29a: {  	v12 =	vmul.f32 v12, v10;
	_ =	sdelay $0x1  }
0x29b: {  	v11 =	vmul.f32 v12, v11  }
0x29c: {  	v44 =	vld [tilespmem:s5+$0xE360]  }
0x29d: {  	v11 =	vadd.f32 v11, v43;
	_ =	sdelay $0x1  }
0x29e: {  	[tilespmem:s5+$0xE350] =	vst v11  }
0x29f: {  	v11 =	vld [tilespmem:$0x3F60]  }
0x2a0: {  	v12 =	vsub.f32 v44, v9  }
0x2a1: {  	v45 =	vld [tilespmem:$0x4260]  }
0x2a2: {  	v12 =	vmul.f32 v12, v10;
	_ =	sdelay $0x1  }
0x2a3: {  	v11 =	vmul.f32 v12, v11  }
0x2a4: {  	v46 =	vld [tilespmem:s5+$0xE370]  }
0x2a5: {  	v11 =	vadd.f32 v11, v45;
	_ =	sdelay $0x1  }
0x2a6: {  	[tilespmem:s5+$0xE360] =	vst v11  }
0x2a7: {  	v11 =	vld [tilespmem:$0x3F70]  }
0x2a8: {  	v12 =	vsub.f32 v46, v9  }
0x2a9: {  	v47 =	vld [tilespmem:$0x4270]  }
0x2aa: {  	v12 =	vmul.f32 v12, v10;
	_ =	sdelay $0x1  }
0x2ab: {  	v11 =	vmul.f32 v12, v11  }
0x2ac: {  	v48 =	vld [tilespmem:s5+$0xE700]  }
0x2ad: {  	v11 =	vadd.f32 v11, v47;
	_ =	sdelay $0x1  }
0x2ae: {  	[tilespmem:s5+$0xE370] =	vst v11  }
0x2af: {  	v11 =	vld [tilespmem:$0x3F80]  }
0x2b0: {  	v12 =	vsub.f32 v48, v9  }
0x2b1: {  	v49 =	vld [tilespmem:$0x4280]  }
0x2b2: {  	v12 =	vmul.f32 v12, v10;
	_ =	sdelay $0x1  }
0x2b3: {  	v11 =	vmul.f32 v12, v11  }
0x2b4: {  	v50 =	vld [tilespmem:s5+$0xE710]  }
0x2b5: {  	v11 =	vadd.f32 v11, v49;
	_ =	sdelay $0x1  }
0x2b6: {  	[tilespmem:s5+$0xE700] =	vst v11  }
0x2b7: {  	v11 =	vld [tilespmem:$0x3F90]  }
0x2b8: {  	v12 =	vsub.f32 v50, v9  }
0x2b9: {  	v51 =	vld [tilespmem:$0x4290]  }
0x2ba: {  	v12 =	vmul.f32 v12, v10;
	_ =	sdelay $0x1  }
0x2bb: {  	v11 =	vmul.f32 v12, v11  }
0x2bc: {  	v52 =	vld [tilespmem:s5+$0xE720]  }
0x2bd: {  	v11 =	vadd.f32 v11, v51;
	_ =	sdelay $0x1  }
0x2be: {  	[tilespmem:s5+$0xE710] =	vst v11  }
0x2bf: {  	v11 =	vld [tilespmem:$0x3FA0]  }
0x2c0: {  	v12 =	vsub.f32 v52, v9  }
0x2c1: {  	v53 =	vld [tilespmem:$0x42A0]  }
0x2c2: {  	v12 =	vmul.f32 v12, v10;
	_ =	sdelay $0x1  }
0x2c3: {  	v11 =	vmul.f32 v12, v11  }
0x2c4: {  	v54 =	vld [tilespmem:s5+$0xE730]  }
0x2c5: {  	v11 =	vadd.f32 v11, v53;
	_ =	sdelay $0x1  }
0x2c6: {  	[tilespmem:s5+$0xE720] =	vst v11  }
0x2c7: {  	v11 =	vld [tilespmem:$0x3FB0]  }
0x2c8: {  	v12 =	vsub.f32 v54, v9  }
0x2c9: {  	v55 =	vld [tilespmem:$0x42B0]  }
0x2ca: {  	v12 =	vmul.f32 v12, v10;
	_ =	sdelay $0x1  }
0x2cb: {  	v11 =	vmul.f32 v12, v11  }
0x2cc: {  	v56 =	vld [tilespmem:s5+$0xE740]  }
0x2cd: {  	v11 =	vadd.f32 v11, v55;
	_ =	sdelay $0x1  }
0x2ce: {  	[tilespmem:s5+$0xE730] =	vst v11  }
0x2cf: {  	v11 =	vld [tilespmem:$0x3FC0]  }
0x2d0: {  	v12 =	vsub.f32 v56, v9  }
0x2d1: {  	v57 =	vld [tilespmem:$0x42C0]  }
0x2d2: {  	v12 =	vmul.f32 v12, v10;
	_ =	sdelay $0x1  }
0x2d3: {  	v11 =	vmul.f32 v12, v11  }
0x2d4: {  	v58 =	vld [tilespmem:s5+$0xE750]  }
0x2d5: {  	v11 =	vadd.f32 v11, v57;
	_ =	sdelay $0x1  }
0x2d6: {  	[tilespmem:s5+$0xE740] =	vst v11  }
0x2d7: {  	v11 =	vld [tilespmem:$0x3FD0]  }
0x2d8: {  	v12 =	vsub.f32 v58, v9  }
0x2d9: {  	v59 =	vld [tilespmem:$0x42D0]  }
0x2da: {  	v12 =	vmul.f32 v12, v10;
	_ =	sdelay $0x1  }
0x2db: {  	v11 =	vmul.f32 v12, v11  }
0x2dc: {  	v60 =	vld [tilespmem:s5+$0xE760]  }
0x2dd: {  	v11 =	vadd.f32 v11, v59;
	_ =	sdelay $0x1  }
0x2de: {  	[tilespmem:s5+$0xE750] =	vst v11  }
0x2df: {  	v11 =	vld [tilespmem:$0x3FE0]  }
0x2e0: {  	v12 =	vsub.f32 v60, v9  }
0x2e1: {  	v61 =	vld [tilespmem:$0x42E0]  }
0x2e2: {  	v12 =	vmul.f32 v12, v10;
	_ =	sdelay $0x1  }
0x2e3: {  	v11 =	vmul.f32 v12, v11  }
0x2e4: {  	v62 =	vld [tilespmem:s5+$0xE770]  }
0x2e5: {  	v11 =	vadd.f32 v11, v61;
	_ =	sdelay $0x1  }
0x2e6: {  	[tilespmem:s5+$0xE760] =	vst v11  }
0x2e7: {  	v11 =	vld [tilespmem:$0x3FF0]  }
0x2e8: {  	v9 =	vsub.f32 v62, v9  }
0x2e9: {  	v63 =	vld [tilespmem:$0x42F0]  }
0x2ea: {  	v9 =	vmul.f32 v9, v10  }
0x2eb: {  	p0 =	sne.s32 s3, $0xF  }
.Ltmp2:
0x2ec: {  	v9 =	vmul.f32 v9, v11;
	(pc) =	sbr.rel @p0 .LBB2_7-.Ltmp2, $3  }
0x2ed: {  	_ = 	snop  }
0x2ee: {  	v9 =	vadd.f32 v9, v63;
	_ =	sdelay $0x1  }
0x2ef: {  	s4 =	sadd.s32 $0x80, s4;
	s3 =	sadd.s32 $0x1, s3;
	[tilespmem:s5+$0xE770] =	vst v9  }
0x2f0: {  	s3 =	smul.u32 $0x60000, s7;
	_ =	sdelay $0x1  }
0x2f1: {  	s7 =	sadd.s32 $0x1, s7;
	s3 =	sadd.s32 s11, s3  }
0x2f2: {  	p0 =	sne.s32 s7, $0x40;
	s3 =	sshrl.u32 s3, $0x3  }
.Ltmp3:
0x2f3: {  	s3 =	sadd.s32 s8, s3;
	(pc) =	sbr.rel @p0 .LBB2_6-.Ltmp3, $4  }
0x2f4: {  	[hbm4b:s3+s10] =	stream.linear.scatter [tilespmem:s22], [sflag:$0x2], $0x3000, $0x38;
	[tilespmem:$0x10300] =	vst v63  }
0x2f5: {  	_ =	swait.ge [sflag:s17], $0x3000  }
0x2f6: {  	[sflag:s17] =	ssyncset.done $0x0  }
0x2f7: {  	[sflag:s17] =	ssyncadd.s32 $0xFFFFD000  }
0x2f8: {  	s30 =	sadd.s32 $0x1, s30;
	s3 =	rddreg [dreg:$0xa]  }
0x2f9: {  	p0 =	sne.s32 s30, s3  }
.Ltmp4:
0x2fa: {  	_ = 	snop;
	(pc) =	sbr.rel @p0 .LBB2_1-.Ltmp4, $1  }
0x2fb: {  	_ =	sdelay $0x3  }
0x2fc: {  	_ =	sfence.sel $0x180000  }
0x2fd: {  	[bflag:$0x0] =	sbarrier.arrive $0xFFFF  }
0x2fe: {  	_ =	strace $0x90000047  }
0x2ff: {  	s0 =	stileid.u32;
	[bflag:$0x2] =	sbarrier.arrive $0xFFFF  }
0x300: {  	p0 =	sne.s32 s0, $0x0;
	s0 =	rddreg [dreg:$0x8]  }
0x301: {  	s0 =	sadd.s32 @!p0 $0x100000, s0  }
0x302: {  	[sflag:s0] =	ssyncadd.tile.s32 @!p0 $0x1;
	_ =	shalt  }
.Lfunc_end2:
_tile_overlayer_lowered:
.L_overlay_start_2:
0x303: {  	(tag) =	ssettag $0x2  }
0x304: {  	s0 =	rddreg [dreg:$0x0];
	s2 =	stileid.u32  }
0x305: {  	s1 =	rddreg [dreg:$0x1];
	p0 =	sne.s32 s2, $0x0  }
0x306: {  	s3 =	rddreg [dreg:$0x2];
	[bflag:$0x3] =	sbarrier.arrive $0xFFFF;
	s2 =	simm.s32 @!p0 $0x1C02  }
0x307: {  	[timem:s3], [sflag:s2] =	dma.local @!p0 [hbm:s0], s1  }
0x308: {  	s0 =	simm.s32 @!p0 $0x2  }
0x309: {  	_ =	swait.ge @!p0 [sflag:s0], s1  }
0x30a: {  	s1 =	ssub.s32 @!p0 $0x0, s1;
	[sflag:s0] =	ssyncset.done @!p0 $0x0  }
0x30b: {  	[sflag:s0] =	ssyncadd.s32 @!p0 s1  }
0x30c: {  	[bflag:$0x3] =	sbarrier.arrive $0xFFFF  }
0x30d: {  	_ =	shalt  }

</sc_bundles>
